<compile_context>
chip_gen: v7x
topology: tpu7x:2x2x1
jax: 0.10.2.dev20260603
libtpu: 0.0.44.dev20260713+nightly
codegen_flags: <defaults>
</compile_context>

<pallas_src>
import functools

import jax
import jax.numpy as jnp
import numpy as np
from jax import lax
from jax.experimental import pallas as pl
from jax.experimental.pallas import tpu as pltpu
from jax.experimental.pallas import tpu_sc as plsc

_N = 10000
_E = 320000
_D = 128
_H = 8
_DH = 16

_NC = 2
_NS = 16
_NW = _NC * _NS
_EPW = _E // _NW
_BC = 40
_NCHUNK = _EPW // _BC
_NP = 10240
_RPT = _NP // _NS
_ZB = 16


_BN = 1000


def _qkv_body(x_ref, wq_ref, wk_ref, wv_ref, bq_ref, bk_ref, bv_ref,
              q_ref, k_ref, v_ref):
    x = x_ref[...]
    q_ref[...] = jnp.dot(x, wq_ref[...], preferred_element_type=jnp.float32) + bq_ref[...]
    k_ref[...] = (jnp.dot(x, wk_ref[...], preferred_element_type=jnp.float32)
                  + bk_ref[...]) * 0.25
    v_ref[...] = jnp.dot(x, wv_ref[...], preferred_element_type=jnp.float32) + bv_ref[...]


def _qkv(x, wq, wk, wv, bq, bk, bv):
    grid = (_N // _BN,)
    row_spec = pl.BlockSpec((_BN, _D), lambda i: (i, 0))
    full_spec = pl.BlockSpec((_D, _D), lambda i: (0, 0))
    bias_spec = pl.BlockSpec((1, _D), lambda i: (0, 0))
    out = jax.ShapeDtypeStruct((_N, _D), jnp.float32)
    return pl.pallas_call(
        _qkv_body,
        grid=grid,
        in_specs=[row_spec, full_spec, full_spec, full_spec,
                  bias_spec, bias_spec, bias_spec],
        out_specs=[row_spec, row_spec, row_spec],
        out_shape=[out, out, out],
    )(x, wq, wk, wv, bq.reshape(1, _D), bk.reshape(1, _D), bv.reshape(1, _D))




_GDN = lax.GatherDimensionNumbers(offset_dims=(), collapsed_slice_dims=(0,),
                                  start_index_map=(0,))


def _vshuffle(x, idx):
    return lax.gather(x, idx[:, None], _GDN, slice_sizes=(1,),
                      mode=lax.GatherScatterMode.PROMISE_IN_BOUNDS)


def _sc_attn_body(q_hbm, k_hbm, v_hbm, src_hbm, dst_hbm,
                  wv_out, z_out,
                  srcv0, dstv0, srcv1, dstv1,
                  kb0, qb0, vb0, kb1, qb1, vb1, wvb, zbuf,
                  acc_wv, acc_z, rsem0, rsem1):
    cid = lax.axis_index("c")
    sid = lax.axis_index("s")
    zero = jnp.zeros((16,), jnp.float32)
    lane = lax.broadcasted_iota(jnp.int32, (16,), 0)

    srcv = (srcv0, srcv1)
    dstv = (dstv0, dstv1)
    kb = (kb0, kb1)
    qb = (qb0, qb1)
    vb = (vb0, vb1)
    rsem = (rsem0, rsem1)

    def zfill(i, _):
        for j in range(8):
            wvb[i, pl.ds(16 * j, 16)] = zero
        zbuf[i, :] = zero
        return 0
    lax.fori_loop(0, _BC, zfill, 0)

    r0 = sid * _RPT

    def zcopy(j, _):
        pltpu.sync_copy(wvb, acc_wv.at[pl.ds(r0 + j * _BC, _BC)])
        pltpu.sync_copy(zbuf, acc_z.at[pl.ds(r0 + j * _BC, _BC)])
        return 0
    lax.fori_loop(0, _RPT // _BC, zcopy, 0)
    plsc.subcore_barrier()

    base = (cid * _NS + sid) * _EPW

    def issue_rows(b):
        return (pltpu.async_copy(k_hbm.at[srcv[b]], kb[b], rsem[b]),
                pltpu.async_copy(q_hbm.at[dstv[b]], qb[b], rsem[b]),
                pltpu.async_copy(v_hbm.at[srcv[b]], vb[b], rsem[b]))

    def load_idx(g, b):
        off = base + g * _BC
        pltpu.sync_copy(src_hbm.at[pl.ds(off, _BC)], srcv[b])
        pltpu.sync_copy(dst_hbm.at[pl.ds(off, _BC)], dstv[b])

    def compute_scatter(b):
        def edge(e, _):
            zrow = zero
            for hh in range(_H):
                kh = kb[b][e, pl.ds(16 * hh, 16)]
                qh = qb[b][e, pl.ds(16 * hh, 16)]
                sv = kh * qh
                for step in (1, 2, 4, 8):
                    sv = sv + _vshuffle(sv, jnp.bitwise_xor(lane, step))
                sv = jnp.minimum(jnp.maximum(sv, -5.0), 5.0)
                ev = jnp.exp(sv)
                wvb[e, pl.ds(16 * hh, 16)] = ev * vb[b][e, pl.ds(16 * hh, 16)]
                zrow = jnp.where(lane == hh, ev, zrow)
            zbuf[e, :] = zrow
            return 0

        lax.fori_loop(0, _BC, edge, 0)
        pltpu.sync_copy(wvb, acc_wv.at[dstv[b]], add=True)
        pltpu.sync_copy(zbuf, acc_z.at[dstv[b]], add=True)

    load_idx(0, 0)
    for h in issue_rows(0):
        h.wait()

    def pair(go, _):
        for b in range(2):
            g = 2 * go + b
            b1 = 1 - b
            load_idx(g + 1, b1)
            hs = issue_rows(b1)
            compute_scatter(b)
            for h in hs:
                h.wait()
        return 0

    lax.fori_loop(0, (_NCHUNK - 2) // 2, pair, 0)

    load_idx(_NCHUNK - 1, 1)
    hs = issue_rows(1)
    compute_scatter(0)
    for h in hs:
        h.wait()
    compute_scatter(1)
    plsc.subcore_barrier()

    pltpu.sync_copy(acc_wv.at[pl.ds(r0, _RPT)],
                    wv_out.at[cid, pl.ds(r0, _RPT)])
    pltpu.sync_copy(acc_z.at[pl.ds(r0, _RPT)],
                    z_out.at[cid, pl.ds(r0, _RPT)])


@jax.jit
def _sc_attn(q, k, v, src, dst):
    mesh = plsc.VectorSubcoreMesh(core_axis_name="c", subcore_axis_name="s")
    fn = pl.kernel(
        _sc_attn_body,
        out_type=[jax.ShapeDtypeStruct((_NC, _NP, _D), jnp.float32),
                  jax.ShapeDtypeStruct((_NC, _NP, _DH), jnp.float32)],
        mesh=mesh,
        scratch_types=[
            pltpu.VMEM((_BC,), jnp.int32),
            pltpu.VMEM((_BC,), jnp.int32),
            pltpu.VMEM((_BC,), jnp.int32),
            pltpu.VMEM((_BC,), jnp.int32),
            pltpu.VMEM((_BC, _D), jnp.float32),
            pltpu.VMEM((_BC, _D), jnp.float32),
            pltpu.VMEM((_BC, _D), jnp.float32),
            pltpu.VMEM((_BC, _D), jnp.float32),
            pltpu.VMEM((_BC, _D), jnp.float32),
            pltpu.VMEM((_BC, _D), jnp.float32),
            pltpu.VMEM((_BC, _D), jnp.float32),
            pltpu.VMEM((_BC, _DH), jnp.float32),
            pltpu.VMEM_SHARED((_NP, _D), jnp.float32),
            pltpu.VMEM_SHARED((_NP, _DH), jnp.float32),
            pltpu.SemaphoreType.DMA,
            pltpu.SemaphoreType.DMA,
        ],
        compiler_params=pltpu.CompilerParams(use_tc_tiling_on_sc=False),
    )
    return fn(q, k, v, src, dst)




def _post_body(x_ref, wv_ref, z_ref, r_ref, wo_ref, bo_ref, g1_ref, b1_ref,
               w1_ref, bf1_ref, w2_ref, bf2_ref, g2_ref, b2_ref, o_ref):
    wv = wv_ref[0] + wv_ref[1]
    z = z_ref[0] + z_ref[1]
    zexp = jnp.dot(z, r_ref[...], preferred_element_type=jnp.float32)
    h_att = wv / (zexp + 1e-6)
    h_o = jnp.dot(h_att, wo_ref[...], preferred_element_type=jnp.float32) + bo_ref[...]
    h1 = x_ref[...] + h_o
    mu = jnp.mean(h1, axis=-1, keepdims=True)
    var = jnp.mean((h1 - mu) * (h1 - mu), axis=-1, keepdims=True)
    h1 = (h1 - mu) * lax.rsqrt(var + 1e-5) * g1_ref[...] + b1_ref[...]
    hf = jnp.dot(h1, w1_ref[...], preferred_element_type=jnp.float32) + bf1_ref[...]
    hf = jnp.maximum(hf, 0.0)
    hf = jnp.dot(hf, w2_ref[...], preferred_element_type=jnp.float32) + bf2_ref[...]
    h2 = h1 + hf
    mu2 = jnp.mean(h2, axis=-1, keepdims=True)
    var2 = jnp.mean((h2 - mu2) * (h2 - mu2), axis=-1, keepdims=True)
    o_ref[...] = (h2 - mu2) * lax.rsqrt(var2 + 1e-5) * g2_ref[...] + b2_ref[...]


_R_EXPAND = np.zeros((_DH, _D), np.float32)
for _hh in range(_H):
    _R_EXPAND[_hh, _hh * _DH:(_hh + 1) * _DH] = 1.0


def _post(x, wv_parts, z_parts, p):
    grid = (_N // _BN,)
    row_spec = pl.BlockSpec((_BN, _D), lambda i: (i, 0))
    wv_spec = pl.BlockSpec((_NC, _BN, _D), lambda i: (0, i, 0))
    z_spec = pl.BlockSpec((_NC, _BN, _DH), lambda i: (0, i, 0))
    r_spec = pl.BlockSpec((_DH, _D), lambda i: (0, 0))
    d_spec = pl.BlockSpec((_D, _D), lambda i: (0, 0))
    b_spec = pl.BlockSpec((1, _D), lambda i: (0, 0))
    w1_spec = pl.BlockSpec((_D, 2 * _D), lambda i: (0, 0))
    b1_spec = pl.BlockSpec((1, 2 * _D), lambda i: (0, 0))
    w2_spec = pl.BlockSpec((2 * _D, _D), lambda i: (0, 0))
    return pl.pallas_call(
        _post_body,
        grid=grid,
        in_specs=[row_spec, wv_spec, z_spec, r_spec, d_spec, b_spec,
                  b_spec, b_spec, w1_spec, b1_spec, w2_spec, b_spec,
                  b_spec, b_spec],
        out_specs=row_spec,
        out_shape=jax.ShapeDtypeStruct((_N, _D), jnp.float32),
    )(x, wv_parts, z_parts, jnp.asarray(_R_EXPAND),
      p['Wo'], p['bo'].reshape(1, _D), p['g1'].reshape(1, _D),
      p['b1'].reshape(1, _D), p['W1'], p['bf1'].reshape(1, 2 * _D),
      p['W2'], p['bf2'].reshape(1, _D), p['g2'].reshape(1, _D),
      p['b2'].reshape(1, _D))




def kernel(h, edge_index, params):
    src = edge_index[0].astype(jnp.int32)
    dst = edge_index[1].astype(jnp.int32)
    x = h
    for p in params:
        q, k, v = _qkv(x, p['Wq'], p['Wk'], p['Wv'], p['bq'], p['bk'], p['bv'])
        wv_parts, z_parts = _sc_attn(q, k, v, src, dst)
        x = _post(x, wv_parts, z_parts, p)
    return x

# --- scband reference (transcript-rebuilt; emitter-appended) ---
"""Pipeline reference for scband-mp-up-14001593385536 (READ-ONLY COPY).

The authoritative reference and input builder live on the scoring server;
editing this copy changes nothing except your own understanding.
"""

import jax, jax.numpy as jnp
import numpy as np

N = 10000
E = 320000
D = 128
H = 8
DH = D // H
N_LAYERS = 2


def _layer_norm(x, g, b):
    mu = jnp.mean(x, axis=-1, keepdims=True)
    var = jnp.var(x, axis=-1, keepdims=True)
    return (x - mu) / jnp.sqrt(var + 1e-5) * g + b


def _make_layer_params(key):
    ks = jax.random.split(key, 6)
    s = 1.0 / np.sqrt(D)
    return {
        'Wq': jax.random.normal(ks[0], (D, D), jnp.float32) * s,
        'bq': jnp.zeros((D,), jnp.float32),
        'Wk': jax.random.normal(ks[1], (D, D), jnp.float32) * s,
        'bk': jnp.zeros((D,), jnp.float32),
        'Wv': jax.random.normal(ks[2], (D, D), jnp.float32) * s,
        'bv': jnp.zeros((D,), jnp.float32),
        'Wo': jax.random.normal(ks[3], (D, D), jnp.float32) * s,
        'bo': jnp.zeros((D,), jnp.float32),
        'W1': jax.random.normal(ks[4], (D, 2 * D), jnp.float32) * s,
        'bf1': jnp.zeros((2 * D,), jnp.float32),
        'W2': jax.random.normal(ks[5], (2 * D, D), jnp.float32) * (1.0 / np.sqrt(2 * D)),
        'bf2': jnp.zeros((D,), jnp.float32),
        'g1': jnp.ones((D,), jnp.float32),
        'b1': jnp.zeros((D,), jnp.float32),
        'g2': jnp.ones((D,), jnp.float32),
        'b2': jnp.zeros((D,), jnp.float32),
    }


def _gt_layer(h, p, src, dst):
    # GraphTransformerLayer (Dwivedi & Bresson): per-edge dot-product attention
    n = h.shape[0]
    Q = (h @ p['Wq'] + p['bq']).reshape(n, H, DH)
    K = (h @ p['Wk'] + p['bk']).reshape(n, H, DH)
    V = (h @ p['Wv'] + p['bv']).reshape(n, H, DH)
    # gather per edge: K at src, Q at dst
    score = jnp.sum(K[src] * Q[dst], axis=-1) / np.sqrt(DH)  # [E, H]
    score = jnp.exp(jnp.clip(score, -5.0, 5.0))  # scaled_exp with clamp, as in DGL impl
    z = jax.ops.segment_sum(score, dst, num_segments=n)  # [N, H]
    wV = jax.ops.segment_sum(score[:, :, None] * V[src], dst, num_segments=n)  # [N, H, DH]
    h_att = wV / (z[:, :, None] + 1e-6)  # possible_empty guard
    h_att = h_att.reshape(n, D)
    h_o = h_att @ p['Wo'] + p['bo']
    h1 = h + h_o  # residual
    h1 = _layer_norm(h1, p['g1'], p['b1'])
    h_ff = jax.nn.relu(h1 @ p['W1'] + p['bf1']) @ p['W2'] + p['bf2']
    h2 = h1 + h_ff  # residual
    h2 = _layer_norm(h2, p['g2'], p['b2'])
    return h2


def setup_inputs(seed: int = 0) -> dict:
    key = jax.random.key(seed)
    kh, ke = jax.random.split(key)
    h = jax.random.normal(kh, (N, D), jnp.float32)
    edge_index = jax.random.randint(ke, (2, E), 0, N).astype(jnp.int64)
    params = [_make_layer_params(jax.random.fold_in(key, 10 + i)) for i in range(N_LAYERS)]
    return {'h': h, 'edge_index': edge_index, 'params': params}


def reference(h, edge_index, params):
    src = edge_index[0]
    dst = edge_index[1]
    x = h
    for p in params:
        x = _gt_layer(x, p, src, dst)
    return x

if __name__ == "__main__":
    import jax
    _d = setup_inputs()
    print(jax.jit(kernel)(*tuple(_d.values())))

</pallas_src>

<mosaic_0001>
#map = affine_map<(d0, d1) -> (0, 0)>
#map1 = affine_map<(d0, d1) -> (0)>
#map2 = affine_map<(d0, d1) -> (0, 0, 0)>
module attributes {stable_mosaic.version = 14 : i64} {
  func.func @_sc_attn_body(%arg0: i32, %arg1: i32, %arg2: memref<10000x128xf32, #tpu.memory_space<hbm>>, %arg3: memref<10000x128xf32, #tpu.memory_space<hbm>>, %arg4: memref<10000x128xf32, #tpu.memory_space<hbm>>, %arg5: memref<320000xi32, #tpu.memory_space<hbm>>, %arg6: memref<320000xi32, #tpu.memory_space<hbm>>, %arg7: memref<2x10240x128xf32, #tpu.memory_space<hbm>>, %arg8: memref<2x10240x16xf32, #tpu.memory_space<hbm>>, %arg9: memref<40xi32, #tpu.memory_space<vmem>>, %arg10: memref<40xi32, #tpu.memory_space<vmem>>, %arg11: memref<40xi32, #tpu.memory_space<vmem>>, %arg12: memref<40xi32, #tpu.memory_space<vmem>>, %arg13: memref<40x128xf32, #tpu.memory_space<vmem>>, %arg14: memref<40x128xf32, #tpu.memory_space<vmem>>, %arg15: memref<40x128xf32, #tpu.memory_space<vmem>>, %arg16: memref<40x128xf32, #tpu.memory_space<vmem>>, %arg17: memref<40x128xf32, #tpu.memory_space<vmem>>, %arg18: memref<40x128xf32, #tpu.memory_space<vmem>>, %arg19: memref<40x128xf32, #tpu.memory_space<vmem>>, %arg20: memref<40x16xf32, #tpu.memory_space<vmem>>, %arg21: memref<10240x128xf32, #tpu.memory_space<vmem_shared>>, %arg22: memref<10240x16xf32, #tpu.memory_space<vmem_shared>>, %arg23: memref<!tpu.dma_semaphore, #tpu.memory_space<semaphore_mem>>, %arg24: memref<!tpu.dma_semaphore, #tpu.memory_space<semaphore_mem>>) attributes {dimension_semantics = [#tpu.dimension_semantics<core_parallel>, #tpu.dimension_semantics<subcore_parallel>], iteration_bounds = array<i64: 2, 16>, scalar_prefetch = 0 : i64, scratch_operands = 16 : i64, tpu.core_type = #tpu.core_type<sc_vector_subcore>, window_params = [{transform_indices = #map}, {transform_indices = #map}, {transform_indices = #map}, {transform_indices = #map1}, {transform_indices = #map1}, {transform_indices = #map2}, {transform_indices = #map2}]} {
    %broadcast_in_dim3A = arith.constant 0.000000e+00 : f32
    %broadcast_in_dim3A_0 = vector.broadcast %broadcast_in_dim3A : f32 to vector<16xf32>
    %iota3A = tpu.iota {dimensions = array<i32: 0>} : vector<16xi32>
    %scan3A = arith.constant 0 : i32
    %scan3A_1 = arith.constant 0 : i32
    %scan3A_2 = arith.constant 40 : i32
    %scan3A_3 = arith.addi %scan3A_1, %scan3A_2 : i32
    %scan3A_4 = arith.constant 1 : i32
    %scan3A_5 = scf.for %scan3A_79 = %scan3A_1 to %scan3A_3 step %scan3A_4 iter_args(%scan3A_80 = %scan3A) -> (i32)  : i32 {
      %swap3A = arith.index_cast %scan3A_79 : i32 to index
      %swap3A_81 = arith.constant 0 : index
      %swap3A_82 = tpu.vector_load %arg19[%swap3A, %swap3A_81] {strides = array<i32>} : memref<40x128xf32, #tpu.memory_space<vmem>>, vector<1x16xf32>,
      %swap3A_83 = vector.shape_cast %swap3A_82 : vector<1x16xf32> to vector<16xf32>
      %swap3A_84 = vector.shape_cast %broadcast_in_dim3A_0 : vector<16xf32> to vector<1x16xf32>
      tpu.vector_store %arg19[%swap3A, %swap3A_81], %swap3A_84 {strides = array<i32>} : memref<40x128xf32, #tpu.memory_space<vmem>>, vector<1x16xf32>,
      %swap3A_85 = arith.index_cast %scan3A_79 : i32 to index
      %swap3A_86 = arith.constant 16 : index
      %swap3A_87 = tpu.vector_load %arg19[%swap3A_85, %swap3A_86] {strides = array<i32>} : memref<40x128xf32, #tpu.memory_space<vmem>>, vector<1x16xf32>,
      %swap3A_88 = vector.shape_cast %swap3A_87 : vector<1x16xf32> to vector<16xf32>
      %swap3A_89 = vector.shape_cast %broadcast_in_dim3A_0 : vector<16xf32> to vector<1x16xf32>
      tpu.vector_store %arg19[%swap3A_85, %swap3A_86], %swap3A_89 {strides = array<i32>} : memref<40x128xf32, #tpu.memory_space<vmem>>, vector<1x16xf32>,
      %swap3A_90 = arith.index_cast %scan3A_79 : i32 to index
      %swap3A_91 = arith.constant 32 : index
      %swap3A_92 = tpu.vector_load %arg19[%swap3A_90, %swap3A_91] {strides = array<i32>} : memref<40x128xf32, #tpu.memory_space<vmem>>, vector<1x16xf32>,
      %swap3A_93 = vector.shape_cast %swap3A_92 : vector<1x16xf32> to vector<16xf32>
      %swap3A_94 = vector.shape_cast %broadcast_in_dim3A_0 : vector<16xf32> to vector<1x16xf32>
      tpu.vector_store %arg19[%swap3A_90, %swap3A_91], %swap3A_94 {strides = array<i32>} : memref<40x128xf32, #tpu.memory_space<vmem>>, vector<1x16xf32>,
      %swap3A_95 = arith.index_cast %scan3A_79 : i32 to index
      %swap3A_96 = arith.constant 48 : index
      %swap3A_97 = tpu.vector_load %arg19[%swap3A_95, %swap3A_96] {strides = array<i32>} : memref<40x128xf32, #tpu.memory_space<vmem>>, vector<1x16xf32>,
      %swap3A_98 = vector.shape_cast %swap3A_97 : vector<1x16xf32> to vector<16xf32>
      %swap3A_99 = vector.shape_cast %broadcast_in_dim3A_0 : vector<16xf32> to vector<1x16xf32>
      tpu.vector_store %arg19[%swap3A_95, %swap3A_96], %swap3A_99 {strides = array<i32>} : memref<40x128xf32, #tpu.memory_space<vmem>>, vector<1x16xf32>,
      %swap3A_100 = arith.index_cast %scan3A_79 : i32 to index
      %swap3A_101 = arith.constant 64 : index
      %swap3A_102 = tpu.vector_load %arg19[%swap3A_100, %swap3A_101] {strides = array<i32>} : memref<40x128xf32, #tpu.memory_space<vmem>>, vector<1x16xf32>,
      %swap3A_103 = vector.shape_cast %swap3A_102 : vector<1x16xf32> to vector<16xf32>
      %swap3A_104 = vector.shape_cast %broadcast_in_dim3A_0 : vector<16xf32> to vector<1x16xf32>
      tpu.vector_store %arg19[%swap3A_100, %swap3A_101], %swap3A_104 {strides = array<i32>} : memref<40x128xf32, #tpu.memory_space<vmem>>, vector<1x16xf32>,
      %swap3A_105 = arith.index_cast %scan3A_79 : i32 to index
      %swap3A_106 = arith.constant 80 : index
      %swap3A_107 = tpu.vector_load %arg19[%swap3A_105, %swap3A_106] {strides = array<i32>} : memref<40x128xf32, #tpu.memory_space<vmem>>, vector<1x16xf32>,
      %swap3A_108 = vector.shape_cast %swap3A_107 : vector<1x16xf32> to vector<16xf32>
      %swap3A_109 = vector.shape_cast %broadcast_in_dim3A_0 : vector<16xf32> to vector<1x16xf32>
      tpu.vector_store %arg19[%swap3A_105, %swap3A_106], %swap3A_109 {strides = array<i32>} : memref<40x128xf32, #tpu.memory_space<vmem>>, vector<1x16xf32>,
      %swap3A_110 = arith.index_cast %scan3A_79 : i32 to index
      %swap3A_111 = arith.constant 96 : index
      %swap3A_112 = tpu.vector_load %arg19[%swap3A_110, %swap3A_111] {strides = array<i32>} : memref<40x128xf32, #tpu.memory_space<vmem>>, vector<1x16xf32>,
      %swap3A_113 = vector.shape_cast %swap3A_112 : vector<1x16xf32> to vector<16xf32>
      %swap3A_114 = vector.shape_cast %broadcast_in_dim3A_0 : vector<16xf32> to vector<1x16xf32>
      tpu.vector_store %arg19[%swap3A_110, %swap3A_111], %swap3A_114 {strides = array<i32>} : memref<40x128xf32, #tpu.memory_space<vmem>>, vector<1x16xf32>,
      %swap3A_115 = arith.index_cast %scan3A_79 : i32 to index
      %swap3A_116 = arith.constant 112 : index
      %swap3A_117 = tpu.vector_load %arg19[%swap3A_115, %swap3A_116] {strides = array<i32>} : memref<40x128xf32, #tpu.memory_space<vmem>>, vector<1x16xf32>,
      %swap3A_118 = vector.shape_cast %swap3A_117 : vector<1x16xf32> to vector<16xf32>
      %swap3A_119 = vector.shape_cast %broadcast_in_dim3A_0 : vector<16xf32> to vector<1x16xf32>
      tpu.vector_store %arg19[%swap3A_115, %swap3A_116], %swap3A_119 {strides = array<i32>} : memref<40x128xf32, #tpu.memory_space<vmem>>, vector<1x16xf32>,
      %swap3A_120 = arith.index_cast %scan3A_79 : i32 to index
      %swap3A_121 = arith.constant 0 : index
      %swap3A_122 = tpu.vector_load %arg20[%swap3A_120, %swap3A_121] {strides = array<i32>} : memref<40x16xf32, #tpu.memory_space<vmem>>, vector<1x16xf32>,
      %swap3A_123 = vector.shape_cast %swap3A_122 : vector<1x16xf32> to vector<16xf32>
      %swap3A_124 = vector.shape_cast %broadcast_in_dim3A_0 : vector<16xf32> to vector<1x16xf32>
      tpu.vector_store %arg20[%swap3A_120, %swap3A_121], %swap3A_124 {strides = array<i32>} : memref<40x16xf32, #tpu.memory_space<vmem>>, vector<1x16xf32>,
      %scan3A_125 = arith.constant 0 : i32
      scf.yield %scan3A_125 : i32
    }
    %scan3A_6 = arith.constant 40 : i32
    %mul3A = arith.constant 640 : i32
    %mul3A_7 = arith.muli %arg1, %mul3A : i32
    %scan3A_8 = arith.constant 0 : i32
    %scan3A_9 = arith.constant 0 : i32
    %scan3A_10 = arith.constant 16 : i32
    %scan3A_11 = arith.addi %scan3A_9, %scan3A_10 : i32
    %scan3A_12 = arith.constant 1 : i32
    %scan3A_13 = scf.for %scan3A_79 = %scan3A_9 to %scan3A_11 step %scan3A_12 iter_args(%scan3A_80 = %scan3A_8) -> (i32)  : i32 {
      %mul3A_81 = arith.constant 40 : i32
      %mul3A_82 = arith.muli %scan3A_79, %mul3A_81 : i32
      %add3A_83 = arith.addi %mul3A_7, %mul3A_82 : i32
      "tpu.region"() ({
        %run_scoped3A = tpu.sem_alloc : memref<!tpu.dma_semaphore, #tpu.memory_space<semaphore_mem>>
        %dma_start3A_88 = arith.constant 0 : i32
        %dma_start3A_89 = tpu.memref_slice %arg21[%add3A_83, %dma_start3A_88] : memref<10240x128xf32, #tpu.memory_space<vmem_shared>> -> memref<40x128xf32, #tpu.memory_space<vmem_shared>>
        %dma_start3A_90 = arith.constant 0 : i32
        %dma_start3A_91 = tpu.memref_slice %arg21[%add3A_83, %dma_start3A_90] : memref<10240x128xf32, #tpu.memory_space<vmem_shared>> -> memref<40x128xf32, #tpu.memory_space<vmem_shared>>
        tpu.enqueue_dma source(%arg19 : memref<40x128xf32, #tpu.memory_space<vmem>>) target(%dma_start3A_91 : memref<40x128xf32, #tpu.memory_space<vmem_shared>>) target_semaphore(%run_scoped3A : memref<!tpu.dma_semaphore, #tpu.memory_space<semaphore_mem>>)
        %dma_wait3A_92 = arith.constant 0 : i32
        %dma_wait3A_93 = tpu.memref_slice %arg21[%add3A_83, %dma_wait3A_92] : memref<10240x128xf32, #tpu.memory_space<vmem_shared>> -> memref<40x128xf32, #tpu.memory_space<vmem_shared>>
        %dma_wait3A_94 = arith.constant 0 : i32
        %dma_wait3A_95 = tpu.memref_slice %arg21[%add3A_83, %dma_wait3A_94] : memref<10240x128xf32, #tpu.memory_space<vmem_shared>> -> memref<40x128xf32, #tpu.memory_space<vmem_shared>>
        tpu.wait_dma2 semaphore(%run_scoped3A : memref<!tpu.dma_semaphore, #tpu.memory_space<semaphore_mem>>) src(%arg19 : memref<40x128xf32, #tpu.memory_space<vmem>>) dst(%dma_wait3A_95 : memref<40x128xf32, #tpu.memory_space<vmem_shared>>)
        tpu.yield
      }) : () -> ()
      %mul3A_84 = arith.constant 40 : i32
      %mul3A_85 = arith.muli %scan3A_79, %mul3A_84 : i32
      %add3A_86 = arith.addi %mul3A_7, %mul3A_85 : i32
      "tpu.region"() ({
        %run_scoped3A = tpu.sem_alloc : memref<!tpu.dma_semaphore, #tpu.memory_space<semaphore_mem>>
        %dma_start3A_88 = arith.constant 0 : i32
        %dma_start3A_89 = tpu.memref_slice %arg22[%add3A_86, %dma_start3A_88] : memref<10240x16xf32, #tpu.memory_space<vmem_shared>> -> memref<40x16xf32, #tpu.memory_space<vmem_shared>>
        %dma_start3A_90 = arith.constant 0 : i32
        %dma_start3A_91 = tpu.memref_slice %arg22[%add3A_86, %dma_start3A_90] : memref<10240x16xf32, #tpu.memory_space<vmem_shared>> -> memref<40x16xf32, #tpu.memory_space<vmem_shared>>
        tpu.enqueue_dma source(%arg20 : memref<40x16xf32, #tpu.memory_space<vmem>>) target(%dma_start3A_91 : memref<40x16xf32, #tpu.memory_space<vmem_shared>>) target_semaphore(%run_scoped3A : memref<!tpu.dma_semaphore, #tpu.memory_space<semaphore_mem>>)
        %dma_wait3A_92 = arith.constant 0 : i32
        %dma_wait3A_93 = tpu.memref_slice %arg22[%add3A_86, %dma_wait3A_92] : memref<10240x16xf32, #tpu.memory_space<vmem_shared>> -> memref<40x16xf32, #tpu.memory_space<vmem_shared>>
        %dma_wait3A_94 = arith.constant 0 : i32
        %dma_wait3A_95 = tpu.memref_slice %arg22[%add3A_86, %dma_wait3A_94] : memref<10240x16xf32, #tpu.memory_space<vmem_shared>> -> memref<40x16xf32, #tpu.memory_space<vmem_shared>>
        tpu.wait_dma2 semaphore(%run_scoped3A : memref<!tpu.dma_semaphore, #tpu.memory_space<semaphore_mem>>) src(%arg20 : memref<40x16xf32, #tpu.memory_space<vmem>>) dst(%dma_wait3A_95 : memref<40x16xf32, #tpu.memory_space<vmem_shared>>)
        tpu.yield
      }) : () -> ()
      %scan3A_87 = arith.constant 0 : i32
      scf.yield %scan3A_87 : i32
    }
    %scan3A_14 = arith.constant 16 : i32
    %barrier3A = arith.constant 0 : index
    tpu.barrier barrier_id(%barrier3A)
    %mul3A_15 = arith.constant 16 : i32
    %mul3A_16 = arith.muli %arg0, %mul3A_15 : i32
    %add3A = arith.addi %mul3A_16, %arg1 : i32
    %mul3A_17 = arith.constant 10000 : i32
    %mul3A_18 = arith.muli %add3A, %mul3A_17 : i32
    %add3A_19 = arith.constant 0 : i32
    %add3A_20 = arith.addi %mul3A_18, %add3A_19 : i32
    "tpu.region"() ({
      %run_scoped3A = tpu.sem_alloc : memref<!tpu.dma_semaphore, #tpu.memory_space<semaphore_mem>>
      %dma_start3A_79 = tpu.memref_slice %arg5[%add3A_20] : memref<320000xi32, #tpu.memory_space<hbm>> -> memref<40xi32, #tpu.memory_space<hbm>>
      %dma_start3A_80 = tpu.memref_slice %arg5[%add3A_20] : memref<320000xi32, #tpu.memory_space<hbm>> -> memref<40xi32, #tpu.memory_space<hbm>>
      tpu.enqueue_dma source(%dma_start3A_80 : memref<40xi32, #tpu.memory_space<hbm>>) target(%arg9 : memref<40xi32, #tpu.memory_space<vmem>>) target_semaphore(%run_scoped3A : memref<!tpu.dma_semaphore, #tpu.memory_space<semaphore_mem>>)
      %dma_wait3A_81 = tpu.memref_slice %arg5[%add3A_20] : memref<320000xi32, #tpu.memory_space<hbm>> -> memref<40xi32, #tpu.memory_space<hbm>>
      %dma_wait3A_82 = tpu.memref_slice %arg5[%add3A_20] : memref<320000xi32, #tpu.memory_space<hbm>> -> memref<40xi32, #tpu.memory_space<hbm>>
      tpu.wait_dma2 semaphore(%run_scoped3A : memref<!tpu.dma_semaphore, #tpu.memory_space<semaphore_mem>>) src(%dma_wait3A_82 : memref<40xi32, #tpu.memory_space<hbm>>) dst(%arg9 : memref<40xi32, #tpu.memory_space<vmem>>)
      tpu.yield
    }) : () -> ()
    "tpu.region"() ({
      %run_scoped3A = tpu.sem_alloc : memref<!tpu.dma_semaphore, #tpu.memory_space<semaphore_mem>>
      %dma_start3A_79 = tpu.memref_slice %arg6[%add3A_20] : memref<320000xi32, #tpu.memory_space<hbm>> -> memref<40xi32, #tpu.memory_space<hbm>>
      %dma_start3A_80 = tpu.memref_slice %arg6[%add3A_20] : memref<320000xi32, #tpu.memory_space<hbm>> -> memref<40xi32, #tpu.memory_space<hbm>>
      tpu.enqueue_dma source(%dma_start3A_80 : memref<40xi32, #tpu.memory_space<hbm>>) target(%arg10 : memref<40xi32, #tpu.memory_space<vmem>>) target_semaphore(%run_scoped3A : memref<!tpu.dma_semaphore, #tpu.memory_space<semaphore_mem>>)
      %dma_wait3A_81 = tpu.memref_slice %arg6[%add3A_20] : memref<320000xi32, #tpu.memory_space<hbm>> -> memref<40xi32, #tpu.memory_space<hbm>>
      %dma_wait3A_82 = tpu.memref_slice %arg6[%add3A_20] : memref<320000xi32, #tpu.memory_space<hbm>> -> memref<40xi32, #tpu.memory_space<hbm>>
      tpu.wait_dma2 semaphore(%run_scoped3A : memref<!tpu.dma_semaphore, #tpu.memory_space<semaphore_mem>>) src(%dma_wait3A_82 : memref<40xi32, #tpu.memory_space<hbm>>) dst(%arg10 : memref<40xi32, #tpu.memory_space<vmem>>)
      tpu.yield
    }) : () -> ()
    %dma_start3A = arith.constant 0 : i32
    %dma_start3A_21 = arith.constant 0 : i32
    %dma_start3A_22 = tpu.memref_slice %arg3[%dma_start3A, %dma_start3A_21] : memref<10000x128xf32, #tpu.memory_space<hbm>> -> memref<10000x128xf32, #tpu.memory_space<hbm>>
    tpu.enqueue_indirect_dma source(%dma_start3A_22 : memref<10000x128xf32, #tpu.memory_space<hbm>>) target(%arg13 : memref<40x128xf32, #tpu.memory_space<vmem>>) offsets(%arg9 : memref<40xi32, #tpu.memory_space<vmem>>) semaphore(%arg23 : memref<!tpu.dma_semaphore, #tpu.memory_space<semaphore_mem>>)
    %dma_start3A_23 = arith.constant 0 : i32
    %dma_start3A_24 = arith.constant 0 : i32
    %dma_start3A_25 = tpu.memref_slice %arg2[%dma_start3A_23, %dma_start3A_24] : memref<10000x128xf32, #tpu.memory_space<hbm>> -> memref<10000x128xf32, #tpu.memory_space<hbm>>
    tpu.enqueue_indirect_dma source(%dma_start3A_25 : memref<10000x128xf32, #tpu.memory_space<hbm>>) target(%arg14 : memref<40x128xf32, #tpu.memory_space<vmem>>) offsets(%arg10 : memref<40xi32, #tpu.memory_space<vmem>>) semaphore(%arg23 : memref<!tpu.dma_semaphore, #tpu.memory_space<semaphore_mem>>)
    %dma_start3A_26 = arith.constant 0 : i32
    %dma_start3A_27 = arith.constant 0 : i32
    %dma_start3A_28 = tpu.memref_slice %arg4[%dma_start3A_26, %dma_start3A_27] : memref<10000x128xf32, #tpu.memory_space<hbm>> -> memref<10000x128xf32, #tpu.memory_space<hbm>>
    tpu.enqueue_indirect_dma source(%dma_start3A_28 : memref<10000x128xf32, #tpu.memory_space<hbm>>) target(%arg15 : memref<40x128xf32, #tpu.memory_space<vmem>>) offsets(%arg9 : memref<40xi32, #tpu.memory_space<vmem>>) semaphore(%arg23 : memref<!tpu.dma_semaphore, #tpu.memory_space<semaphore_mem>>)
    %dma_wait3A = arith.constant 0 : i32
    %dma_wait3A_29 = arith.constant 0 : i32
    %dma_wait3A_30 = tpu.memref_slice %arg3[%dma_wait3A, %dma_wait3A_29] : memref<10000x128xf32, #tpu.memory_space<hbm>> -> memref<10000x128xf32, #tpu.memory_space<hbm>>
    tpu.wait_indirect_dma semaphore(%arg23 : memref<!tpu.dma_semaphore, #tpu.memory_space<semaphore_mem>>) src(%dma_wait3A_30 : memref<10000x128xf32, #tpu.memory_space<hbm>>) dst(%arg13 : memref<40x128xf32, #tpu.memory_space<vmem>>)
    %dma_wait3A_31 = arith.constant 0 : i32
    %dma_wait3A_32 = arith.constant 0 : i32
    %dma_wait3A_33 = tpu.memref_slice %arg2[%dma_wait3A_31, %dma_wait3A_32] : memref<10000x128xf32, #tpu.memory_space<hbm>> -> memref<10000x128xf32, #tpu.memory_space<hbm>>
    tpu.wait_indirect_dma semaphore(%arg23 : memref<!tpu.dma_semaphore, #tpu.memory_space<semaphore_mem>>) src(%dma_wait3A_33 : memref<10000x128xf32, #tpu.memory_space<hbm>>) dst(%arg14 : memref<40x128xf32, #tpu.memory_space<vmem>>)
    %dma_wait3A_34 = arith.constant 0 : i32
    %dma_wait3A_35 = arith.constant 0 : i32
    %dma_wait3A_36 = tpu.memref_slice %arg4[%dma_wait3A_34, %dma_wait3A_35] : memref<10000x128xf32, #tpu.memory_space<hbm>> -> memref<10000x128xf32, #tpu.memory_space<hbm>>
    tpu.wait_indirect_dma semaphore(%arg23 : memref<!tpu.dma_semaphore, #tpu.memory_space<semaphore_mem>>) src(%dma_wait3A_36 : memref<10000x128xf32, #tpu.memory_space<hbm>>) dst(%arg15 : memref<40x128xf32, #tpu.memory_space<vmem>>)
    %scan3A_37 = arith.constant 0 : i32
    %scan3A_38 = arith.constant 0 : i32
    %scan3A_39 = arith.constant 124 : i32
    %scan3A_40 = arith.addi %scan3A_38, %scan3A_39 : i32
    %scan3A_41 = arith.constant 1 : i32
    %scan3A_42 = scf.for %scan3A_79 = %scan3A_38 to %scan3A_40 step %scan3A_41 iter_args(%scan3A_80 = %scan3A_37) -> (i32)  : i32 {
      %mul3A_81 = arith.constant 2 : i32
      %mul3A_82 = arith.muli %mul3A_81, %scan3A_79 : i32
      %add3A_83 = arith.constant 0 : i32
      %add3A_84 = arith.addi %mul3A_82, %add3A_83 : i32
      %add3A_85 = arith.constant 1 : i32
      %add3A_86 = arith.addi %add3A_84, %add3A_85 : i32
      %mul3A_87 = arith.constant 40 : i32
      %mul3A_88 = arith.muli %add3A_86, %mul3A_87 : i32
      %add3A_89 = arith.addi %mul3A_18, %mul3A_88 : i32
      "tpu.region"() ({
        %run_scoped3A = tpu.sem_alloc : memref<!tpu.dma_semaphore, #tpu.memory_space<semaphore_mem>>
        %dma_start3A_150 = tpu.memref_slice %arg5[%add3A_89] : memref<320000xi32, #tpu.memory_space<hbm>> -> memref<40xi32, #tpu.memory_space<hbm>>
        %dma_start3A_151 = tpu.memref_slice %arg5[%add3A_89] : memref<320000xi32, #tpu.memory_space<hbm>> -> memref<40xi32, #tpu.memory_space<hbm>>
        tpu.enqueue_dma source(%dma_start3A_151 : memref<40xi32, #tpu.memory_space<hbm>>) target(%arg11 : memref<40xi32, #tpu.memory_space<vmem>>) target_semaphore(%run_scoped3A : memref<!tpu.dma_semaphore, #tpu.memory_space<semaphore_mem>>)
        %dma_wait3A_152 = tpu.memref_slice %arg5[%add3A_89] : memref<320000xi32, #tpu.memory_space<hbm>> -> memref<40xi32, #tpu.memory_space<hbm>>
        %dma_wait3A_153 = tpu.memref_slice %arg5[%add3A_89] : memref<320000xi32, #tpu.memory_space<hbm>> -> memref<40xi32, #tpu.memory_space<hbm>>
        tpu.wait_dma2 semaphore(%run_scoped3A : memref<!tpu.dma_semaphore, #tpu.memory_space<semaphore_mem>>) src(%dma_wait3A_153 : memref<40xi32, #tpu.memory_space<hbm>>) dst(%arg11 : memref<40xi32, #tpu.memory_space<vmem>>)
        tpu.yield
      }) : () -> ()
      "tpu.region"() ({
        %run_scoped3A = tpu.sem_alloc : memref<!tpu.dma_semaphore, #tpu.memory_space<semaphore_mem>>
        %dma_start3A_150 = tpu.memref_slice %arg6[%add3A_89] : memref<320000xi32, #tpu.memory_space<hbm>> -> memref<40xi32, #tpu.memory_space<hbm>>
        %dma_start3A_151 = tpu.memref_slice %arg6[%add3A_89] : memref<320000xi32, #tpu.memory_space<hbm>> -> memref<40xi32, #tpu.memory_space<hbm>>
        tpu.enqueue_dma source(%dma_start3A_151 : memref<40xi32, #tpu.memory_space<hbm>>) target(%arg12 : memref<40xi32, #tpu.memory_space<vmem>>) target_semaphore(%run_scoped3A : memref<!tpu.dma_semaphore, #tpu.memory_space<semaphore_mem>>)
        %dma_wait3A_152 = tpu.memref_slice %arg6[%add3A_89] : memref<320000xi32, #tpu.memory_space<hbm>> -> memref<40xi32, #tpu.memory_space<hbm>>
        %dma_wait3A_153 = tpu.memref_slice %arg6[%add3A_89] : memref<320000xi32, #tpu.memory_space<hbm>> -> memref<40xi32, #tpu.memory_space<hbm>>
        tpu.wait_dma2 semaphore(%run_scoped3A : memref<!tpu.dma_semaphore, #tpu.memory_space<semaphore_mem>>) src(%dma_wait3A_153 : memref<40xi32, #tpu.memory_space<hbm>>) dst(%arg12 : memref<40xi32, #tpu.memory_space<vmem>>)
        tpu.yield
      }) : () -> ()
      %dma_start3A_90 = arith.constant 0 : i32
      %dma_start3A_91 = arith.constant 0 : i32
      %dma_start3A_92 = tpu.memref_slice %arg3[%dma_start3A_90, %dma_start3A_91] : memref<10000x128xf32, #tpu.memory_space<hbm>> -> memref<10000x128xf32, #tpu.memory_space<hbm>>
      tpu.enqueue_indirect_dma source(%dma_start3A_92 : memref<10000x128xf32, #tpu.memory_space<hbm>>) target(%arg16 : memref<40x128xf32, #tpu.memory_space<vmem>>) offsets(%arg11 : memref<40xi32, #tpu.memory_space<vmem>>) semaphore(%arg24 : memref<!tpu.dma_semaphore, #tpu.memory_space<semaphore_mem>>)
      %dma_start3A_93 = arith.constant 0 : i32
      %dma_start3A_94 = arith.constant 0 : i32
      %dma_start3A_95 = tpu.memref_slice %arg2[%dma_start3A_93, %dma_start3A_94] : memref<10000x128xf32, #tpu.memory_space<hbm>> -> memref<10000x128xf32, #tpu.memory_space<hbm>>
      tpu.enqueue_indirect_dma source(%dma_start3A_95 : memref<10000x128xf32, #tpu.memory_space<hbm>>) target(%arg17 : memref<40x128xf32, #tpu.memory_space<vmem>>) offsets(%arg12 : memref<40xi32, #tpu.memory_space<vmem>>) semaphore(%arg24 : memref<!tpu.dma_semaphore, #tpu.memory_space<semaphore_mem>>)
      %dma_start3A_96 = arith.constant 0 : i32
      %dma_start3A_97 = arith.constant 0 : i32
      %dma_start3A_98 = tpu.memref_slice %arg4[%dma_start3A_96, %dma_start3A_97] : memref<10000x128xf32, #tpu.memory_space<hbm>> -> memref<10000x128xf32, #tpu.memory_space<hbm>>
      tpu.enqueue_indirect_dma source(%dma_start3A_98 : memref<10000x128xf32, #tpu.memory_space<hbm>>) target(%arg18 : memref<40x128xf32, #tpu.memory_space<vmem>>) offsets(%arg11 : memref<40xi32, #tpu.memory_space<vmem>>) semaphore(%arg24 : memref<!tpu.dma_semaphore, #tpu.memory_space<semaphore_mem>>)
      %scan3A_99 = arith.constant 0 : i32
      %scan3A_100 = arith.constant 0 : i32
      %scan3A_101 = arith.constant 40 : i32
      %scan3A_102 = arith.addi %scan3A_100, %scan3A_101 : i32
      %scan3A_103 = arith.constant 1 : i32
      %scan3A_104 = scf.for %scan3A_150 = %scan3A_100 to %scan3A_102 step %scan3A_103 iter_args(%scan3A_151 = %scan3A_99) -> (i32)  : i32 {
        %get3A = arith.index_cast %scan3A_150 : i32 to index
        %get3A_152 = arith.constant 0 : index
        %get3A_153 = tpu.vector_load %arg13[%get3A, %get3A_152] {strides = array<i32>} : memref<40x128xf32, #tpu.memory_space<vmem>>, vector<1x16xf32>,
        %get3A_154 = vector.shape_cast %get3A_153 : vector<1x16xf32> to vector<16xf32>
        %get3A_155 = arith.index_cast %scan3A_150 : i32 to index
        %get3A_156 = arith.constant 0 : index
        %get3A_157 = tpu.vector_load %arg14[%get3A_155, %get3A_156] {strides = array<i32>} : memref<40x128xf32, #tpu.memory_space<vmem>>, vector<1x16xf32>,
        %get3A_158 = vector.shape_cast %get3A_157 : vector<1x16xf32> to vector<16xf32>
        %mul3A_159 = arith.mulf %get3A_154, %get3A_158 : vector<16xf32>
        %xor3A = arith.constant 1 : i32
        %xor3A_160 = vector.broadcast %xor3A : i32 to vector<16xi32>
        %xor3A_161 = arith.xori %iota3A, %xor3A_160 : vector<16xi32>
        %broadcast_in_dim3A_162 = vector.shape_cast %xor3A_161 : vector<16xi32> to vector<16x1xi32>
        %gather3A = vector.shape_cast %broadcast_in_dim3A_162 : vector<16x1xi32> to vector<16xi32>
        %gather3A_163 = tpu.dynamic_gather %mul3A_159[%gather3A] in [0] : vector<16xf32>, vector<16xi32> -> vector<16xf32>
        %add3A_164 = arith.addf %mul3A_159, %gather3A_163 : vector<16xf32>
        %xor3A_165 = arith.constant 2 : i32
        %xor3A_166 = vector.broadcast %xor3A_165 : i32 to vector<16xi32>
        %xor3A_167 = arith.xori %iota3A, %xor3A_166 : vector<16xi32>
        %broadcast_in_dim3A_168 = vector.shape_cast %xor3A_167 : vector<16xi32> to vector<16x1xi32>
        %gather3A_169 = vector.shape_cast %broadcast_in_dim3A_168 : vector<16x1xi32> to vector<16xi32>
        %gather3A_170 = tpu.dynamic_gather %add3A_164[%gather3A_169] in [0] : vector<16xf32>, vector<16xi32> -> vector<16xf32>
        %add3A_171 = arith.addf %add3A_164, %gather3A_170 : vector<16xf32>
        %xor3A_172 = arith.constant 4 : i32
        %xor3A_173 = vector.broadcast %xor3A_172 : i32 to vector<16xi32>
        %xor3A_174 = arith.xori %iota3A, %xor3A_173 : vector<16xi32>
        %broadcast_in_dim3A_175 = vector.shape_cast %xor3A_174 : vector<16xi32> to vector<16x1xi32>
        %gather3A_176 = vector.shape_cast %broadcast_in_dim3A_175 : vector<16x1xi32> to vector<16xi32>
        %gather3A_177 = tpu.dynamic_gather %add3A_171[%gather3A_176] in [0] : vector<16xf32>, vector<16xi32> -> vector<16xf32>
        %add3A_178 = arith.addf %add3A_171, %gather3A_177 : vector<16xf32>
        %xor3A_179 = arith.constant 8 : i32
        %xor3A_180 = vector.broadcast %xor3A_179 : i32 to vector<16xi32>
        %xor3A_181 = arith.xori %iota3A, %xor3A_180 : vector<16xi32>
        %broadcast_in_dim3A_182 = vector.shape_cast %xor3A_181 : vector<16xi32> to vector<16x1xi32>
        %gather3A_183 = vector.shape_cast %broadcast_in_dim3A_182 : vector<16x1xi32> to vector<16xi32>
        %gather3A_184 = tpu.dynamic_gather %add3A_178[%gather3A_183] in [0] : vector<16xf32>, vector<16xi32> -> vector<16xf32>
        %add3A_185 = arith.addf %add3A_178, %gather3A_184 : vector<16xf32>
        %max3A = arith.constant -5.000000e+00 : f32
        %max3A_186 = vector.broadcast %max3A : f32 to vector<16xf32>
        %max3A_187 = arith.maximumf %add3A_185, %max3A_186 : vector<16xf32>
        %min3A = arith.constant 5.000000e+00 : f32
        %min3A_188 = vector.broadcast %min3A : f32 to vector<16xf32>
        %min3A_189 = arith.minimumf %max3A_187, %min3A_188 : vector<16xf32>
        %exp3A = math.exp %min3A_189 : vector<16xf32>
        %get3A_190 = arith.index_cast %scan3A_150 : i32 to index
        %get3A_191 = arith.constant 0 : index
        %get3A_192 = tpu.vector_load %arg15[%get3A_190, %get3A_191] {strides = array<i32>} : memref<40x128xf32, #tpu.memory_space<vmem>>, vector<1x16xf32>,
        %get3A_193 = vector.shape_cast %get3A_192 : vector<1x16xf32> to vector<16xf32>
        %mul3A_194 = arith.mulf %exp3A, %get3A_193 : vector<16xf32>
        %swap3A = arith.index_cast %scan3A_150 : i32 to index
        %swap3A_195 = arith.constant 0 : index
        %swap3A_196 = tpu.vector_load %arg19[%swap3A, %swap3A_195] {strides = array<i32>} : memref<40x128xf32, #tpu.memory_space<vmem>>, vector<1x16xf32>,
        %swap3A_197 = vector.shape_cast %swap3A_196 : vector<1x16xf32> to vector<16xf32>
        %swap3A_198 = vector.shape_cast %mul3A_194 : vector<16xf32> to vector<1x16xf32>
        tpu.vector_store %arg19[%swap3A, %swap3A_195], %swap3A_198 {strides = array<i32>} : memref<40x128xf32, #tpu.memory_space<vmem>>, vector<1x16xf32>,
        %eq3A = arith.constant 0 : i32
        %eq3A_199 = vector.broadcast %eq3A : i32 to vector<16xi32>
        %eq3A_200 = arith.cmpi eq, %iota3A, %eq3A_199 : vector<16xi32>
        %select_n3A = arith.select %eq3A_200, %exp3A, %broadcast_in_dim3A_0 : vector<16xi1>, vector<16xf32>
        %get3A_201 = arith.index_cast %scan3A_150 : i32 to index
        %get3A_202 = arith.constant 16 : index
        %get3A_203 = tpu.vector_load %arg13[%get3A_201, %get3A_202] {strides = array<i32>} : memref<40x128xf32, #tpu.memory_space<vmem>>, vector<1x16xf32>,
        %get3A_204 = vector.shape_cast %get3A_203 : vector<1x16xf32> to vector<16xf32>
        %get3A_205 = arith.index_cast %scan3A_150 : i32 to index
        %get3A_206 = arith.constant 16 : index
        %get3A_207 = tpu.vector_load %arg14[%get3A_205, %get3A_206] {strides = array<i32>} : memref<40x128xf32, #tpu.memory_space<vmem>>, vector<1x16xf32>,
        %get3A_208 = vector.shape_cast %get3A_207 : vector<1x16xf32> to vector<16xf32>
        %mul3A_209 = arith.mulf %get3A_204, %get3A_208 : vector<16xf32>
        %xor3A_210 = arith.constant 1 : i32
        %xor3A_211 = vector.broadcast %xor3A_210 : i32 to vector<16xi32>
        %xor3A_212 = arith.xori %iota3A, %xor3A_211 : vector<16xi32>
        %broadcast_in_dim3A_213 = vector.shape_cast %xor3A_212 : vector<16xi32> to vector<16x1xi32>
        %gather3A_214 = vector.shape_cast %broadcast_in_dim3A_213 : vector<16x1xi32> to vector<16xi32>
        %gather3A_215 = tpu.dynamic_gather %mul3A_209[%gather3A_214] in [0] : vector<16xf32>, vector<16xi32> -> vector<16xf32>
        %add3A_216 = arith.addf %mul3A_209, %gather3A_215 : vector<16xf32>
        %xor3A_217 = arith.constant 2 : i32
        %xor3A_218 = vector.broadcast %xor3A_217 : i32 to vector<16xi32>
        %xor3A_219 = arith.xori %iota3A, %xor3A_218 : vector<16xi32>
        %broadcast_in_dim3A_220 = vector.shape_cast %xor3A_219 : vector<16xi32> to vector<16x1xi32>
        %gather3A_221 = vector.shape_cast %broadcast_in_dim3A_220 : vector<16x1xi32> to vector<16xi32>
        %gather3A_222 = tpu.dynamic_gather %add3A_216[%gather3A_221] in [0] : vector<16xf32>, vector<16xi32> -> vector<16xf32>
        %add3A_223 = arith.addf %add3A_216, %gather3A_222 : vector<16xf32>
        %xor3A_224 = arith.constant 4 : i32
        %xor3A_225 = vector.broadcast %xor3A_224 : i32 to vector<16xi32>
        %xor3A_226 = arith.xori %iota3A, %xor3A_225 : vector<16xi32>
        %broadcast_in_dim3A_227 = vector.shape_cast %xor3A_226 : vector<16xi32> to vector<16x1xi32>
        %gather3A_228 = vector.shape_cast %broadcast_in_dim3A_227 : vector<16x1xi32> to vector<16xi32>
        %gather3A_229 = tpu.dynamic_gather %add3A_223[%gather3A_228] in [0] : vector<16xf32>, vector<16xi32> -> vector<16xf32>
        %add3A_230 = arith.addf %add3A_223, %gather3A_229 : vector<16xf32>
        %xor3A_231 = arith.constant 8 : i32
        %xor3A_232 = vector.broadcast %xor3A_231 : i32 to vector<16xi32>
        %xor3A_233 = arith.xori %iota3A, %xor3A_232 : vector<16xi32>
        %broadcast_in_dim3A_234 = vector.shape_cast %xor3A_233 : vector<16xi32> to vector<16x1xi32>
        %gather3A_235 = vector.shape_cast %broadcast_in_dim3A_234 : vector<16x1xi32> to vector<16xi32>
        %gather3A_236 = tpu.dynamic_gather %add3A_230[%gather3A_235] in [0] : vector<16xf32>, vector<16xi32> -> vector<16xf32>
        %add3A_237 = arith.addf %add3A_230, %gather3A_236 : vector<16xf32>
        %max3A_238 = arith.constant -5.000000e+00 : f32
        %max3A_239 = vector.broadcast %max3A_238 : f32 to vector<16xf32>
        %max3A_240 = arith.maximumf %add3A_237, %max3A_239 : vector<16xf32>
        %min3A_241 = arith.constant 5.000000e+00 : f32
        %min3A_242 = vector.broadcast %min3A_241 : f32 to vector<16xf32>
        %min3A_243 = arith.minimumf %max3A_240, %min3A_242 : vector<16xf32>
        %exp3A_244 = math.exp %min3A_243 : vector<16xf32>
        %get3A_245 = arith.index_cast %scan3A_150 : i32 to index
        %get3A_246 = arith.constant 16 : index
        %get3A_247 = tpu.vector_load %arg15[%get3A_245, %get3A_246] {strides = array<i32>} : memref<40x128xf32, #tpu.memory_space<vmem>>, vector<1x16xf32>,
        %get3A_248 = vector.shape_cast %get3A_247 : vector<1x16xf32> to vector<16xf32>
        %mul3A_249 = arith.mulf %exp3A_244, %get3A_248 : vector<16xf32>
        %swap3A_250 = arith.index_cast %scan3A_150 : i32 to index
        %swap3A_251 = arith.constant 16 : index
        %swap3A_252 = tpu.vector_load %arg19[%swap3A_250, %swap3A_251] {strides = array<i32>} : memref<40x128xf32, #tpu.memory_space<vmem>>, vector<1x16xf32>,
        %swap3A_253 = vector.shape_cast %swap3A_252 : vector<1x16xf32> to vector<16xf32>
        %swap3A_254 = vector.shape_cast %mul3A_249 : vector<16xf32> to vector<1x16xf32>
        tpu.vector_store %arg19[%swap3A_250, %swap3A_251], %swap3A_254 {strides = array<i32>} : memref<40x128xf32, #tpu.memory_space<vmem>>, vector<1x16xf32>,
        %eq3A_255 = arith.constant 1 : i32
        %eq3A_256 = vector.broadcast %eq3A_255 : i32 to vector<16xi32>
        %eq3A_257 = arith.cmpi eq, %iota3A, %eq3A_256 : vector<16xi32>
        %select_n3A_258 = arith.select %eq3A_257, %exp3A_244, %select_n3A : vector<16xi1>, vector<16xf32>
        %get3A_259 = arith.index_cast %scan3A_150 : i32 to index
        %get3A_260 = arith.constant 32 : index
        %get3A_261 = tpu.vector_load %arg13[%get3A_259, %get3A_260] {strides = array<i32>} : memref<40x128xf32, #tpu.memory_space<vmem>>, vector<1x16xf32>,
        %get3A_262 = vector.shape_cast %get3A_261 : vector<1x16xf32> to vector<16xf32>
        %get3A_263 = arith.index_cast %scan3A_150 : i32 to index
        %get3A_264 = arith.constant 32 : index
        %get3A_265 = tpu.vector_load %arg14[%get3A_263, %get3A_264] {strides = array<i32>} : memref<40x128xf32, #tpu.memory_space<vmem>>, vector<1x16xf32>,
        %get3A_266 = vector.shape_cast %get3A_265 : vector<1x16xf32> to vector<16xf32>
        %mul3A_267 = arith.mulf %get3A_262, %get3A_266 : vector<16xf32>
        %xor3A_268 = arith.constant 1 : i32
        %xor3A_269 = vector.broadcast %xor3A_268 : i32 to vector<16xi32>
        %xor3A_270 = arith.xori %iota3A, %xor3A_269 : vector<16xi32>
        %broadcast_in_dim3A_271 = vector.shape_cast %xor3A_270 : vector<16xi32> to vector<16x1xi32>
        %gather3A_272 = vector.shape_cast %broadcast_in_dim3A_271 : vector<16x1xi32> to vector<16xi32>
        %gather3A_273 = tpu.dynamic_gather %mul3A_267[%gather3A_272] in [0] : vector<16xf32>, vector<16xi32> -> vector<16xf32>
        %add3A_274 = arith.addf %mul3A_267, %gather3A_273 : vector<16xf32>
        %xor3A_275 = arith.constant 2 : i32
        %xor3A_276 = vector.broadcast %xor3A_275 : i32 to vector<16xi32>
        %xor3A_277 = arith.xori %iota3A, %xor3A_276 : vector<16xi32>
        %broadcast_in_dim3A_278 = vector.shape_cast %xor3A_277 : vector<16xi32> to vector<16x1xi32>
        %gather3A_279 = vector.shape_cast %broadcast_in_dim3A_278 : vector<16x1xi32> to vector<16xi32>
        %gather3A_280 = tpu.dynamic_gather %add3A_274[%gather3A_279] in [0] : vector<16xf32>, vector<16xi32> -> vector<16xf32>
        %add3A_281 = arith.addf %add3A_274, %gather3A_280 : vector<16xf32>
        %xor3A_282 = arith.constant 4 : i32
        %xor3A_283 = vector.broadcast %xor3A_282 : i32 to vector<16xi32>
        %xor3A_284 = arith.xori %iota3A, %xor3A_283 : vector<16xi32>
        %broadcast_in_dim3A_285 = vector.shape_cast %xor3A_284 : vector<16xi32> to vector<16x1xi32>
        %gather3A_286 = vector.shape_cast %broadcast_in_dim3A_285 : vector<16x1xi32> to vector<16xi32>
        %gather3A_287 = tpu.dynamic_gather %add3A_281[%gather3A_286] in [0] : vector<16xf32>, vector<16xi32> -> vector<16xf32>
        %add3A_288 = arith.addf %add3A_281, %gather3A_287 : vector<16xf32>
        %xor3A_289 = arith.constant 8 : i32
        %xor3A_290 = vector.broadcast %xor3A_289 : i32 to vector<16xi32>
        %xor3A_291 = arith.xori %iota3A, %xor3A_290 : vector<16xi32>
        %broadcast_in_dim3A_292 = vector.shape_cast %xor3A_291 : vector<16xi32> to vector<16x1xi32>
        %gather3A_293 = vector.shape_cast %broadcast_in_dim3A_292 : vector<16x1xi32> to vector<16xi32>
        %gather3A_294 = tpu.dynamic_gather %add3A_288[%gather3A_293] in [0] : vector<16xf32>, vector<16xi32> -> vector<16xf32>
        %add3A_295 = arith.addf %add3A_288, %gather3A_294 : vector<16xf32>
        %max3A_296 = arith.constant -5.000000e+00 : f32
        %max3A_297 = vector.broadcast %max3A_296 : f32 to vector<16xf32>
        %max3A_298 = arith.maximumf %add3A_295, %max3A_297 : vector<16xf32>
        %min3A_299 = arith.constant 5.000000e+00 : f32
        %min3A_300 = vector.broadcast %min3A_299 : f32 to vector<16xf32>
        %min3A_301 = arith.minimumf %max3A_298, %min3A_300 : vector<16xf32>
        %exp3A_302 = math.exp %min3A_301 : vector<16xf32>
        %get3A_303 = arith.index_cast %scan3A_150 : i32 to index
        %get3A_304 = arith.constant 32 : index
        %get3A_305 = tpu.vector_load %arg15[%get3A_303, %get3A_304] {strides = array<i32>} : memref<40x128xf32, #tpu.memory_space<vmem>>, vector<1x16xf32>,
        %get3A_306 = vector.shape_cast %get3A_305 : vector<1x16xf32> to vector<16xf32>
        %mul3A_307 = arith.mulf %exp3A_302, %get3A_306 : vector<16xf32>
        %swap3A_308 = arith.index_cast %scan3A_150 : i32 to index
        %swap3A_309 = arith.constant 32 : index
        %swap3A_310 = tpu.vector_load %arg19[%swap3A_308, %swap3A_309] {strides = array<i32>} : memref<40x128xf32, #tpu.memory_space<vmem>>, vector<1x16xf32>,
        %swap3A_311 = vector.shape_cast %swap3A_310 : vector<1x16xf32> to vector<16xf32>
        %swap3A_312 = vector.shape_cast %mul3A_307 : vector<16xf32> to vector<1x16xf32>
        tpu.vector_store %arg19[%swap3A_308, %swap3A_309], %swap3A_312 {strides = array<i32>} : memref<40x128xf32, #tpu.memory_space<vmem>>, vector<1x16xf32>,
        %eq3A_313 = arith.constant 2 : i32
        %eq3A_314 = vector.broadcast %eq3A_313 : i32 to vector<16xi32>
        %eq3A_315 = arith.cmpi eq, %iota3A, %eq3A_314 : vector<16xi32>
        %select_n3A_316 = arith.select %eq3A_315, %exp3A_302, %select_n3A_258 : vector<16xi1>, vector<16xf32>
        %get3A_317 = arith.index_cast %scan3A_150 : i32 to index
        %get3A_318 = arith.constant 48 : index
        %get3A_319 = tpu.vector_load %arg13[%get3A_317, %get3A_318] {strides = array<i32>} : memref<40x128xf32, #tpu.memory_space<vmem>>, vector<1x16xf32>,
        %get3A_320 = vector.shape_cast %get3A_319 : vector<1x16xf32> to vector<16xf32>
        %get3A_321 = arith.index_cast %scan3A_150 : i32 to index
        %get3A_322 = arith.constant 48 : index
        %get3A_323 = tpu.vector_load %arg14[%get3A_321, %get3A_322] {strides = array<i32>} : memref<40x128xf32, #tpu.memory_space<vmem>>, vector<1x16xf32>,
        %get3A_324 = vector.shape_cast %get3A_323 : vector<1x16xf32> to vector<16xf32>
        %mul3A_325 = arith.mulf %get3A_320, %get3A_324 : vector<16xf32>
        %xor3A_326 = arith.constant 1 : i32
        %xor3A_327 = vector.broadcast %xor3A_326 : i32 to vector<16xi32>
        %xor3A_328 = arith.xori %iota3A, %xor3A_327 : vector<16xi32>
        %broadcast_in_dim3A_329 = vector.shape_cast %xor3A_328 : vector<16xi32> to vector<16x1xi32>
        %gather3A_330 = vector.shape_cast %broadcast_in_dim3A_329 : vector<16x1xi32> to vector<16xi32>
        %gather3A_331 = tpu.dynamic_gather %mul3A_325[%gather3A_330] in [0] : vector<16xf32>, vector<16xi32> -> vector<16xf32>
        %add3A_332 = arith.addf %mul3A_325, %gather3A_331 : vector<16xf32>
        %xor3A_333 = arith.constant 2 : i32
        %xor3A_334 = vector.broadcast %xor3A_333 : i32 to vector<16xi32>
        %xor3A_335 = arith.xori %iota3A, %xor3A_334 : vector<16xi32>
        %broadcast_in_dim3A_336 = vector.shape_cast %xor3A_335 : vector<16xi32> to vector<16x1xi32>
        %gather3A_337 = vector.shape_cast %broadcast_in_dim3A_336 : vector<16x1xi32> to vector<16xi32>
        %gather3A_338 = tpu.dynamic_gather %add3A_332[%gather3A_337] in [0] : vector<16xf32>, vector<16xi32> -> vector<16xf32>
        %add3A_339 = arith.addf %add3A_332, %gather3A_338 : vector<16xf32>
        %xor3A_340 = arith.constant 4 : i32
        %xor3A_341 = vector.broadcast %xor3A_340 : i32 to vector<16xi32>
        %xor3A_342 = arith.xori %iota3A, %xor3A_341 : vector<16xi32>
        %broadcast_in_dim3A_343 = vector.shape_cast %xor3A_342 : vector<16xi32> to vector<16x1xi32>
        %gather3A_344 = vector.shape_cast %broadcast_in_dim3A_343 : vector<16x1xi32> to vector<16xi32>
        %gather3A_345 = tpu.dynamic_gather %add3A_339[%gather3A_344] in [0] : vector<16xf32>, vector<16xi32> -> vector<16xf32>
        %add3A_346 = arith.addf %add3A_339, %gather3A_345 : vector<16xf32>
        %xor3A_347 = arith.constant 8 : i32
        %xor3A_348 = vector.broadcast %xor3A_347 : i32 to vector<16xi32>
        %xor3A_349 = arith.xori %iota3A, %xor3A_348 : vector<16xi32>
        %broadcast_in_dim3A_350 = vector.shape_cast %xor3A_349 : vector<16xi32> to vector<16x1xi32>
        %gather3A_351 = vector.shape_cast %broadcast_in_dim3A_350 : vector<16x1xi32> to vector<16xi32>
        %gather3A_352 = tpu.dynamic_gather %add3A_346[%gather3A_351] in [0] : vector<16xf32>, vector<16xi32> -> vector<16xf32>
        %add3A_353 = arith.addf %add3A_346, %gather3A_352 : vector<16xf32>
        %max3A_354 = arith.constant -5.000000e+00 : f32
        %max3A_355 = vector.broadcast %max3A_354 : f32 to vector<16xf32>
        %max3A_356 = arith.maximumf %add3A_353, %max3A_355 : vector<16xf32>
        %min3A_357 = arith.constant 5.000000e+00 : f32
        %min3A_358 = vector.broadcast %min3A_357 : f32 to vector<16xf32>
        %min3A_359 = arith.minimumf %max3A_356, %min3A_358 : vector<16xf32>
        %exp3A_360 = math.exp %min3A_359 : vector<16xf32>
        %get3A_361 = arith.index_cast %scan3A_150 : i32 to index
        %get3A_362 = arith.constant 48 : index
        %get3A_363 = tpu.vector_load %arg15[%get3A_361, %get3A_362] {strides = array<i32>} : memref<40x128xf32, #tpu.memory_space<vmem>>, vector<1x16xf32>,
        %get3A_364 = vector.shape_cast %get3A_363 : vector<1x16xf32> to vector<16xf32>
        %mul3A_365 = arith.mulf %exp3A_360, %get3A_364 : vector<16xf32>
        %swap3A_366 = arith.index_cast %scan3A_150 : i32 to index
        %swap3A_367 = arith.constant 48 : index
        %swap3A_368 = tpu.vector_load %arg19[%swap3A_366, %swap3A_367] {strides = array<i32>} : memref<40x128xf32, #tpu.memory_space<vmem>>, vector<1x16xf32>,
        %swap3A_369 = vector.shape_cast %swap3A_368 : vector<1x16xf32> to vector<16xf32>
        %swap3A_370 = vector.shape_cast %mul3A_365 : vector<16xf32> to vector<1x16xf32>
        tpu.vector_store %arg19[%swap3A_366, %swap3A_367], %swap3A_370 {strides = array<i32>} : memref<40x128xf32, #tpu.memory_space<vmem>>, vector<1x16xf32>,
        %eq3A_371 = arith.constant 3 : i32
        %eq3A_372 = vector.broadcast %eq3A_371 : i32 to vector<16xi32>
        %eq3A_373 = arith.cmpi eq, %iota3A, %eq3A_372 : vector<16xi32>
        %select_n3A_374 = arith.select %eq3A_373, %exp3A_360, %select_n3A_316 : vector<16xi1>, vector<16xf32>
        %get3A_375 = arith.index_cast %scan3A_150 : i32 to index
        %get3A_376 = arith.constant 64 : index
        %get3A_377 = tpu.vector_load %arg13[%get3A_375, %get3A_376] {strides = array<i32>} : memref<40x128xf32, #tpu.memory_space<vmem>>, vector<1x16xf32>,
        %get3A_378 = vector.shape_cast %get3A_377 : vector<1x16xf32> to vector<16xf32>
        %get3A_379 = arith.index_cast %scan3A_150 : i32 to index
        %get3A_380 = arith.constant 64 : index
        %get3A_381 = tpu.vector_load %arg14[%get3A_379, %get3A_380] {strides = array<i32>} : memref<40x128xf32, #tpu.memory_space<vmem>>, vector<1x16xf32>,
        %get3A_382 = vector.shape_cast %get3A_381 : vector<1x16xf32> to vector<16xf32>
        %mul3A_383 = arith.mulf %get3A_378, %get3A_382 : vector<16xf32>
        %xor3A_384 = arith.constant 1 : i32
        %xor3A_385 = vector.broadcast %xor3A_384 : i32 to vector<16xi32>
        %xor3A_386 = arith.xori %iota3A, %xor3A_385 : vector<16xi32>
        %broadcast_in_dim3A_387 = vector.shape_cast %xor3A_386 : vector<16xi32> to vector<16x1xi32>
        %gather3A_388 = vector.shape_cast %broadcast_in_dim3A_387 : vector<16x1xi32> to vector<16xi32>
        %gather3A_389 = tpu.dynamic_gather %mul3A_383[%gather3A_388] in [0] : vector<16xf32>, vector<16xi32> -> vector<16xf32>
        %add3A_390 = arith.addf %mul3A_383, %gather3A_389 : vector<16xf32>
        %xor3A_391 = arith.constant 2 : i32
        %xor3A_392 = vector.broadcast %xor3A_391 : i32 to vector<16xi32>
        %xor3A_393 = arith.xori %iota3A, %xor3A_392 : vector<16xi32>
        %broadcast_in_dim3A_394 = vector.shape_cast %xor3A_393 : vector<16xi32> to vector<16x1xi32>
        %gather3A_395 = vector.shape_cast %broadcast_in_dim3A_394 : vector<16x1xi32> to vector<16xi32>
        %gather3A_396 = tpu.dynamic_gather %add3A_390[%gather3A_395] in [0] : vector<16xf32>, vector<16xi32> -> vector<16xf32>
        %add3A_397 = arith.addf %add3A_390, %gather3A_396 : vector<16xf32>
        %xor3A_398 = arith.constant 4 : i32
        %xor3A_399 = vector.broadcast %xor3A_398 : i32 to vector<16xi32>
        %xor3A_400 = arith.xori %iota3A, %xor3A_399 : vector<16xi32>
        %broadcast_in_dim3A_401 = vector.shape_cast %xor3A_400 : vector<16xi32> to vector<16x1xi32>
        %gather3A_402 = vector.shape_cast %broadcast_in_dim3A_401 : vector<16x1xi32> to vector<16xi32>
        %gather3A_403 = tpu.dynamic_gather %add3A_397[%gather3A_402] in [0] : vector<16xf32>, vector<16xi32> -> vector<16xf32>
        %add3A_404 = arith.addf %add3A_397, %gather3A_403 : vector<16xf32>
        %xor3A_405 = arith.constant 8 : i32
        %xor3A_406 = vector.broadcast %xor3A_405 : i32 to vector<16xi32>
        %xor3A_407 = arith.xori %iota3A, %xor3A_406 : vector<16xi32>
        %broadcast_in_dim3A_408 = vector.shape_cast %xor3A_407 : vector<16xi32> to vector<16x1xi32>
        %gather3A_409 = vector.shape_cast %broadcast_in_dim3A_408 : vector<16x1xi32> to vector<16xi32>
        %gather3A_410 = tpu.dynamic_gather %add3A_404[%gather3A_409] in [0] : vector<16xf32>, vector<16xi32> -> vector<16xf32>
        %add3A_411 = arith.addf %add3A_404, %gather3A_410 : vector<16xf32>
        %max3A_412 = arith.constant -5.000000e+00 : f32
        %max3A_413 = vector.broadcast %max3A_412 : f32 to vector<16xf32>
        %max3A_414 = arith.maximumf %add3A_411, %max3A_413 : vector<16xf32>
        %min3A_415 = arith.constant 5.000000e+00 : f32
        %min3A_416 = vector.broadcast %min3A_415 : f32 to vector<16xf32>
        %min3A_417 = arith.minimumf %max3A_414, %min3A_416 : vector<16xf32>
        %exp3A_418 = math.exp %min3A_417 : vector<16xf32>
        %get3A_419 = arith.index_cast %scan3A_150 : i32 to index
        %get3A_420 = arith.constant 64 : index
        %get3A_421 = tpu.vector_load %arg15[%get3A_419, %get3A_420] {strides = array<i32>} : memref<40x128xf32, #tpu.memory_space<vmem>>, vector<1x16xf32>,
        %get3A_422 = vector.shape_cast %get3A_421 : vector<1x16xf32> to vector<16xf32>
        %mul3A_423 = arith.mulf %exp3A_418, %get3A_422 : vector<16xf32>
        %swap3A_424 = arith.index_cast %scan3A_150 : i32 to index
        %swap3A_425 = arith.constant 64 : index
        %swap3A_426 = tpu.vector_load %arg19[%swap3A_424, %swap3A_425] {strides = array<i32>} : memref<40x128xf32, #tpu.memory_space<vmem>>, vector<1x16xf32>,
        %swap3A_427 = vector.shape_cast %swap3A_426 : vector<1x16xf32> to vector<16xf32>
        %swap3A_428 = vector.shape_cast %mul3A_423 : vector<16xf32> to vector<1x16xf32>
        tpu.vector_store %arg19[%swap3A_424, %swap3A_425], %swap3A_428 {strides = array<i32>} : memref<40x128xf32, #tpu.memory_space<vmem>>, vector<1x16xf32>,
        %eq3A_429 = arith.constant 4 : i32
        %eq3A_430 = vector.broadcast %eq3A_429 : i32 to vector<16xi32>
        %eq3A_431 = arith.cmpi eq, %iota3A, %eq3A_430 : vector<16xi32>
        %select_n3A_432 = arith.select %eq3A_431, %exp3A_418, %select_n3A_374 : vector<16xi1>, vector<16xf32>
        %get3A_433 = arith.index_cast %scan3A_150 : i32 to index
        %get3A_434 = arith.constant 80 : index
        %get3A_435 = tpu.vector_load %arg13[%get3A_433, %get3A_434] {strides = array<i32>} : memref<40x128xf32, #tpu.memory_space<vmem>>, vector<1x16xf32>,
        %get3A_436 = vector.shape_cast %get3A_435 : vector<1x16xf32> to vector<16xf32>
        %get3A_437 = arith.index_cast %scan3A_150 : i32 to index
        %get3A_438 = arith.constant 80 : index
        %get3A_439 = tpu.vector_load %arg14[%get3A_437, %get3A_438] {strides = array<i32>} : memref<40x128xf32, #tpu.memory_space<vmem>>, vector<1x16xf32>,
        %get3A_440 = vector.shape_cast %get3A_439 : vector<1x16xf32> to vector<16xf32>
        %mul3A_441 = arith.mulf %get3A_436, %get3A_440 : vector<16xf32>
        %xor3A_442 = arith.constant 1 : i32
        %xor3A_443 = vector.broadcast %xor3A_442 : i32 to vector<16xi32>
        %xor3A_444 = arith.xori %iota3A, %xor3A_443 : vector<16xi32>
        %broadcast_in_dim3A_445 = vector.shape_cast %xor3A_444 : vector<16xi32> to vector<16x1xi32>
        %gather3A_446 = vector.shape_cast %broadcast_in_dim3A_445 : vector<16x1xi32> to vector<16xi32>
        %gather3A_447 = tpu.dynamic_gather %mul3A_441[%gather3A_446] in [0] : vector<16xf32>, vector<16xi32> -> vector<16xf32>
        %add3A_448 = arith.addf %mul3A_441, %gather3A_447 : vector<16xf32>
        %xor3A_449 = arith.constant 2 : i32
        %xor3A_450 = vector.broadcast %xor3A_449 : i32 to vector<16xi32>
        %xor3A_451 = arith.xori %iota3A, %xor3A_450 : vector<16xi32>
        %broadcast_in_dim3A_452 = vector.shape_cast %xor3A_451 : vector<16xi32> to vector<16x1xi32>
        %gather3A_453 = vector.shape_cast %broadcast_in_dim3A_452 : vector<16x1xi32> to vector<16xi32>
        %gather3A_454 = tpu.dynamic_gather %add3A_448[%gather3A_453] in [0] : vector<16xf32>, vector<16xi32> -> vector<16xf32>
        %add3A_455 = arith.addf %add3A_448, %gather3A_454 : vector<16xf32>
        %xor3A_456 = arith.constant 4 : i32
        %xor3A_457 = vector.broadcast %xor3A_456 : i32 to vector<16xi32>
        %xor3A_458 = arith.xori %iota3A, %xor3A_457 : vector<16xi32>
        %broadcast_in_dim3A_459 = vector.shape_cast %xor3A_458 : vector<16xi32> to vector<16x1xi32>
        %gather3A_460 = vector.shape_cast %broadcast_in_dim3A_459 : vector<16x1xi32> to vector<16xi32>
        %gather3A_461 = tpu.dynamic_gather %add3A_455[%gather3A_460] in [0] : vector<16xf32>, vector<16xi32> -> vector<16xf32>
        %add3A_462 = arith.addf %add3A_455, %gather3A_461 : vector<16xf32>
        %xor3A_463 = arith.constant 8 : i32
        %xor3A_464 = vector.broadcast %xor3A_463 : i32 to vector<16xi32>
        %xor3A_465 = arith.xori %iota3A, %xor3A_464 : vector<16xi32>
        %broadcast_in_dim3A_466 = vector.shape_cast %xor3A_465 : vector<16xi32> to vector<16x1xi32>
        %gather3A_467 = vector.shape_cast %broadcast_in_dim3A_466 : vector<16x1xi32> to vector<16xi32>
        %gather3A_468 = tpu.dynamic_gather %add3A_462[%gather3A_467] in [0] : vector<16xf32>, vector<16xi32> -> vector<16xf32>
        %add3A_469 = arith.addf %add3A_462, %gather3A_468 : vector<16xf32>
        %max3A_470 = arith.constant -5.000000e+00 : f32
        %max3A_471 = vector.broadcast %max3A_470 : f32 to vector<16xf32>
        %max3A_472 = arith.maximumf %add3A_469, %max3A_471 : vector<16xf32>
        %min3A_473 = arith.constant 5.000000e+00 : f32
        %min3A_474 = vector.broadcast %min3A_473 : f32 to vector<16xf32>
        %min3A_475 = arith.minimumf %max3A_472, %min3A_474 : vector<16xf32>
        %exp3A_476 = math.exp %min3A_475 : vector<16xf32>
        %get3A_477 = arith.index_cast %scan3A_150 : i32 to index
        %get3A_478 = arith.constant 80 : index
        %get3A_479 = tpu.vector_load %arg15[%get3A_477, %get3A_478] {strides = array<i32>} : memref<40x128xf32, #tpu.memory_space<vmem>>, vector<1x16xf32>,
        %get3A_480 = vector.shape_cast %get3A_479 : vector<1x16xf32> to vector<16xf32>
        %mul3A_481 = arith.mulf %exp3A_476, %get3A_480 : vector<16xf32>
        %swap3A_482 = arith.index_cast %scan3A_150 : i32 to index
        %swap3A_483 = arith.constant 80 : index
        %swap3A_484 = tpu.vector_load %arg19[%swap3A_482, %swap3A_483] {strides = array<i32>} : memref<40x128xf32, #tpu.memory_space<vmem>>, vector<1x16xf32>,
        %swap3A_485 = vector.shape_cast %swap3A_484 : vector<1x16xf32> to vector<16xf32>
        %swap3A_486 = vector.shape_cast %mul3A_481 : vector<16xf32> to vector<1x16xf32>
        tpu.vector_store %arg19[%swap3A_482, %swap3A_483], %swap3A_486 {strides = array<i32>} : memref<40x128xf32, #tpu.memory_space<vmem>>, vector<1x16xf32>,
        %eq3A_487 = arith.constant 5 : i32
        %eq3A_488 = vector.broadcast %eq3A_487 : i32 to vector<16xi32>
        %eq3A_489 = arith.cmpi eq, %iota3A, %eq3A_488 : vector<16xi32>
        %select_n3A_490 = arith.select %eq3A_489, %exp3A_476, %select_n3A_432 : vector<16xi1>, vector<16xf32>
        %get3A_491 = arith.index_cast %scan3A_150 : i32 to index
        %get3A_492 = arith.constant 96 : index
        %get3A_493 = tpu.vector_load %arg13[%get3A_491, %get3A_492] {strides = array<i32>} : memref<40x128xf32, #tpu.memory_space<vmem>>, vector<1x16xf32>,
        %get3A_494 = vector.shape_cast %get3A_493 : vector<1x16xf32> to vector<16xf32>
        %get3A_495 = arith.index_cast %scan3A_150 : i32 to index
        %get3A_496 = arith.constant 96 : index
        %get3A_497 = tpu.vector_load %arg14[%get3A_495, %get3A_496] {strides = array<i32>} : memref<40x128xf32, #tpu.memory_space<vmem>>, vector<1x16xf32>,
        %get3A_498 = vector.shape_cast %get3A_497 : vector<1x16xf32> to vector<16xf32>
        %mul3A_499 = arith.mulf %get3A_494, %get3A_498 : vector<16xf32>
        %xor3A_500 = arith.constant 1 : i32
        %xor3A_501 = vector.broadcast %xor3A_500 : i32 to vector<16xi32>
        %xor3A_502 = arith.xori %iota3A, %xor3A_501 : vector<16xi32>
        %broadcast_in_dim3A_503 = vector.shape_cast %xor3A_502 : vector<16xi32> to vector<16x1xi32>
        %gather3A_504 = vector.shape_cast %broadcast_in_dim3A_503 : vector<16x1xi32> to vector<16xi32>
        %gather3A_505 = tpu.dynamic_gather %mul3A_499[%gather3A_504] in [0] : vector<16xf32>, vector<16xi32> -> vector<16xf32>
        %add3A_506 = arith.addf %mul3A_499, %gather3A_505 : vector<16xf32>
        %xor3A_507 = arith.constant 2 : i32
        %xor3A_508 = vector.broadcast %xor3A_507 : i32 to vector<16xi32>
        %xor3A_509 = arith.xori %iota3A, %xor3A_508 : vector<16xi32>
        %broadcast_in_dim3A_510 = vector.shape_cast %xor3A_509 : vector<16xi32> to vector<16x1xi32>
        %gather3A_511 = vector.shape_cast %broadcast_in_dim3A_510 : vector<16x1xi32> to vector<16xi32>
        %gather3A_512 = tpu.dynamic_gather %add3A_506[%gather3A_511] in [0] : vector<16xf32>, vector<16xi32> -> vector<16xf32>
        %add3A_513 = arith.addf %add3A_506, %gather3A_512 : vector<16xf32>
        %xor3A_514 = arith.constant 4 : i32
        %xor3A_515 = vector.broadcast %xor3A_514 : i32 to vector<16xi32>
        %xor3A_516 = arith.xori %iota3A, %xor3A_515 : vector<16xi32>
        %broadcast_in_dim3A_517 = vector.shape_cast %xor3A_516 : vector<16xi32> to vector<16x1xi32>
        %gather3A_518 = vector.shape_cast %broadcast_in_dim3A_517 : vector<16x1xi32> to vector<16xi32>
        %gather3A_519 = tpu.dynamic_gather %add3A_513[%gather3A_518] in [0] : vector<16xf32>, vector<16xi32> -> vector<16xf32>
        %add3A_520 = arith.addf %add3A_513, %gather3A_519 : vector<16xf32>
        %xor3A_521 = arith.constant 8 : i32
        %xor3A_522 = vector.broadcast %xor3A_521 : i32 to vector<16xi32>
        %xor3A_523 = arith.xori %iota3A, %xor3A_522 : vector<16xi32>
        %broadcast_in_dim3A_524 = vector.shape_cast %xor3A_523 : vector<16xi32> to vector<16x1xi32>
        %gather3A_525 = vector.shape_cast %broadcast_in_dim3A_524 : vector<16x1xi32> to vector<16xi32>
        %gather3A_526 = tpu.dynamic_gather %add3A_520[%gather3A_525] in [0] : vector<16xf32>, vector<16xi32> -> vector<16xf32>
        %add3A_527 = arith.addf %add3A_520, %gather3A_526 : vector<16xf32>
        %max3A_528 = arith.constant -5.000000e+00 : f32
        %max3A_529 = vector.broadcast %max3A_528 : f32 to vector<16xf32>
        %max3A_530 = arith.maximumf %add3A_527, %max3A_529 : vector<16xf32>
        %min3A_531 = arith.constant 5.000000e+00 : f32
        %min3A_532 = vector.broadcast %min3A_531 : f32 to vector<16xf32>
        %min3A_533 = arith.minimumf %max3A_530, %min3A_532 : vector<16xf32>
        %exp3A_534 = math.exp %min3A_533 : vector<16xf32>
        %get3A_535 = arith.index_cast %scan3A_150 : i32 to index
        %get3A_536 = arith.constant 96 : index
        %get3A_537 = tpu.vector_load %arg15[%get3A_535, %get3A_536] {strides = array<i32>} : memref<40x128xf32, #tpu.memory_space<vmem>>, vector<1x16xf32>,
        %get3A_538 = vector.shape_cast %get3A_537 : vector<1x16xf32> to vector<16xf32>
        %mul3A_539 = arith.mulf %exp3A_534, %get3A_538 : vector<16xf32>
        %swap3A_540 = arith.index_cast %scan3A_150 : i32 to index
        %swap3A_541 = arith.constant 96 : index
        %swap3A_542 = tpu.vector_load %arg19[%swap3A_540, %swap3A_541] {strides = array<i32>} : memref<40x128xf32, #tpu.memory_space<vmem>>, vector<1x16xf32>,
        %swap3A_543 = vector.shape_cast %swap3A_542 : vector<1x16xf32> to vector<16xf32>
        %swap3A_544 = vector.shape_cast %mul3A_539 : vector<16xf32> to vector<1x16xf32>
        tpu.vector_store %arg19[%swap3A_540, %swap3A_541], %swap3A_544 {strides = array<i32>} : memref<40x128xf32, #tpu.memory_space<vmem>>, vector<1x16xf32>,
        %eq3A_545 = arith.constant 6 : i32
        %eq3A_546 = vector.broadcast %eq3A_545 : i32 to vector<16xi32>
        %eq3A_547 = arith.cmpi eq, %iota3A, %eq3A_546 : vector<16xi32>
        %select_n3A_548 = arith.select %eq3A_547, %exp3A_534, %select_n3A_490 : vector<16xi1>, vector<16xf32>
        %get3A_549 = arith.index_cast %scan3A_150 : i32 to index
        %get3A_550 = arith.constant 112 : index
        %get3A_551 = tpu.vector_load %arg13[%get3A_549, %get3A_550] {strides = array<i32>} : memref<40x128xf32, #tpu.memory_space<vmem>>, vector<1x16xf32>,
        %get3A_552 = vector.shape_cast %get3A_551 : vector<1x16xf32> to vector<16xf32>
        %get3A_553 = arith.index_cast %scan3A_150 : i32 to index
        %get3A_554 = arith.constant 112 : index
        %get3A_555 = tpu.vector_load %arg14[%get3A_553, %get3A_554] {strides = array<i32>} : memref<40x128xf32, #tpu.memory_space<vmem>>, vector<1x16xf32>,
        %get3A_556 = vector.shape_cast %get3A_555 : vector<1x16xf32> to vector<16xf32>
        %mul3A_557 = arith.mulf %get3A_552, %get3A_556 : vector<16xf32>
        %xor3A_558 = arith.constant 1 : i32
        %xor3A_559 = vector.broadcast %xor3A_558 : i32 to vector<16xi32>
        %xor3A_560 = arith.xori %iota3A, %xor3A_559 : vector<16xi32>
        %broadcast_in_dim3A_561 = vector.shape_cast %xor3A_560 : vector<16xi32> to vector<16x1xi32>
        %gather3A_562 = vector.shape_cast %broadcast_in_dim3A_561 : vector<16x1xi32> to vector<16xi32>
        %gather3A_563 = tpu.dynamic_gather %mul3A_557[%gather3A_562] in [0] : vector<16xf32>, vector<16xi32> -> vector<16xf32>
        %add3A_564 = arith.addf %mul3A_557, %gather3A_563 : vector<16xf32>
        %xor3A_565 = arith.constant 2 : i32
        %xor3A_566 = vector.broadcast %xor3A_565 : i32 to vector<16xi32>
        %xor3A_567 = arith.xori %iota3A, %xor3A_566 : vector<16xi32>
        %broadcast_in_dim3A_568 = vector.shape_cast %xor3A_567 : vector<16xi32> to vector<16x1xi32>
        %gather3A_569 = vector.shape_cast %broadcast_in_dim3A_568 : vector<16x1xi32> to vector<16xi32>
        %gather3A_570 = tpu.dynamic_gather %add3A_564[%gather3A_569] in [0] : vector<16xf32>, vector<16xi32> -> vector<16xf32>
        %add3A_571 = arith.addf %add3A_564, %gather3A_570 : vector<16xf32>
        %xor3A_572 = arith.constant 4 : i32
        %xor3A_573 = vector.broadcast %xor3A_572 : i32 to vector<16xi32>
        %xor3A_574 = arith.xori %iota3A, %xor3A_573 : vector<16xi32>
        %broadcast_in_dim3A_575 = vector.shape_cast %xor3A_574 : vector<16xi32> to vector<16x1xi32>
        %gather3A_576 = vector.shape_cast %broadcast_in_dim3A_575 : vector<16x1xi32> to vector<16xi32>
        %gather3A_577 = tpu.dynamic_gather %add3A_571[%gather3A_576] in [0] : vector<16xf32>, vector<16xi32> -> vector<16xf32>
        %add3A_578 = arith.addf %add3A_571, %gather3A_577 : vector<16xf32>
        %xor3A_579 = arith.constant 8 : i32
        %xor3A_580 = vector.broadcast %xor3A_579 : i32 to vector<16xi32>
        %xor3A_581 = arith.xori %iota3A, %xor3A_580 : vector<16xi32>
        %broadcast_in_dim3A_582 = vector.shape_cast %xor3A_581 : vector<16xi32> to vector<16x1xi32>
        %gather3A_583 = vector.shape_cast %broadcast_in_dim3A_582 : vector<16x1xi32> to vector<16xi32>
        %gather3A_584 = tpu.dynamic_gather %add3A_578[%gather3A_583] in [0] : vector<16xf32>, vector<16xi32> -> vector<16xf32>
        %add3A_585 = arith.addf %add3A_578, %gather3A_584 : vector<16xf32>
        %max3A_586 = arith.constant -5.000000e+00 : f32
        %max3A_587 = vector.broadcast %max3A_586 : f32 to vector<16xf32>
        %max3A_588 = arith.maximumf %add3A_585, %max3A_587 : vector<16xf32>
        %min3A_589 = arith.constant 5.000000e+00 : f32
        %min3A_590 = vector.broadcast %min3A_589 : f32 to vector<16xf32>
        %min3A_591 = arith.minimumf %max3A_588, %min3A_590 : vector<16xf32>
        %exp3A_592 = math.exp %min3A_591 : vector<16xf32>
        %get3A_593 = arith.index_cast %scan3A_150 : i32 to index
        %get3A_594 = arith.constant 112 : index
        %get3A_595 = tpu.vector_load %arg15[%get3A_593, %get3A_594] {strides = array<i32>} : memref<40x128xf32, #tpu.memory_space<vmem>>, vector<1x16xf32>,
        %get3A_596 = vector.shape_cast %get3A_595 : vector<1x16xf32> to vector<16xf32>
        %mul3A_597 = arith.mulf %exp3A_592, %get3A_596 : vector<16xf32>
        %swap3A_598 = arith.index_cast %scan3A_150 : i32 to index
        %swap3A_599 = arith.constant 112 : index
        %swap3A_600 = tpu.vector_load %arg19[%swap3A_598, %swap3A_599] {strides = array<i32>} : memref<40x128xf32, #tpu.memory_space<vmem>>, vector<1x16xf32>,
        %swap3A_601 = vector.shape_cast %swap3A_600 : vector<1x16xf32> to vector<16xf32>
        %swap3A_602 = vector.shape_cast %mul3A_597 : vector<16xf32> to vector<1x16xf32>
        tpu.vector_store %arg19[%swap3A_598, %swap3A_599], %swap3A_602 {strides = array<i32>} : memref<40x128xf32, #tpu.memory_space<vmem>>, vector<1x16xf32>,
        %eq3A_603 = arith.constant 7 : i32
        %eq3A_604 = vector.broadcast %eq3A_603 : i32 to vector<16xi32>
        %eq3A_605 = arith.cmpi eq, %iota3A, %eq3A_604 : vector<16xi32>
        %select_n3A_606 = arith.select %eq3A_605, %exp3A_592, %select_n3A_548 : vector<16xi1>, vector<16xf32>
        %swap3A_607 = arith.index_cast %scan3A_150 : i32 to index
        %swap3A_608 = arith.constant 0 : index
        %swap3A_609 = tpu.vector_load %arg20[%swap3A_607, %swap3A_608] {strides = array<i32>} : memref<40x16xf32, #tpu.memory_space<vmem>>, vector<1x16xf32>,
        %swap3A_610 = vector.shape_cast %swap3A_609 : vector<1x16xf32> to vector<16xf32>
        %swap3A_611 = vector.shape_cast %select_n3A_606 : vector<16xf32> to vector<1x16xf32>
        tpu.vector_store %arg20[%swap3A_607, %swap3A_608], %swap3A_611 {strides = array<i32>} : memref<40x16xf32, #tpu.memory_space<vmem>>, vector<1x16xf32>,
        %scan3A_612 = arith.constant 0 : i32
        scf.yield %scan3A_612 : i32
      }
      %scan3A_105 = arith.constant 40 : i32
      "tpu.region"() ({
        %run_scoped3A = tpu.sem_alloc : memref<!tpu.dma_semaphore, #tpu.memory_space<semaphore_mem>>
        %dma_start3A_150 = arith.constant 0 : i32
        %dma_start3A_151 = arith.constant 0 : i32
        %dma_start3A_152 = tpu.memref_slice %arg21[%dma_start3A_150, %dma_start3A_151] : memref<10240x128xf32, #tpu.memory_space<vmem_shared>> -> memref<10240x128xf32, #tpu.memory_space<vmem_shared>>
        tpu.enqueue_indirect_dma source(%arg19 : memref<40x128xf32, #tpu.memory_space<vmem>>) target(%dma_start3A_152 : memref<10240x128xf32, #tpu.memory_space<vmem_shared>>) offsets(%arg10 : memref<40xi32, #tpu.memory_space<vmem>>) semaphore(%run_scoped3A : memref<!tpu.dma_semaphore, #tpu.memory_space<semaphore_mem>>) {add = true}
        %dma_wait3A_153 = arith.constant 0 : i32
        %dma_wait3A_154 = arith.constant 0 : i32
        %dma_wait3A_155 = tpu.memref_slice %arg21[%dma_wait3A_153, %dma_wait3A_154] : memref<10240x128xf32, #tpu.memory_space<vmem_shared>> -> memref<10240x128xf32, #tpu.memory_space<vmem_shared>>
        tpu.wait_indirect_dma semaphore(%run_scoped3A : memref<!tpu.dma_semaphore, #tpu.memory_space<semaphore_mem>>) src(%arg19 : memref<40x128xf32, #tpu.memory_space<vmem>>) dst(%dma_wait3A_155 : memref<10240x128xf32, #tpu.memory_space<vmem_shared>>)
        tpu.yield
      }) : () -> ()
      "tpu.region"() ({
        %run_scoped3A = tpu.sem_alloc : memref<!tpu.dma_semaphore, #tpu.memory_space<semaphore_mem>>
        %dma_start3A_150 = arith.constant 0 : i32
        %dma_start3A_151 = arith.constant 0 : i32
        %dma_start3A_152 = tpu.memref_slice %arg22[%dma_start3A_150, %dma_start3A_151] : memref<10240x16xf32, #tpu.memory_space<vmem_shared>> -> memref<10240x16xf32, #tpu.memory_space<vmem_shared>>
        tpu.enqueue_indirect_dma source(%arg20 : memref<40x16xf32, #tpu.memory_space<vmem>>) target(%dma_start3A_152 : memref<10240x16xf32, #tpu.memory_space<vmem_shared>>) offsets(%arg10 : memref<40xi32, #tpu.memory_space<vmem>>) semaphore(%run_scoped3A : memref<!tpu.dma_semaphore, #tpu.memory_space<semaphore_mem>>) {add = true}
        %dma_wait3A_153 = arith.constant 0 : i32
        %dma_wait3A_154 = arith.constant 0 : i32
        %dma_wait3A_155 = tpu.memref_slice %arg22[%dma_wait3A_153, %dma_wait3A_154] : memref<10240x16xf32, #tpu.memory_space<vmem_shared>> -> memref<10240x16xf32, #tpu.memory_space<vmem_shared>>
        tpu.wait_indirect_dma semaphore(%run_scoped3A : memref<!tpu.dma_semaphore, #tpu.memory_space<semaphore_mem>>) src(%arg20 : memref<40x16xf32, #tpu.memory_space<vmem>>) dst(%dma_wait3A_155 : memref<10240x16xf32, #tpu.memory_space<vmem_shared>>)
        tpu.yield
      }) : () -> ()
      %dma_wait3A_106 = arith.constant 0 : i32
      %dma_wait3A_107 = arith.constant 0 : i32
      %dma_wait3A_108 = tpu.memref_slice %arg3[%dma_wait3A_106, %dma_wait3A_107] : memref<10000x128xf32, #tpu.memory_space<hbm>> -> memref<10000x128xf32, #tpu.memory_space<hbm>>
      tpu.wait_indirect_dma semaphore(%arg24 : memref<!tpu.dma_semaphore, #tpu.memory_space<semaphore_mem>>) src(%dma_wait3A_108 : memref<10000x128xf32, #tpu.memory_space<hbm>>) dst(%arg16 : memref<40x128xf32, #tpu.memory_space<vmem>>)
      %dma_wait3A_109 = arith.constant 0 : i32
      %dma_wait3A_110 = arith.constant 0 : i32
      %dma_wait3A_111 = tpu.memref_slice %arg2[%dma_wait3A_109, %dma_wait3A_110] : memref<10000x128xf32, #tpu.memory_space<hbm>> -> memref<10000x128xf32, #tpu.memory_space<hbm>>
      tpu.wait_indirect_dma semaphore(%arg24 : memref<!tpu.dma_semaphore, #tpu.memory_space<semaphore_mem>>) src(%dma_wait3A_111 : memref<10000x128xf32, #tpu.memory_space<hbm>>) dst(%arg17 : memref<40x128xf32, #tpu.memory_space<vmem>>)
      %dma_wait3A_112 = arith.constant 0 : i32
      %dma_wait3A_113 = arith.constant 0 : i32
      %dma_wait3A_114 = tpu.memref_slice %arg4[%dma_wait3A_112, %dma_wait3A_113] : memref<10000x128xf32, #tpu.memory_space<hbm>> -> memref<10000x128xf32, #tpu.memory_space<hbm>>
      tpu.wait_indirect_dma semaphore(%arg24 : memref<!tpu.dma_semaphore, #tpu.memory_space<semaphore_mem>>) src(%dma_wait3A_114 : memref<10000x128xf32, #tpu.memory_space<hbm>>) dst(%arg18 : memref<40x128xf32, #tpu.memory_space<vmem>>)
      %mul3A_115 = arith.constant 2 : i32
      %mul3A_116 = arith.muli %mul3A_115, %scan3A_79 : i32
      %add3A_117 = arith.constant 1 : i32
      %add3A_118 = arith.addi %mul3A_116, %add3A_117 : i32
      %add3A_119 = arith.constant 1 : i32
      %add3A_120 = arith.addi %add3A_118, %add3A_119 : i32
      %mul3A_121 = arith.constant 40 : i32
      %mul3A_122 = arith.muli %add3A_120, %mul3A_121 : i32
      %add3A_123 = arith.addi %mul3A_18, %mul3A_122 : i32
      "tpu.region"() ({
        %run_scoped3A = tpu.sem_alloc : memref<!tpu.dma_semaphore, #tpu.memory_space<semaphore_mem>>
        %dma_start3A_150 = tpu.memref_slice %arg5[%add3A_123] : memref<320000xi32, #tpu.memory_space<hbm>> -> memref<40xi32, #tpu.memory_space<hbm>>
        %dma_start3A_151 = tpu.memref_slice %arg5[%add3A_123] : memref<320000xi32, #tpu.memory_space<hbm>> -> memref<40xi32, #tpu.memory_space<hbm>>
        tpu.enqueue_dma source(%dma_start3A_151 : memref<40xi32, #tpu.memory_space<hbm>>) target(%arg9 : memref<40xi32, #tpu.memory_space<vmem>>) target_semaphore(%run_scoped3A : memref<!tpu.dma_semaphore, #tpu.memory_space<semaphore_mem>>)
        %dma_wait3A_152 = tpu.memref_slice %arg5[%add3A_123] : memref<320000xi32, #tpu.memory_space<hbm>> -> memref<40xi32, #tpu.memory_space<hbm>>
        %dma_wait3A_153 = tpu.memref_slice %arg5[%add3A_123] : memref<320000xi32, #tpu.memory_space<hbm>> -> memref<40xi32, #tpu.memory_space<hbm>>
        tpu.wait_dma2 semaphore(%run_scoped3A : memref<!tpu.dma_semaphore, #tpu.memory_space<semaphore_mem>>) src(%dma_wait3A_153 : memref<40xi32, #tpu.memory_space<hbm>>) dst(%arg9 : memref<40xi32, #tpu.memory_space<vmem>>)
        tpu.yield
      }) : () -> ()
      "tpu.region"() ({
        %run_scoped3A = tpu.sem_alloc : memref<!tpu.dma_semaphore, #tpu.memory_space<semaphore_mem>>
        %dma_start3A_150 = tpu.memref_slice %arg6[%add3A_123] : memref<320000xi32, #tpu.memory_space<hbm>> -> memref<40xi32, #tpu.memory_space<hbm>>
        %dma_start3A_151 = tpu.memref_slice %arg6[%add3A_123] : memref<320000xi32, #tpu.memory_space<hbm>> -> memref<40xi32, #tpu.memory_space<hbm>>
        tpu.enqueue_dma source(%dma_start3A_151 : memref<40xi32, #tpu.memory_space<hbm>>) target(%arg10 : memref<40xi32, #tpu.memory_space<vmem>>) target_semaphore(%run_scoped3A : memref<!tpu.dma_semaphore, #tpu.memory_space<semaphore_mem>>)
        %dma_wait3A_152 = tpu.memref_slice %arg6[%add3A_123] : memref<320000xi32, #tpu.memory_space<hbm>> -> memref<40xi32, #tpu.memory_space<hbm>>
        %dma_wait3A_153 = tpu.memref_slice %arg6[%add3A_123] : memref<320000xi32, #tpu.memory_space<hbm>> -> memref<40xi32, #tpu.memory_space<hbm>>
        tpu.wait_dma2 semaphore(%run_scoped3A : memref<!tpu.dma_semaphore, #tpu.memory_space<semaphore_mem>>) src(%dma_wait3A_153 : memref<40xi32, #tpu.memory_space<hbm>>) dst(%arg10 : memref<40xi32, #tpu.memory_space<vmem>>)
        tpu.yield
      }) : () -> ()
      %dma_start3A_124 = arith.constant 0 : i32
      %dma_start3A_125 = arith.constant 0 : i32
      %dma_start3A_126 = tpu.memref_slice %arg3[%dma_start3A_124, %dma_start3A_125] : memref<10000x128xf32, #tpu.memory_space<hbm>> -> memref<10000x128xf32, #tpu.memory_space<hbm>>
      tpu.enqueue_indirect_dma source(%dma_start3A_126 : memref<10000x128xf32, #tpu.memory_space<hbm>>) target(%arg13 : memref<40x128xf32, #tpu.memory_space<vmem>>) offsets(%arg9 : memref<40xi32, #tpu.memory_space<vmem>>) semaphore(%arg23 : memref<!tpu.dma_semaphore, #tpu.memory_space<semaphore_mem>>)
      %dma_start3A_127 = arith.constant 0 : i32
      %dma_start3A_128 = arith.constant 0 : i32
      %dma_start3A_129 = tpu.memref_slice %arg2[%dma_start3A_127, %dma_start3A_128] : memref<10000x128xf32, #tpu.memory_space<hbm>> -> memref<10000x128xf32, #tpu.memory_space<hbm>>
      tpu.enqueue_indirect_dma source(%dma_start3A_129 : memref<10000x128xf32, #tpu.memory_space<hbm>>) target(%arg14 : memref<40x128xf32, #tpu.memory_space<vmem>>) offsets(%arg10 : memref<40xi32, #tpu.memory_space<vmem>>) semaphore(%arg23 : memref<!tpu.dma_semaphore, #tpu.memory_space<semaphore_mem>>)
      %dma_start3A_130 = arith.constant 0 : i32
      %dma_start3A_131 = arith.constant 0 : i32
      %dma_start3A_132 = tpu.memref_slice %arg4[%dma_start3A_130, %dma_start3A_131] : memref<10000x128xf32, #tpu.memory_space<hbm>> -> memref<10000x128xf32, #tpu.memory_space<hbm>>
      tpu.enqueue_indirect_dma source(%dma_start3A_132 : memref<10000x128xf32, #tpu.memory_space<hbm>>) target(%arg15 : memref<40x128xf32, #tpu.memory_space<vmem>>) offsets(%arg9 : memref<40xi32, #tpu.memory_space<vmem>>) semaphore(%arg23 : memref<!tpu.dma_semaphore, #tpu.memory_space<semaphore_mem>>)
      %scan3A_133 = arith.constant 0 : i32
      %scan3A_134 = arith.constant 0 : i32
      %scan3A_135 = arith.constant 40 : i32
      %scan3A_136 = arith.addi %scan3A_134, %scan3A_135 : i32
      %scan3A_137 = arith.constant 1 : i32
      %scan3A_138 = scf.for %scan3A_150 = %scan3A_134 to %scan3A_136 step %scan3A_137 iter_args(%scan3A_151 = %scan3A_133) -> (i32)  : i32 {
        %get3A = arith.index_cast %scan3A_150 : i32 to index
        %get3A_152 = arith.constant 0 : index
        %get3A_153 = tpu.vector_load %arg16[%get3A, %get3A_152] {strides = array<i32>} : memref<40x128xf32, #tpu.memory_space<vmem>>, vector<1x16xf32>,
        %get3A_154 = vector.shape_cast %get3A_153 : vector<1x16xf32> to vector<16xf32>
        %get3A_155 = arith.index_cast %scan3A_150 : i32 to index
        %get3A_156 = arith.constant 0 : index
        %get3A_157 = tpu.vector_load %arg17[%get3A_155, %get3A_156] {strides = array<i32>} : memref<40x128xf32, #tpu.memory_space<vmem>>, vector<1x16xf32>,
        %get3A_158 = vector.shape_cast %get3A_157 : vector<1x16xf32> to vector<16xf32>
        %mul3A_159 = arith.mulf %get3A_154, %get3A_158 : vector<16xf32>
        %xor3A = arith.constant 1 : i32
        %xor3A_160 = vector.broadcast %xor3A : i32 to vector<16xi32>
        %xor3A_161 = arith.xori %iota3A, %xor3A_160 : vector<16xi32>
        %broadcast_in_dim3A_162 = vector.shape_cast %xor3A_161 : vector<16xi32> to vector<16x1xi32>
        %gather3A = vector.shape_cast %broadcast_in_dim3A_162 : vector<16x1xi32> to vector<16xi32>
        %gather3A_163 = tpu.dynamic_gather %mul3A_159[%gather3A] in [0] : vector<16xf32>, vector<16xi32> -> vector<16xf32>
        %add3A_164 = arith.addf %mul3A_159, %gather3A_163 : vector<16xf32>
        %xor3A_165 = arith.constant 2 : i32
        %xor3A_166 = vector.broadcast %xor3A_165 : i32 to vector<16xi32>
        %xor3A_167 = arith.xori %iota3A, %xor3A_166 : vector<16xi32>
        %broadcast_in_dim3A_168 = vector.shape_cast %xor3A_167 : vector<16xi32> to vector<16x1xi32>
        %gather3A_169 = vector.shape_cast %broadcast_in_dim3A_168 : vector<16x1xi32> to vector<16xi32>
        %gather3A_170 = tpu.dynamic_gather %add3A_164[%gather3A_169] in [0] : vector<16xf32>, vector<16xi32> -> vector<16xf32>
        %add3A_171 = arith.addf %add3A_164, %gather3A_170 : vector<16xf32>
        %xor3A_172 = arith.constant 4 : i32
        %xor3A_173 = vector.broadcast %xor3A_172 : i32 to vector<16xi32>
        %xor3A_174 = arith.xori %iota3A, %xor3A_173 : vector<16xi32>
        %broadcast_in_dim3A_175 = vector.shape_cast %xor3A_174 : vector<16xi32> to vector<16x1xi32>
        %gather3A_176 = vector.shape_cast %broadcast_in_dim3A_175 : vector<16x1xi32> to vector<16xi32>
        %gather3A_177 = tpu.dynamic_gather %add3A_171[%gather3A_176] in [0] : vector<16xf32>, vector<16xi32> -> vector<16xf32>
        %add3A_178 = arith.addf %add3A_171, %gather3A_177 : vector<16xf32>
        %xor3A_179 = arith.constant 8 : i32
        %xor3A_180 = vector.broadcast %xor3A_179 : i32 to vector<16xi32>
        %xor3A_181 = arith.xori %iota3A, %xor3A_180 : vector<16xi32>
        %broadcast_in_dim3A_182 = vector.shape_cast %xor3A_181 : vector<16xi32> to vector<16x1xi32>
        %gather3A_183 = vector.shape_cast %broadcast_in_dim3A_182 : vector<16x1xi32> to vector<16xi32>
        %gather3A_184 = tpu.dynamic_gather %add3A_178[%gather3A_183] in [0] : vector<16xf32>, vector<16xi32> -> vector<16xf32>
        %add3A_185 = arith.addf %add3A_178, %gather3A_184 : vector<16xf32>
        %max3A = arith.constant -5.000000e+00 : f32
        %max3A_186 = vector.broadcast %max3A : f32 to vector<16xf32>
        %max3A_187 = arith.maximumf %add3A_185, %max3A_186 : vector<16xf32>
        %min3A = arith.constant 5.000000e+00 : f32
        %min3A_188 = vector.broadcast %min3A : f32 to vector<16xf32>
        %min3A_189 = arith.minimumf %max3A_187, %min3A_188 : vector<16xf32>
        %exp3A = math.exp %min3A_189 : vector<16xf32>
        %get3A_190 = arith.index_cast %scan3A_150 : i32 to index
        %get3A_191 = arith.constant 0 : index
        %get3A_192 = tpu.vector_load %arg18[%get3A_190, %get3A_191] {strides = array<i32>} : memref<40x128xf32, #tpu.memory_space<vmem>>, vector<1x16xf32>,
        %get3A_193 = vector.shape_cast %get3A_192 : vector<1x16xf32> to vector<16xf32>
        %mul3A_194 = arith.mulf %exp3A, %get3A_193 : vector<16xf32>
        %swap3A = arith.index_cast %scan3A_150 : i32 to index
        %swap3A_195 = arith.constant 0 : index
        %swap3A_196 = tpu.vector_load %arg19[%swap3A, %swap3A_195] {strides = array<i32>} : memref<40x128xf32, #tpu.memory_space<vmem>>, vector<1x16xf32>,
        %swap3A_197 = vector.shape_cast %swap3A_196 : vector<1x16xf32> to vector<16xf32>
        %swap3A_198 = vector.shape_cast %mul3A_194 : vector<16xf32> to vector<1x16xf32>
        tpu.vector_store %arg19[%swap3A, %swap3A_195], %swap3A_198 {strides = array<i32>} : memref<40x128xf32, #tpu.memory_space<vmem>>, vector<1x16xf32>,
        %eq3A = arith.constant 0 : i32
        %eq3A_199 = vector.broadcast %eq3A : i32 to vector<16xi32>
        %eq3A_200 = arith.cmpi eq, %iota3A, %eq3A_199 : vector<16xi32>
        %select_n3A = arith.select %eq3A_200, %exp3A, %broadcast_in_dim3A_0 : vector<16xi1>, vector<16xf32>
        %get3A_201 = arith.index_cast %scan3A_150 : i32 to index
        %get3A_202 = arith.constant 16 : index
        %get3A_203 = tpu.vector_load %arg16[%get3A_201, %get3A_202] {strides = array<i32>} : memref<40x128xf32, #tpu.memory_space<vmem>>, vector<1x16xf32>,
        %get3A_204 = vector.shape_cast %get3A_203 : vector<1x16xf32> to vector<16xf32>
        %get3A_205 = arith.index_cast %scan3A_150 : i32 to index
        %get3A_206 = arith.constant 16 : index
        %get3A_207 = tpu.vector_load %arg17[%get3A_205, %get3A_206] {strides = array<i32>} : memref<40x128xf32, #tpu.memory_space<vmem>>, vector<1x16xf32>,
        %get3A_208 = vector.shape_cast %get3A_207 : vector<1x16xf32> to vector<16xf32>
        %mul3A_209 = arith.mulf %get3A_204, %get3A_208 : vector<16xf32>
        %xor3A_210 = arith.constant 1 : i32
        %xor3A_211 = vector.broadcast %xor3A_210 : i32 to vector<16xi32>
        %xor3A_212 = arith.xori %iota3A, %xor3A_211 : vector<16xi32>
        %broadcast_in_dim3A_213 = vector.shape_cast %xor3A_212 : vector<16xi32> to vector<16x1xi32>
        %gather3A_214 = vector.shape_cast %broadcast_in_dim3A_213 : vector<16x1xi32> to vector<16xi32>
        %gather3A_215 = tpu.dynamic_gather %mul3A_209[%gather3A_214] in [0] : vector<16xf32>, vector<16xi32> -> vector<16xf32>
        %add3A_216 = arith.addf %mul3A_209, %gather3A_215 : vector<16xf32>
        %xor3A_217 = arith.constant 2 : i32
        %xor3A_218 = vector.broadcast %xor3A_217 : i32 to vector<16xi32>
        %xor3A_219 = arith.xori %iota3A, %xor3A_218 : vector<16xi32>
        %broadcast_in_dim3A_220 = vector.shape_cast %xor3A_219 : vector<16xi32> to vector<16x1xi32>
        %gather3A_221 = vector.shape_cast %broadcast_in_dim3A_220 : vector<16x1xi32> to vector<16xi32>
        %gather3A_222 = tpu.dynamic_gather %add3A_216[%gather3A_221] in [0] : vector<16xf32>, vector<16xi32> -> vector<16xf32>
        %add3A_223 = arith.addf %add3A_216, %gather3A_222 : vector<16xf32>
        %xor3A_224 = arith.constant 4 : i32
        %xor3A_225 = vector.broadcast %xor3A_224 : i32 to vector<16xi32>
        %xor3A_226 = arith.xori %iota3A, %xor3A_225 : vector<16xi32>
        %broadcast_in_dim3A_227 = vector.shape_cast %xor3A_226 : vector<16xi32> to vector<16x1xi32>
        %gather3A_228 = vector.shape_cast %broadcast_in_dim3A_227 : vector<16x1xi32> to vector<16xi32>
        %gather3A_229 = tpu.dynamic_gather %add3A_223[%gather3A_228] in [0] : vector<16xf32>, vector<16xi32> -> vector<16xf32>
        %add3A_230 = arith.addf %add3A_223, %gather3A_229 : vector<16xf32>
        %xor3A_231 = arith.constant 8 : i32
        %xor3A_232 = vector.broadcast %xor3A_231 : i32 to vector<16xi32>
        %xor3A_233 = arith.xori %iota3A, %xor3A_232 : vector<16xi32>
        %broadcast_in_dim3A_234 = vector.shape_cast %xor3A_233 : vector<16xi32> to vector<16x1xi32>
        %gather3A_235 = vector.shape_cast %broadcast_in_dim3A_234 : vector<16x1xi32> to vector<16xi32>
        %gather3A_236 = tpu.dynamic_gather %add3A_230[%gather3A_235] in [0] : vector<16xf32>, vector<16xi32> -> vector<16xf32>
        %add3A_237 = arith.addf %add3A_230, %gather3A_236 : vector<16xf32>
        %max3A_238 = arith.constant -5.000000e+00 : f32
        %max3A_239 = vector.broadcast %max3A_238 : f32 to vector<16xf32>
        %max3A_240 = arith.maximumf %add3A_237, %max3A_239 : vector<16xf32>
        %min3A_241 = arith.constant 5.000000e+00 : f32
        %min3A_242 = vector.broadcast %min3A_241 : f32 to vector<16xf32>
        %min3A_243 = arith.minimumf %max3A_240, %min3A_242 : vector<16xf32>
        %exp3A_244 = math.exp %min3A_243 : vector<16xf32>
        %get3A_245 = arith.index_cast %scan3A_150 : i32 to index
        %get3A_246 = arith.constant 16 : index
        %get3A_247 = tpu.vector_load %arg18[%get3A_245, %get3A_246] {strides = array<i32>} : memref<40x128xf32, #tpu.memory_space<vmem>>, vector<1x16xf32>,
        %get3A_248 = vector.shape_cast %get3A_247 : vector<1x16xf32> to vector<16xf32>
        %mul3A_249 = arith.mulf %exp3A_244, %get3A_248 : vector<16xf32>
        %swap3A_250 = arith.index_cast %scan3A_150 : i32 to index
        %swap3A_251 = arith.constant 16 : index
        %swap3A_252 = tpu.vector_load %arg19[%swap3A_250, %swap3A_251] {strides = array<i32>} : memref<40x128xf32, #tpu.memory_space<vmem>>, vector<1x16xf32>,
        %swap3A_253 = vector.shape_cast %swap3A_252 : vector<1x16xf32> to vector<16xf32>
        %swap3A_254 = vector.shape_cast %mul3A_249 : vector<16xf32> to vector<1x16xf32>
        tpu.vector_store %arg19[%swap3A_250, %swap3A_251], %swap3A_254 {strides = array<i32>} : memref<40x128xf32, #tpu.memory_space<vmem>>, vector<1x16xf32>,
        %eq3A_255 = arith.constant 1 : i32
        %eq3A_256 = vector.broadcast %eq3A_255 : i32 to vector<16xi32>
        %eq3A_257 = arith.cmpi eq, %iota3A, %eq3A_256 : vector<16xi32>
        %select_n3A_258 = arith.select %eq3A_257, %exp3A_244, %select_n3A : vector<16xi1>, vector<16xf32>
        %get3A_259 = arith.index_cast %scan3A_150 : i32 to index
        %get3A_260 = arith.constant 32 : index
        %get3A_261 = tpu.vector_load %arg16[%get3A_259, %get3A_260] {strides = array<i32>} : memref<40x128xf32, #tpu.memory_space<vmem>>, vector<1x16xf32>,
        %get3A_262 = vector.shape_cast %get3A_261 : vector<1x16xf32> to vector<16xf32>
        %get3A_263 = arith.index_cast %scan3A_150 : i32 to index
        %get3A_264 = arith.constant 32 : index
        %get3A_265 = tpu.vector_load %arg17[%get3A_263, %get3A_264] {strides = array<i32>} : memref<40x128xf32, #tpu.memory_space<vmem>>, vector<1x16xf32>,
        %get3A_266 = vector.shape_cast %get3A_265 : vector<1x16xf32> to vector<16xf32>
        %mul3A_267 = arith.mulf %get3A_262, %get3A_266 : vector<16xf32>
        %xor3A_268 = arith.constant 1 : i32
        %xor3A_269 = vector.broadcast %xor3A_268 : i32 to vector<16xi32>
        %xor3A_270 = arith.xori %iota3A, %xor3A_269 : vector<16xi32>
        %broadcast_in_dim3A_271 = vector.shape_cast %xor3A_270 : vector<16xi32> to vector<16x1xi32>
        %gather3A_272 = vector.shape_cast %broadcast_in_dim3A_271 : vector<16x1xi32> to vector<16xi32>
        %gather3A_273 = tpu.dynamic_gather %mul3A_267[%gather3A_272] in [0] : vector<16xf32>, vector<16xi32> -> vector<16xf32>
        %add3A_274 = arith.addf %mul3A_267, %gather3A_273 : vector<16xf32>
        %xor3A_275 = arith.constant 2 : i32
        %xor3A_276 = vector.broadcast %xor3A_275 : i32 to vector<16xi32>
        %xor3A_277 = arith.xori %iota3A, %xor3A_276 : vector<16xi32>
        %broadcast_in_dim3A_278 = vector.shape_cast %xor3A_277 : vector<16xi32> to vector<16x1xi32>
        %gather3A_279 = vector.shape_cast %broadcast_in_dim3A_278 : vector<16x1xi32> to vector<16xi32>
        %gather3A_280 = tpu.dynamic_gather %add3A_274[%gather3A_279] in [0] : vector<16xf32>, vector<16xi32> -> vector<16xf32>
        %add3A_281 = arith.addf %add3A_274, %gather3A_280 : vector<16xf32>
        %xor3A_282 = arith.constant 4 : i32
        %xor3A_283 = vector.broadcast %xor3A_282 : i32 to vector<16xi32>
        %xor3A_284 = arith.xori %iota3A, %xor3A_283 : vector<16xi32>
        %broadcast_in_dim3A_285 = vector.shape_cast %xor3A_284 : vector<16xi32> to vector<16x1xi32>
        %gather3A_286 = vector.shape_cast %broadcast_in_dim3A_285 : vector<16x1xi32> to vector<16xi32>
        %gather3A_287 = tpu.dynamic_gather %add3A_281[%gather3A_286] in [0] : vector<16xf32>, vector<16xi32> -> vector<16xf32>
        %add3A_288 = arith.addf %add3A_281, %gather3A_287 : vector<16xf32>
        %xor3A_289 = arith.constant 8 : i32
        %xor3A_290 = vector.broadcast %xor3A_289 : i32 to vector<16xi32>
        %xor3A_291 = arith.xori %iota3A, %xor3A_290 : vector<16xi32>
        %broadcast_in_dim3A_292 = vector.shape_cast %xor3A_291 : vector<16xi32> to vector<16x1xi32>
        %gather3A_293 = vector.shape_cast %broadcast_in_dim3A_292 : vector<16x1xi32> to vector<16xi32>
        %gather3A_294 = tpu.dynamic_gather %add3A_288[%gather3A_293] in [0] : vector<16xf32>, vector<16xi32> -> vector<16xf32>
        %add3A_295 = arith.addf %add3A_288, %gather3A_294 : vector<16xf32>
        %max3A_296 = arith.constant -5.000000e+00 : f32
        %max3A_297 = vector.broadcast %max3A_296 : f32 to vector<16xf32>
        %max3A_298 = arith.maximumf %add3A_295, %max3A_297 : vector<16xf32>
        %min3A_299 = arith.constant 5.000000e+00 : f32
        %min3A_300 = vector.broadcast %min3A_299 : f32 to vector<16xf32>
        %min3A_301 = arith.minimumf %max3A_298, %min3A_300 : vector<16xf32>
        %exp3A_302 = math.exp %min3A_301 : vector<16xf32>
        %get3A_303 = arith.index_cast %scan3A_150 : i32 to index
        %get3A_304 = arith.constant 32 : index
        %get3A_305 = tpu.vector_load %arg18[%get3A_303, %get3A_304] {strides = array<i32>} : memref<40x128xf32, #tpu.memory_space<vmem>>, vector<1x16xf32>,
        %get3A_306 = vector.shape_cast %get3A_305 : vector<1x16xf32> to vector<16xf32>
        %mul3A_307 = arith.mulf %exp3A_302, %get3A_306 : vector<16xf32>
        %swap3A_308 = arith.index_cast %scan3A_150 : i32 to index
        %swap3A_309 = arith.constant 32 : index
        %swap3A_310 = tpu.vector_load %arg19[%swap3A_308, %swap3A_309] {strides = array<i32>} : memref<40x128xf32, #tpu.memory_space<vmem>>, vector<1x16xf32>,
        %swap3A_311 = vector.shape_cast %swap3A_310 : vector<1x16xf32> to vector<16xf32>
        %swap3A_312 = vector.shape_cast %mul3A_307 : vector<16xf32> to vector<1x16xf32>
        tpu.vector_store %arg19[%swap3A_308, %swap3A_309], %swap3A_312 {strides = array<i32>} : memref<40x128xf32, #tpu.memory_space<vmem>>, vector<1x16xf32>,
        %eq3A_313 = arith.constant 2 : i32
        %eq3A_314 = vector.broadcast %eq3A_313 : i32 to vector<16xi32>
        %eq3A_315 = arith.cmpi eq, %iota3A, %eq3A_314 : vector<16xi32>
        %select_n3A_316 = arith.select %eq3A_315, %exp3A_302, %select_n3A_258 : vector<16xi1>, vector<16xf32>
        %get3A_317 = arith.index_cast %scan3A_150 : i32 to index
        %get3A_318 = arith.constant 48 : index
        %get3A_319 = tpu.vector_load %arg16[%get3A_317, %get3A_318] {strides = array<i32>} : memref<40x128xf32, #tpu.memory_space<vmem>>, vector<1x16xf32>,
        %get3A_320 = vector.shape_cast %get3A_319 : vector<1x16xf32> to vector<16xf32>
        %get3A_321 = arith.index_cast %scan3A_150 : i32 to index
        %get3A_322 = arith.constant 48 : index
        %get3A_323 = tpu.vector_load %arg17[%get3A_321, %get3A_322] {strides = array<i32>} : memref<40x128xf32, #tpu.memory_space<vmem>>, vector<1x16xf32>,
        %get3A_324 = vector.shape_cast %get3A_323 : vector<1x16xf32> to vector<16xf32>
        %mul3A_325 = arith.mulf %get3A_320, %get3A_324 : vector<16xf32>
        %xor3A_326 = arith.constant 1 : i32
        %xor3A_327 = vector.broadcast %xor3A_326 : i32 to vector<16xi32>
        %xor3A_328 = arith.xori %iota3A, %xor3A_327 : vector<16xi32>
        %broadcast_in_dim3A_329 = vector.shape_cast %xor3A_328 : vector<16xi32> to vector<16x1xi32>
        %gather3A_330 = vector.shape_cast %broadcast_in_dim3A_329 : vector<16x1xi32> to vector<16xi32>
        %gather3A_331 = tpu.dynamic_gather %mul3A_325[%gather3A_330] in [0] : vector<16xf32>, vector<16xi32> -> vector<16xf32>
        %add3A_332 = arith.addf %mul3A_325, %gather3A_331 : vector<16xf32>
        %xor3A_333 = arith.constant 2 : i32
        %xor3A_334 = vector.broadcast %xor3A_333 : i32 to vector<16xi32>
        %xor3A_335 = arith.xori %iota3A, %xor3A_334 : vector<16xi32>
        %broadcast_in_dim3A_336 = vector.shape_cast %xor3A_335 : vector<16xi32> to vector<16x1xi32>
        %gather3A_337 = vector.shape_cast %broadcast_in_dim3A_336 : vector<16x1xi32> to vector<16xi32>
        %gather3A_338 = tpu.dynamic_gather %add3A_332[%gather3A_337] in [0] : vector<16xf32>, vector<16xi32> -> vector<16xf32>
        %add3A_339 = arith.addf %add3A_332, %gather3A_338 : vector<16xf32>
        %xor3A_340 = arith.constant 4 : i32
        %xor3A_341 = vector.broadcast %xor3A_340 : i32 to vector<16xi32>
        %xor3A_342 = arith.xori %iota3A, %xor3A_341 : vector<16xi32>
        %broadcast_in_dim3A_343 = vector.shape_cast %xor3A_342 : vector<16xi32> to vector<16x1xi32>
        %gather3A_344 = vector.shape_cast %broadcast_in_dim3A_343 : vector<16x1xi32> to vector<16xi32>
        %gather3A_345 = tpu.dynamic_gather %add3A_339[%gather3A_344] in [0] : vector<16xf32>, vector<16xi32> -> vector<16xf32>
        %add3A_346 = arith.addf %add3A_339, %gather3A_345 : vector<16xf32>
        %xor3A_347 = arith.constant 8 : i32
        %xor3A_348 = vector.broadcast %xor3A_347 : i32 to vector<16xi32>
        %xor3A_349 = arith.xori %iota3A, %xor3A_348 : vector<16xi32>
        %broadcast_in_dim3A_350 = vector.shape_cast %xor3A_349 : vector<16xi32> to vector<16x1xi32>
        %gather3A_351 = vector.shape_cast %broadcast_in_dim3A_350 : vector<16x1xi32> to vector<16xi32>
        %gather3A_352 = tpu.dynamic_gather %add3A_346[%gather3A_351] in [0] : vector<16xf32>, vector<16xi32> -> vector<16xf32>
        %add3A_353 = arith.addf %add3A_346, %gather3A_352 : vector<16xf32>
        %max3A_354 = arith.constant -5.000000e+00 : f32
        %max3A_355 = vector.broadcast %max3A_354 : f32 to vector<16xf32>
        %max3A_356 = arith.maximumf %add3A_353, %max3A_355 : vector<16xf32>
        %min3A_357 = arith.constant 5.000000e+00 : f32
        %min3A_358 = vector.broadcast %min3A_357 : f32 to vector<16xf32>
        %min3A_359 = arith.minimumf %max3A_356, %min3A_358 : vector<16xf32>
        %exp3A_360 = math.exp %min3A_359 : vector<16xf32>
        %get3A_361 = arith.index_cast %scan3A_150 : i32 to index
        %get3A_362 = arith.constant 48 : index
        %get3A_363 = tpu.vector_load %arg18[%get3A_361, %get3A_362] {strides = array<i32>} : memref<40x128xf32, #tpu.memory_space<vmem>>, vector<1x16xf32>,
        %get3A_364 = vector.shape_cast %get3A_363 : vector<1x16xf32> to vector<16xf32>
        %mul3A_365 = arith.mulf %exp3A_360, %get3A_364 : vector<16xf32>
        %swap3A_366 = arith.index_cast %scan3A_150 : i32 to index
        %swap3A_367 = arith.constant 48 : index
        %swap3A_368 = tpu.vector_load %arg19[%swap3A_366, %swap3A_367] {strides = array<i32>} : memref<40x128xf32, #tpu.memory_space<vmem>>, vector<1x16xf32>,
        %swap3A_369 = vector.shape_cast %swap3A_368 : vector<1x16xf32> to vector<16xf32>
        %swap3A_370 = vector.shape_cast %mul3A_365 : vector<16xf32> to vector<1x16xf32>
        tpu.vector_store %arg19[%swap3A_366, %swap3A_367], %swap3A_370 {strides = array<i32>} : memref<40x128xf32, #tpu.memory_space<vmem>>, vector<1x16xf32>,
        %eq3A_371 = arith.constant 3 : i32
        %eq3A_372 = vector.broadcast %eq3A_371 : i32 to vector<16xi32>
        %eq3A_373 = arith.cmpi eq, %iota3A, %eq3A_372 : vector<16xi32>
        %select_n3A_374 = arith.select %eq3A_373, %exp3A_360, %select_n3A_316 : vector<16xi1>, vector<16xf32>
        %get3A_375 = arith.index_cast %scan3A_150 : i32 to index
        %get3A_376 = arith.constant 64 : index
        %get3A_377 = tpu.vector_load %arg16[%get3A_375, %get3A_376] {strides = array<i32>} : memref<40x128xf32, #tpu.memory_space<vmem>>, vector<1x16xf32>,
        %get3A_378 = vector.shape_cast %get3A_377 : vector<1x16xf32> to vector<16xf32>
        %get3A_379 = arith.index_cast %scan3A_150 : i32 to index
        %get3A_380 = arith.constant 64 : index
        %get3A_381 = tpu.vector_load %arg17[%get3A_379, %get3A_380] {strides = array<i32>} : memref<40x128xf32, #tpu.memory_space<vmem>>, vector<1x16xf32>,
        %get3A_382 = vector.shape_cast %get3A_381 : vector<1x16xf32> to vector<16xf32>
        %mul3A_383 = arith.mulf %get3A_378, %get3A_382 : vector<16xf32>
        %xor3A_384 = arith.constant 1 : i32
        %xor3A_385 = vector.broadcast %xor3A_384 : i32 to vector<16xi32>
        %xor3A_386 = arith.xori %iota3A, %xor3A_385 : vector<16xi32>
        %broadcast_in_dim3A_387 = vector.shape_cast %xor3A_386 : vector<16xi32> to vector<16x1xi32>
        %gather3A_388 = vector.shape_cast %broadcast_in_dim3A_387 : vector<16x1xi32> to vector<16xi32>
        %gather3A_389 = tpu.dynamic_gather %mul3A_383[%gather3A_388] in [0] : vector<16xf32>, vector<16xi32> -> vector<16xf32>
        %add3A_390 = arith.addf %mul3A_383, %gather3A_389 : vector<16xf32>
        %xor3A_391 = arith.constant 2 : i32
        %xor3A_392 = vector.broadcast %xor3A_391 : i32 to vector<16xi32>
        %xor3A_393 = arith.xori %iota3A, %xor3A_392 : vector<16xi32>
        %broadcast_in_dim3A_394 = vector.shape_cast %xor3A_393 : vector<16xi32> to vector<16x1xi32>
        %gather3A_395 = vector.shape_cast %broadcast_in_dim3A_394 : vector<16x1xi32> to vector<16xi32>
        %gather3A_396 = tpu.dynamic_gather %add3A_390[%gather3A_395] in [0] : vector<16xf32>, vector<16xi32> -> vector<16xf32>
        %add3A_397 = arith.addf %add3A_390, %gather3A_396 : vector<16xf32>
        %xor3A_398 = arith.constant 4 : i32
        %xor3A_399 = vector.broadcast %xor3A_398 : i32 to vector<16xi32>
        %xor3A_400 = arith.xori %iota3A, %xor3A_399 : vector<16xi32>
        %broadcast_in_dim3A_401 = vector.shape_cast %xor3A_400 : vector<16xi32> to vector<16x1xi32>
        %gather3A_402 = vector.shape_cast %broadcast_in_dim3A_401 : vector<16x1xi32> to vector<16xi32>
        %gather3A_403 = tpu.dynamic_gather %add3A_397[%gather3A_402] in [0] : vector<16xf32>, vector<16xi32> -> vector<16xf32>
        %add3A_404 = arith.addf %add3A_397, %gather3A_403 : vector<16xf32>
        %xor3A_405 = arith.constant 8 : i32
        %xor3A_406 = vector.broadcast %xor3A_405 : i32 to vector<16xi32>
        %xor3A_407 = arith.xori %iota3A, %xor3A_406 : vector<16xi32>
        %broadcast_in_dim3A_408 = vector.shape_cast %xor3A_407 : vector<16xi32> to vector<16x1xi32>
        %gather3A_409 = vector.shape_cast %broadcast_in_dim3A_408 : vector<16x1xi32> to vector<16xi32>
        %gather3A_410 = tpu.dynamic_gather %add3A_404[%gather3A_409] in [0] : vector<16xf32>, vector<16xi32> -> vector<16xf32>
        %add3A_411 = arith.addf %add3A_404, %gather3A_410 : vector<16xf32>
        %max3A_412 = arith.constant -5.000000e+00 : f32
        %max3A_413 = vector.broadcast %max3A_412 : f32 to vector<16xf32>
        %max3A_414 = arith.maximumf %add3A_411, %max3A_413 : vector<16xf32>
        %min3A_415 = arith.constant 5.000000e+00 : f32
        %min3A_416 = vector.broadcast %min3A_415 : f32 to vector<16xf32>
        %min3A_417 = arith.minimumf %max3A_414, %min3A_416 : vector<16xf32>
        %exp3A_418 = math.exp %min3A_417 : vector<16xf32>
        %get3A_419 = arith.index_cast %scan3A_150 : i32 to index
        %get3A_420 = arith.constant 64 : index
        %get3A_421 = tpu.vector_load %arg18[%get3A_419, %get3A_420] {strides = array<i32>} : memref<40x128xf32, #tpu.memory_space<vmem>>, vector<1x16xf32>,
        %get3A_422 = vector.shape_cast %get3A_421 : vector<1x16xf32> to vector<16xf32>
        %mul3A_423 = arith.mulf %exp3A_418, %get3A_422 : vector<16xf32>
        %swap3A_424 = arith.index_cast %scan3A_150 : i32 to index
        %swap3A_425 = arith.constant 64 : index
        %swap3A_426 = tpu.vector_load %arg19[%swap3A_424, %swap3A_425] {strides = array<i32>} : memref<40x128xf32, #tpu.memory_space<vmem>>, vector<1x16xf32>,
        %swap3A_427 = vector.shape_cast %swap3A_426 : vector<1x16xf32> to vector<16xf32>
        %swap3A_428 = vector.shape_cast %mul3A_423 : vector<16xf32> to vector<1x16xf32>
        tpu.vector_store %arg19[%swap3A_424, %swap3A_425], %swap3A_428 {strides = array<i32>} : memref<40x128xf32, #tpu.memory_space<vmem>>, vector<1x16xf32>,
        %eq3A_429 = arith.constant 4 : i32
        %eq3A_430 = vector.broadcast %eq3A_429 : i32 to vector<16xi32>
        %eq3A_431 = arith.cmpi eq, %iota3A, %eq3A_430 : vector<16xi32>
        %select_n3A_432 = arith.select %eq3A_431, %exp3A_418, %select_n3A_374 : vector<16xi1>, vector<16xf32>
        %get3A_433 = arith.index_cast %scan3A_150 : i32 to index
        %get3A_434 = arith.constant 80 : index
        %get3A_435 = tpu.vector_load %arg16[%get3A_433, %get3A_434] {strides = array<i32>} : memref<40x128xf32, #tpu.memory_space<vmem>>, vector<1x16xf32>,
        %get3A_436 = vector.shape_cast %get3A_435 : vector<1x16xf32> to vector<16xf32>
        %get3A_437 = arith.index_cast %scan3A_150 : i32 to index
        %get3A_438 = arith.constant 80 : index
        %get3A_439 = tpu.vector_load %arg17[%get3A_437, %get3A_438] {strides = array<i32>} : memref<40x128xf32, #tpu.memory_space<vmem>>, vector<1x16xf32>,
        %get3A_440 = vector.shape_cast %get3A_439 : vector<1x16xf32> to vector<16xf32>
        %mul3A_441 = arith.mulf %get3A_436, %get3A_440 : vector<16xf32>
        %xor3A_442 = arith.constant 1 : i32
        %xor3A_443 = vector.broadcast %xor3A_442 : i32 to vector<16xi32>
        %xor3A_444 = arith.xori %iota3A, %xor3A_443 : vector<16xi32>
        %broadcast_in_dim3A_445 = vector.shape_cast %xor3A_444 : vector<16xi32> to vector<16x1xi32>
        %gather3A_446 = vector.shape_cast %broadcast_in_dim3A_445 : vector<16x1xi32> to vector<16xi32>
        %gather3A_447 = tpu.dynamic_gather %mul3A_441[%gather3A_446] in [0] : vector<16xf32>, vector<16xi32> -> vector<16xf32>
        %add3A_448 = arith.addf %mul3A_441, %gather3A_447 : vector<16xf32>
        %xor3A_449 = arith.constant 2 : i32
        %xor3A_450 = vector.broadcast %xor3A_449 : i32 to vector<16xi32>
        %xor3A_451 = arith.xori %iota3A, %xor3A_450 : vector<16xi32>
        %broadcast_in_dim3A_452 = vector.shape_cast %xor3A_451 : vector<16xi32> to vector<16x1xi32>
        %gather3A_453 = vector.shape_cast %broadcast_in_dim3A_452 : vector<16x1xi32> to vector<16xi32>
        %gather3A_454 = tpu.dynamic_gather %add3A_448[%gather3A_453] in [0] : vector<16xf32>, vector<16xi32> -> vector<16xf32>
        %add3A_455 = arith.addf %add3A_448, %gather3A_454 : vector<16xf32>
        %xor3A_456 = arith.constant 4 : i32
        %xor3A_457 = vector.broadcast %xor3A_456 : i32 to vector<16xi32>
        %xor3A_458 = arith.xori %iota3A, %xor3A_457 : vector<16xi32>
        %broadcast_in_dim3A_459 = vector.shape_cast %xor3A_458 : vector<16xi32> to vector<16x1xi32>
        %gather3A_460 = vector.shape_cast %broadcast_in_dim3A_459 : vector<16x1xi32> to vector<16xi32>
        %gather3A_461 = tpu.dynamic_gather %add3A_455[%gather3A_460] in [0] : vector<16xf32>, vector<16xi32> -> vector<16xf32>
        %add3A_462 = arith.addf %add3A_455, %gather3A_461 : vector<16xf32>
        %xor3A_463 = arith.constant 8 : i32
        %xor3A_464 = vector.broadcast %xor3A_463 : i32 to vector<16xi32>
        %xor3A_465 = arith.xori %iota3A, %xor3A_464 : vector<16xi32>
        %broadcast_in_dim3A_466 = vector.shape_cast %xor3A_465 : vector<16xi32> to vector<16x1xi32>
        %gather3A_467 = vector.shape_cast %broadcast_in_dim3A_466 : vector<16x1xi32> to vector<16xi32>
        %gather3A_468 = tpu.dynamic_gather %add3A_462[%gather3A_467] in [0] : vector<16xf32>, vector<16xi32> -> vector<16xf32>
        %add3A_469 = arith.addf %add3A_462, %gather3A_468 : vector<16xf32>
        %max3A_470 = arith.constant -5.000000e+00 : f32
        %max3A_471 = vector.broadcast %max3A_470 : f32 to vector<16xf32>
        %max3A_472 = arith.maximumf %add3A_469, %max3A_471 : vector<16xf32>
        %min3A_473 = arith.constant 5.000000e+00 : f32
        %min3A_474 = vector.broadcast %min3A_473 : f32 to vector<16xf32>
        %min3A_475 = arith.minimumf %max3A_472, %min3A_474 : vector<16xf32>
        %exp3A_476 = math.exp %min3A_475 : vector<16xf32>
        %get3A_477 = arith.index_cast %scan3A_150 : i32 to index
        %get3A_478 = arith.constant 80 : index
        %get3A_479 = tpu.vector_load %arg18[%get3A_477, %get3A_478] {strides = array<i32>} : memref<40x128xf32, #tpu.memory_space<vmem>>, vector<1x16xf32>,
        %get3A_480 = vector.shape_cast %get3A_479 : vector<1x16xf32> to vector<16xf32>
        %mul3A_481 = arith.mulf %exp3A_476, %get3A_480 : vector<16xf32>
        %swap3A_482 = arith.index_cast %scan3A_150 : i32 to index
        %swap3A_483 = arith.constant 80 : index
        %swap3A_484 = tpu.vector_load %arg19[%swap3A_482, %swap3A_483] {strides = array<i32>} : memref<40x128xf32, #tpu.memory_space<vmem>>, vector<1x16xf32>,
        %swap3A_485 = vector.shape_cast %swap3A_484 : vector<1x16xf32> to vector<16xf32>
        %swap3A_486 = vector.shape_cast %mul3A_481 : vector<16xf32> to vector<1x16xf32>
        tpu.vector_store %arg19[%swap3A_482, %swap3A_483], %swap3A_486 {strides = array<i32>} : memref<40x128xf32, #tpu.memory_space<vmem>>, vector<1x16xf32>,
        %eq3A_487 = arith.constant 5 : i32
        %eq3A_488 = vector.broadcast %eq3A_487 : i32 to vector<16xi32>
        %eq3A_489 = arith.cmpi eq, %iota3A, %eq3A_488 : vector<16xi32>
        %select_n3A_490 = arith.select %eq3A_489, %exp3A_476, %select_n3A_432 : vector<16xi1>, vector<16xf32>
        %get3A_491 = arith.index_cast %scan3A_150 : i32 to index
        %get3A_492 = arith.constant 96 : index
        %get3A_493 = tpu.vector_load %arg16[%get3A_491, %get3A_492] {strides = array<i32>} : memref<40x128xf32, #tpu.memory_space<vmem>>, vector<1x16xf32>,
        %get3A_494 = vector.shape_cast %get3A_493 : vector<1x16xf32> to vector<16xf32>
        %get3A_495 = arith.index_cast %scan3A_150 : i32 to index
        %get3A_496 = arith.constant 96 : index
        %get3A_497 = tpu.vector_load %arg17[%get3A_495, %get3A_496] {strides = array<i32>} : memref<40x128xf32, #tpu.memory_space<vmem>>, vector<1x16xf32>,
        %get3A_498 = vector.shape_cast %get3A_497 : vector<1x16xf32> to vector<16xf32>
        %mul3A_499 = arith.mulf %get3A_494, %get3A_498 : vector<16xf32>
        %xor3A_500 = arith.constant 1 : i32
        %xor3A_501 = vector.broadcast %xor3A_500 : i32 to vector<16xi32>
        %xor3A_502 = arith.xori %iota3A, %xor3A_501 : vector<16xi32>
        %broadcast_in_dim3A_503 = vector.shape_cast %xor3A_502 : vector<16xi32> to vector<16x1xi32>
        %gather3A_504 = vector.shape_cast %broadcast_in_dim3A_503 : vector<16x1xi32> to vector<16xi32>
        %gather3A_505 = tpu.dynamic_gather %mul3A_499[%gather3A_504] in [0] : vector<16xf32>, vector<16xi32> -> vector<16xf32>
        %add3A_506 = arith.addf %mul3A_499, %gather3A_505 : vector<16xf32>
        %xor3A_507 = arith.constant 2 : i32
        %xor3A_508 = vector.broadcast %xor3A_507 : i32 to vector<16xi32>
        %xor3A_509 = arith.xori %iota3A, %xor3A_508 : vector<16xi32>
        %broadcast_in_dim3A_510 = vector.shape_cast %xor3A_509 : vector<16xi32> to vector<16x1xi32>
        %gather3A_511 = vector.shape_cast %broadcast_in_dim3A_510 : vector<16x1xi32> to vector<16xi32>
        %gather3A_512 = tpu.dynamic_gather %add3A_506[%gather3A_511] in [0] : vector<16xf32>, vector<16xi32> -> vector<16xf32>
        %add3A_513 = arith.addf %add3A_506, %gather3A_512 : vector<16xf32>
        %xor3A_514 = arith.constant 4 : i32
        %xor3A_515 = vector.broadcast %xor3A_514 : i32 to vector<16xi32>
        %xor3A_516 = arith.xori %iota3A, %xor3A_515 : vector<16xi32>
        %broadcast_in_dim3A_517 = vector.shape_cast %xor3A_516 : vector<16xi32> to vector<16x1xi32>
        %gather3A_518 = vector.shape_cast %broadcast_in_dim3A_517 : vector<16x1xi32> to vector<16xi32>
        %gather3A_519 = tpu.dynamic_gather %add3A_513[%gather3A_518] in [0] : vector<16xf32>, vector<16xi32> -> vector<16xf32>
        %add3A_520 = arith.addf %add3A_513, %gather3A_519 : vector<16xf32>
        %xor3A_521 = arith.constant 8 : i32
        %xor3A_522 = vector.broadcast %xor3A_521 : i32 to vector<16xi32>
        %xor3A_523 = arith.xori %iota3A, %xor3A_522 : vector<16xi32>
        %broadcast_in_dim3A_524 = vector.shape_cast %xor3A_523 : vector<16xi32> to vector<16x1xi32>
        %gather3A_525 = vector.shape_cast %broadcast_in_dim3A_524 : vector<16x1xi32> to vector<16xi32>
        %gather3A_526 = tpu.dynamic_gather %add3A_520[%gather3A_525] in [0] : vector<16xf32>, vector<16xi32> -> vector<16xf32>
        %add3A_527 = arith.addf %add3A_520, %gather3A_526 : vector<16xf32>
        %max3A_528 = arith.constant -5.000000e+00 : f32
        %max3A_529 = vector.broadcast %max3A_528 : f32 to vector<16xf32>
        %max3A_530 = arith.maximumf %add3A_527, %max3A_529 : vector<16xf32>
        %min3A_531 = arith.constant 5.000000e+00 : f32
        %min3A_532 = vector.broadcast %min3A_531 : f32 to vector<16xf32>
        %min3A_533 = arith.minimumf %max3A_530, %min3A_532 : vector<16xf32>
        %exp3A_534 = math.exp %min3A_533 : vector<16xf32>
        %get3A_535 = arith.index_cast %scan3A_150 : i32 to index
        %get3A_536 = arith.constant 96 : index
        %get3A_537 = tpu.vector_load %arg18[%get3A_535, %get3A_536] {strides = array<i32>} : memref<40x128xf32, #tpu.memory_space<vmem>>, vector<1x16xf32>,
        %get3A_538 = vector.shape_cast %get3A_537 : vector<1x16xf32> to vector<16xf32>
        %mul3A_539 = arith.mulf %exp3A_534, %get3A_538 : vector<16xf32>
        %swap3A_540 = arith.index_cast %scan3A_150 : i32 to index
        %swap3A_541 = arith.constant 96 : index
        %swap3A_542 = tpu.vector_load %arg19[%swap3A_540, %swap3A_541] {strides = array<i32>} : memref<40x128xf32, #tpu.memory_space<vmem>>, vector<1x16xf32>,
        %swap3A_543 = vector.shape_cast %swap3A_542 : vector<1x16xf32> to vector<16xf32>
        %swap3A_544 = vector.shape_cast %mul3A_539 : vector<16xf32> to vector<1x16xf32>
        tpu.vector_store %arg19[%swap3A_540, %swap3A_541], %swap3A_544 {strides = array<i32>} : memref<40x128xf32, #tpu.memory_space<vmem>>, vector<1x16xf32>,
        %eq3A_545 = arith.constant 6 : i32
        %eq3A_546 = vector.broadcast %eq3A_545 : i32 to vector<16xi32>
        %eq3A_547 = arith.cmpi eq, %iota3A, %eq3A_546 : vector<16xi32>
        %select_n3A_548 = arith.select %eq3A_547, %exp3A_534, %select_n3A_490 : vector<16xi1>, vector<16xf32>
        %get3A_549 = arith.index_cast %scan3A_150 : i32 to index
        %get3A_550 = arith.constant 112 : index
        %get3A_551 = tpu.vector_load %arg16[%get3A_549, %get3A_550] {strides = array<i32>} : memref<40x128xf32, #tpu.memory_space<vmem>>, vector<1x16xf32>,
        %get3A_552 = vector.shape_cast %get3A_551 : vector<1x16xf32> to vector<16xf32>
        %get3A_553 = arith.index_cast %scan3A_150 : i32 to index
        %get3A_554 = arith.constant 112 : index
        %get3A_555 = tpu.vector_load %arg17[%get3A_553, %get3A_554] {strides = array<i32>} : memref<40x128xf32, #tpu.memory_space<vmem>>, vector<1x16xf32>,
        %get3A_556 = vector.shape_cast %get3A_555 : vector<1x16xf32> to vector<16xf32>
        %mul3A_557 = arith.mulf %get3A_552, %get3A_556 : vector<16xf32>
        %xor3A_558 = arith.constant 1 : i32
        %xor3A_559 = vector.broadcast %xor3A_558 : i32 to vector<16xi32>
        %xor3A_560 = arith.xori %iota3A, %xor3A_559 : vector<16xi32>
        %broadcast_in_dim3A_561 = vector.shape_cast %xor3A_560 : vector<16xi32> to vector<16x1xi32>
        %gather3A_562 = vector.shape_cast %broadcast_in_dim3A_561 : vector<16x1xi32> to vector<16xi32>
        %gather3A_563 = tpu.dynamic_gather %mul3A_557[%gather3A_562] in [0] : vector<16xf32>, vector<16xi32> -> vector<16xf32>
        %add3A_564 = arith.addf %mul3A_557, %gather3A_563 : vector<16xf32>
        %xor3A_565 = arith.constant 2 : i32
        %xor3A_566 = vector.broadcast %xor3A_565 : i32 to vector<16xi32>
        %xor3A_567 = arith.xori %iota3A, %xor3A_566 : vector<16xi32>
        %broadcast_in_dim3A_568 = vector.shape_cast %xor3A_567 : vector<16xi32> to vector<16x1xi32>
        %gather3A_569 = vector.shape_cast %broadcast_in_dim3A_568 : vector<16x1xi32> to vector<16xi32>
        %gather3A_570 = tpu.dynamic_gather %add3A_564[%gather3A_569] in [0] : vector<16xf32>, vector<16xi32> -> vector<16xf32>
        %add3A_571 = arith.addf %add3A_564, %gather3A_570 : vector<16xf32>
        %xor3A_572 = arith.constant 4 : i32
        %xor3A_573 = vector.broadcast %xor3A_572 : i32 to vector<16xi32>
        %xor3A_574 = arith.xori %iota3A, %xor3A_573 : vector<16xi32>
        %broadcast_in_dim3A_575 = vector.shape_cast %xor3A_574 : vector<16xi32> to vector<16x1xi32>
        %gather3A_576 = vector.shape_cast %broadcast_in_dim3A_575 : vector<16x1xi32> to vector<16xi32>
        %gather3A_577 = tpu.dynamic_gather %add3A_571[%gather3A_576] in [0] : vector<16xf32>, vector<16xi32> -> vector<16xf32>
        %add3A_578 = arith.addf %add3A_571, %gather3A_577 : vector<16xf32>
        %xor3A_579 = arith.constant 8 : i32
        %xor3A_580 = vector.broadcast %xor3A_579 : i32 to vector<16xi32>
        %xor3A_581 = arith.xori %iota3A, %xor3A_580 : vector<16xi32>
        %broadcast_in_dim3A_582 = vector.shape_cast %xor3A_581 : vector<16xi32> to vector<16x1xi32>
        %gather3A_583 = vector.shape_cast %broadcast_in_dim3A_582 : vector<16x1xi32> to vector<16xi32>
        %gather3A_584 = tpu.dynamic_gather %add3A_578[%gather3A_583] in [0] : vector<16xf32>, vector<16xi32> -> vector<16xf32>
        %add3A_585 = arith.addf %add3A_578, %gather3A_584 : vector<16xf32>
        %max3A_586 = arith.constant -5.000000e+00 : f32
        %max3A_587 = vector.broadcast %max3A_586 : f32 to vector<16xf32>
        %max3A_588 = arith.maximumf %add3A_585, %max3A_587 : vector<16xf32>
        %min3A_589 = arith.constant 5.000000e+00 : f32
        %min3A_590 = vector.broadcast %min3A_589 : f32 to vector<16xf32>
        %min3A_591 = arith.minimumf %max3A_588, %min3A_590 : vector<16xf32>
        %exp3A_592 = math.exp %min3A_591 : vector<16xf32>
        %get3A_593 = arith.index_cast %scan3A_150 : i32 to index
        %get3A_594 = arith.constant 112 : index
        %get3A_595 = tpu.vector_load %arg18[%get3A_593, %get3A_594] {strides = array<i32>} : memref<40x128xf32, #tpu.memory_space<vmem>>, vector<1x16xf32>,
        %get3A_596 = vector.shape_cast %get3A_595 : vector<1x16xf32> to vector<16xf32>
        %mul3A_597 = arith.mulf %exp3A_592, %get3A_596 : vector<16xf32>
        %swap3A_598 = arith.index_cast %scan3A_150 : i32 to index
        %swap3A_599 = arith.constant 112 : index
        %swap3A_600 = tpu.vector_load %arg19[%swap3A_598, %swap3A_599] {strides = array<i32>} : memref<40x128xf32, #tpu.memory_space<vmem>>, vector<1x16xf32>,
        %swap3A_601 = vector.shape_cast %swap3A_600 : vector<1x16xf32> to vector<16xf32>
        %swap3A_602 = vector.shape_cast %mul3A_597 : vector<16xf32> to vector<1x16xf32>
        tpu.vector_store %arg19[%swap3A_598, %swap3A_599], %swap3A_602 {strides = array<i32>} : memref<40x128xf32, #tpu.memory_space<vmem>>, vector<1x16xf32>,
        %eq3A_603 = arith.constant 7 : i32
        %eq3A_604 = vector.broadcast %eq3A_603 : i32 to vector<16xi32>
        %eq3A_605 = arith.cmpi eq, %iota3A, %eq3A_604 : vector<16xi32>
        %select_n3A_606 = arith.select %eq3A_605, %exp3A_592, %select_n3A_548 : vector<16xi1>, vector<16xf32>
        %swap3A_607 = arith.index_cast %scan3A_150 : i32 to index
        %swap3A_608 = arith.constant 0 : index
        %swap3A_609 = tpu.vector_load %arg20[%swap3A_607, %swap3A_608] {strides = array<i32>} : memref<40x16xf32, #tpu.memory_space<vmem>>, vector<1x16xf32>,
        %swap3A_610 = vector.shape_cast %swap3A_609 : vector<1x16xf32> to vector<16xf32>
        %swap3A_611 = vector.shape_cast %select_n3A_606 : vector<16xf32> to vector<1x16xf32>
        tpu.vector_store %arg20[%swap3A_607, %swap3A_608], %swap3A_611 {strides = array<i32>} : memref<40x16xf32, #tpu.memory_space<vmem>>, vector<1x16xf32>,
        %scan3A_612 = arith.constant 0 : i32
        scf.yield %scan3A_612 : i32
      }
      %scan3A_139 = arith.constant 40 : i32
      "tpu.region"() ({
        %run_scoped3A = tpu.sem_alloc : memref<!tpu.dma_semaphore, #tpu.memory_space<semaphore_mem>>
        %dma_start3A_150 = arith.constant 0 : i32
        %dma_start3A_151 = arith.constant 0 : i32
        %dma_start3A_152 = tpu.memref_slice %arg21[%dma_start3A_150, %dma_start3A_151] : memref<10240x128xf32, #tpu.memory_space<vmem_shared>> -> memref<10240x128xf32, #tpu.memory_space<vmem_shared>>
        tpu.enqueue_indirect_dma source(%arg19 : memref<40x128xf32, #tpu.memory_space<vmem>>) target(%dma_start3A_152 : memref<10240x128xf32, #tpu.memory_space<vmem_shared>>) offsets(%arg12 : memref<40xi32, #tpu.memory_space<vmem>>) semaphore(%run_scoped3A : memref<!tpu.dma_semaphore, #tpu.memory_space<semaphore_mem>>) {add = true}
        %dma_wait3A_153 = arith.constant 0 : i32
        %dma_wait3A_154 = arith.constant 0 : i32
        %dma_wait3A_155 = tpu.memref_slice %arg21[%dma_wait3A_153, %dma_wait3A_154] : memref<10240x128xf32, #tpu.memory_space<vmem_shared>> -> memref<10240x128xf32, #tpu.memory_space<vmem_shared>>
        tpu.wait_indirect_dma semaphore(%run_scoped3A : memref<!tpu.dma_semaphore, #tpu.memory_space<semaphore_mem>>) src(%arg19 : memref<40x128xf32, #tpu.memory_space<vmem>>) dst(%dma_wait3A_155 : memref<10240x128xf32, #tpu.memory_space<vmem_shared>>)
        tpu.yield
      }) : () -> ()
      "tpu.region"() ({
        %run_scoped3A = tpu.sem_alloc : memref<!tpu.dma_semaphore, #tpu.memory_space<semaphore_mem>>
        %dma_start3A_150 = arith.constant 0 : i32
        %dma_start3A_151 = arith.constant 0 : i32
        %dma_start3A_152 = tpu.memref_slice %arg22[%dma_start3A_150, %dma_start3A_151] : memref<10240x16xf32, #tpu.memory_space<vmem_shared>> -> memref<10240x16xf32, #tpu.memory_space<vmem_shared>>
        tpu.enqueue_indirect_dma source(%arg20 : memref<40x16xf32, #tpu.memory_space<vmem>>) target(%dma_start3A_152 : memref<10240x16xf32, #tpu.memory_space<vmem_shared>>) offsets(%arg12 : memref<40xi32, #tpu.memory_space<vmem>>) semaphore(%run_scoped3A : memref<!tpu.dma_semaphore, #tpu.memory_space<semaphore_mem>>) {add = true}
        %dma_wait3A_153 = arith.constant 0 : i32
        %dma_wait3A_154 = arith.constant 0 : i32
        %dma_wait3A_155 = tpu.memref_slice %arg22[%dma_wait3A_153, %dma_wait3A_154] : memref<10240x16xf32, #tpu.memory_space<vmem_shared>> -> memref<10240x16xf32, #tpu.memory_space<vmem_shared>>
        tpu.wait_indirect_dma semaphore(%run_scoped3A : memref<!tpu.dma_semaphore, #tpu.memory_space<semaphore_mem>>) src(%arg20 : memref<40x16xf32, #tpu.memory_space<vmem>>) dst(%dma_wait3A_155 : memref<10240x16xf32, #tpu.memory_space<vmem_shared>>)
        tpu.yield
      }) : () -> ()
      %dma_wait3A_140 = arith.constant 0 : i32
      %dma_wait3A_141 = arith.constant 0 : i32
      %dma_wait3A_142 = tpu.memref_slice %arg3[%dma_wait3A_140, %dma_wait3A_141] : memref<10000x128xf32, #tpu.memory_space<hbm>> -> memref<10000x128xf32, #tpu.memory_space<hbm>>
      tpu.wait_indirect_dma semaphore(%arg23 : memref<!tpu.dma_semaphore, #tpu.memory_space<semaphore_mem>>) src(%dma_wait3A_142 : memref<10000x128xf32, #tpu.memory_space<hbm>>) dst(%arg13 : memref<40x128xf32, #tpu.memory_space<vmem>>)
      %dma_wait3A_143 = arith.constant 0 : i32
      %dma_wait3A_144 = arith.constant 0 : i32
      %dma_wait3A_145 = tpu.memref_slice %arg2[%dma_wait3A_143, %dma_wait3A_144] : memref<10000x128xf32, #tpu.memory_space<hbm>> -> memref<10000x128xf32, #tpu.memory_space<hbm>>
      tpu.wait_indirect_dma semaphore(%arg23 : memref<!tpu.dma_semaphore, #tpu.memory_space<semaphore_mem>>) src(%dma_wait3A_145 : memref<10000x128xf32, #tpu.memory_space<hbm>>) dst(%arg14 : memref<40x128xf32, #tpu.memory_space<vmem>>)
      %dma_wait3A_146 = arith.constant 0 : i32
      %dma_wait3A_147 = arith.constant 0 : i32
      %dma_wait3A_148 = tpu.memref_slice %arg4[%dma_wait3A_146, %dma_wait3A_147] : memref<10000x128xf32, #tpu.memory_space<hbm>> -> memref<10000x128xf32, #tpu.memory_space<hbm>>
      tpu.wait_indirect_dma semaphore(%arg23 : memref<!tpu.dma_semaphore, #tpu.memory_space<semaphore_mem>>) src(%dma_wait3A_148 : memref<10000x128xf32, #tpu.memory_space<hbm>>) dst(%arg15 : memref<40x128xf32, #tpu.memory_space<vmem>>)
      %scan3A_149 = arith.constant 0 : i32
      scf.yield %scan3A_149 : i32
    }
    %scan3A_43 = arith.constant 124 : i32
    %add3A_44 = arith.constant 9960 : i32
    %add3A_45 = arith.addi %mul3A_18, %add3A_44 : i32
    "tpu.region"() ({
      %run_scoped3A = tpu.sem_alloc : memref<!tpu.dma_semaphore, #tpu.memory_space<semaphore_mem>>
      %dma_start3A_79 = tpu.memref_slice %arg5[%add3A_45] : memref<320000xi32, #tpu.memory_space<hbm>> -> memref<40xi32, #tpu.memory_space<hbm>>
      %dma_start3A_80 = tpu.memref_slice %arg5[%add3A_45] : memref<320000xi32, #tpu.memory_space<hbm>> -> memref<40xi32, #tpu.memory_space<hbm>>
      tpu.enqueue_dma source(%dma_start3A_80 : memref<40xi32, #tpu.memory_space<hbm>>) target(%arg11 : memref<40xi32, #tpu.memory_space<vmem>>) target_semaphore(%run_scoped3A : memref<!tpu.dma_semaphore, #tpu.memory_space<semaphore_mem>>)
      %dma_wait3A_81 = tpu.memref_slice %arg5[%add3A_45] : memref<320000xi32, #tpu.memory_space<hbm>> -> memref<40xi32, #tpu.memory_space<hbm>>
      %dma_wait3A_82 = tpu.memref_slice %arg5[%add3A_45] : memref<320000xi32, #tpu.memory_space<hbm>> -> memref<40xi32, #tpu.memory_space<hbm>>
      tpu.wait_dma2 semaphore(%run_scoped3A : memref<!tpu.dma_semaphore, #tpu.memory_space<semaphore_mem>>) src(%dma_wait3A_82 : memref<40xi32, #tpu.memory_space<hbm>>) dst(%arg11 : memref<40xi32, #tpu.memory_space<vmem>>)
      tpu.yield
    }) : () -> ()
    "tpu.region"() ({
      %run_scoped3A = tpu.sem_alloc : memref<!tpu.dma_semaphore, #tpu.memory_space<semaphore_mem>>
      %dma_start3A_79 = tpu.memref_slice %arg6[%add3A_45] : memref<320000xi32, #tpu.memory_space<hbm>> -> memref<40xi32, #tpu.memory_space<hbm>>
      %dma_start3A_80 = tpu.memref_slice %arg6[%add3A_45] : memref<320000xi32, #tpu.memory_space<hbm>> -> memref<40xi32, #tpu.memory_space<hbm>>
      tpu.enqueue_dma source(%dma_start3A_80 : memref<40xi32, #tpu.memory_space<hbm>>) target(%arg12 : memref<40xi32, #tpu.memory_space<vmem>>) target_semaphore(%run_scoped3A : memref<!tpu.dma_semaphore, #tpu.memory_space<semaphore_mem>>)
      %dma_wait3A_81 = tpu.memref_slice %arg6[%add3A_45] : memref<320000xi32, #tpu.memory_space<hbm>> -> memref<40xi32, #tpu.memory_space<hbm>>
      %dma_wait3A_82 = tpu.memref_slice %arg6[%add3A_45] : memref<320000xi32, #tpu.memory_space<hbm>> -> memref<40xi32, #tpu.memory_space<hbm>>
      tpu.wait_dma2 semaphore(%run_scoped3A : memref<!tpu.dma_semaphore, #tpu.memory_space<semaphore_mem>>) src(%dma_wait3A_82 : memref<40xi32, #tpu.memory_space<hbm>>) dst(%arg12 : memref<40xi32, #tpu.memory_space<vmem>>)
      tpu.yield
    }) : () -> ()
    %dma_start3A_46 = arith.constant 0 : i32
    %dma_start3A_47 = arith.constant 0 : i32
    %dma_start3A_48 = tpu.memref_slice %arg3[%dma_start3A_46, %dma_start3A_47] : memref<10000x128xf32, #tpu.memory_space<hbm>> -> memref<10000x128xf32, #tpu.memory_space<hbm>>
    tpu.enqueue_indirect_dma source(%dma_start3A_48 : memref<10000x128xf32, #tpu.memory_space<hbm>>) target(%arg16 : memref<40x128xf32, #tpu.memory_space<vmem>>) offsets(%arg11 : memref<40xi32, #tpu.memory_space<vmem>>) semaphore(%arg24 : memref<!tpu.dma_semaphore, #tpu.memory_space<semaphore_mem>>)
    %dma_start3A_49 = arith.constant 0 : i32
    %dma_start3A_50 = arith.constant 0 : i32
    %dma_start3A_51 = tpu.memref_slice %arg2[%dma_start3A_49, %dma_start3A_50] : memref<10000x128xf32, #tpu.memory_space<hbm>> -> memref<10000x128xf32, #tpu.memory_space<hbm>>
    tpu.enqueue_indirect_dma source(%dma_start3A_51 : memref<10000x128xf32, #tpu.memory_space<hbm>>) target(%arg17 : memref<40x128xf32, #tpu.memory_space<vmem>>) offsets(%arg12 : memref<40xi32, #tpu.memory_space<vmem>>) semaphore(%arg24 : memref<!tpu.dma_semaphore, #tpu.memory_space<semaphore_mem>>)
    %dma_start3A_52 = arith.constant 0 : i32
    %dma_start3A_53 = arith.constant 0 : i32
    %dma_start3A_54 = tpu.memref_slice %arg4[%dma_start3A_52, %dma_start3A_53] : memref<10000x128xf32, #tpu.memory_space<hbm>> -> memref<10000x128xf32, #tpu.memory_space<hbm>>
    tpu.enqueue_indirect_dma source(%dma_start3A_54 : memref<10000x128xf32, #tpu.memory_space<hbm>>) target(%arg18 : memref<40x128xf32, #tpu.memory_space<vmem>>) offsets(%arg11 : memref<40xi32, #tpu.memory_space<vmem>>) semaphore(%arg24 : memref<!tpu.dma_semaphore, #tpu.memory_space<semaphore_mem>>)
    %scan3A_55 = arith.constant 0 : i32
    %scan3A_56 = arith.constant 0 : i32
    %scan3A_57 = arith.constant 40 : i32
    %scan3A_58 = arith.addi %scan3A_56, %scan3A_57 : i32
    %scan3A_59 = arith.constant 1 : i32
    %scan3A_60 = scf.for %scan3A_79 = %scan3A_56 to %scan3A_58 step %scan3A_59 iter_args(%scan3A_80 = %scan3A_55) -> (i32)  : i32 {
      %get3A = arith.index_cast %scan3A_79 : i32 to index
      %get3A_81 = arith.constant 0 : index
      %get3A_82 = tpu.vector_load %arg13[%get3A, %get3A_81] {strides = array<i32>} : memref<40x128xf32, #tpu.memory_space<vmem>>, vector<1x16xf32>,
      %get3A_83 = vector.shape_cast %get3A_82 : vector<1x16xf32> to vector<16xf32>
      %get3A_84 = arith.index_cast %scan3A_79 : i32 to index
      %get3A_85 = arith.constant 0 : index
      %get3A_86 = tpu.vector_load %arg14[%get3A_84, %get3A_85] {strides = array<i32>} : memref<40x128xf32, #tpu.memory_space<vmem>>, vector<1x16xf32>,
      %get3A_87 = vector.shape_cast %get3A_86 : vector<1x16xf32> to vector<16xf32>
      %mul3A_88 = arith.mulf %get3A_83, %get3A_87 : vector<16xf32>
      %xor3A = arith.constant 1 : i32
      %xor3A_89 = vector.broadcast %xor3A : i32 to vector<16xi32>
      %xor3A_90 = arith.xori %iota3A, %xor3A_89 : vector<16xi32>
      %broadcast_in_dim3A_91 = vector.shape_cast %xor3A_90 : vector<16xi32> to vector<16x1xi32>
      %gather3A = vector.shape_cast %broadcast_in_dim3A_91 : vector<16x1xi32> to vector<16xi32>
      %gather3A_92 = tpu.dynamic_gather %mul3A_88[%gather3A] in [0] : vector<16xf32>, vector<16xi32> -> vector<16xf32>
      %add3A_93 = arith.addf %mul3A_88, %gather3A_92 : vector<16xf32>
      %xor3A_94 = arith.constant 2 : i32
      %xor3A_95 = vector.broadcast %xor3A_94 : i32 to vector<16xi32>
      %xor3A_96 = arith.xori %iota3A, %xor3A_95 : vector<16xi32>
      %broadcast_in_dim3A_97 = vector.shape_cast %xor3A_96 : vector<16xi32> to vector<16x1xi32>
      %gather3A_98 = vector.shape_cast %broadcast_in_dim3A_97 : vector<16x1xi32> to vector<16xi32>
      %gather3A_99 = tpu.dynamic_gather %add3A_93[%gather3A_98] in [0] : vector<16xf32>, vector<16xi32> -> vector<16xf32>
      %add3A_100 = arith.addf %add3A_93, %gather3A_99 : vector<16xf32>
      %xor3A_101 = arith.constant 4 : i32
      %xor3A_102 = vector.broadcast %xor3A_101 : i32 to vector<16xi32>
      %xor3A_103 = arith.xori %iota3A, %xor3A_102 : vector<16xi32>
      %broadcast_in_dim3A_104 = vector.shape_cast %xor3A_103 : vector<16xi32> to vector<16x1xi32>
      %gather3A_105 = vector.shape_cast %broadcast_in_dim3A_104 : vector<16x1xi32> to vector<16xi32>
      %gather3A_106 = tpu.dynamic_gather %add3A_100[%gather3A_105] in [0] : vector<16xf32>, vector<16xi32> -> vector<16xf32>
      %add3A_107 = arith.addf %add3A_100, %gather3A_106 : vector<16xf32>
      %xor3A_108 = arith.constant 8 : i32
      %xor3A_109 = vector.broadcast %xor3A_108 : i32 to vector<16xi32>
      %xor3A_110 = arith.xori %iota3A, %xor3A_109 : vector<16xi32>
      %broadcast_in_dim3A_111 = vector.shape_cast %xor3A_110 : vector<16xi32> to vector<16x1xi32>
      %gather3A_112 = vector.shape_cast %broadcast_in_dim3A_111 : vector<16x1xi32> to vector<16xi32>
      %gather3A_113 = tpu.dynamic_gather %add3A_107[%gather3A_112] in [0] : vector<16xf32>, vector<16xi32> -> vector<16xf32>
      %add3A_114 = arith.addf %add3A_107, %gather3A_113 : vector<16xf32>
      %max3A = arith.constant -5.000000e+00 : f32
      %max3A_115 = vector.broadcast %max3A : f32 to vector<16xf32>
      %max3A_116 = arith.maximumf %add3A_114, %max3A_115 : vector<16xf32>
      %min3A = arith.constant 5.000000e+00 : f32
      %min3A_117 = vector.broadcast %min3A : f32 to vector<16xf32>
      %min3A_118 = arith.minimumf %max3A_116, %min3A_117 : vector<16xf32>
      %exp3A = math.exp %min3A_118 : vector<16xf32>
      %get3A_119 = arith.index_cast %scan3A_79 : i32 to index
      %get3A_120 = arith.constant 0 : index
      %get3A_121 = tpu.vector_load %arg15[%get3A_119, %get3A_120] {strides = array<i32>} : memref<40x128xf32, #tpu.memory_space<vmem>>, vector<1x16xf32>,
      %get3A_122 = vector.shape_cast %get3A_121 : vector<1x16xf32> to vector<16xf32>
      %mul3A_123 = arith.mulf %exp3A, %get3A_122 : vector<16xf32>
      %swap3A = arith.index_cast %scan3A_79 : i32 to index
      %swap3A_124 = arith.constant 0 : index
      %swap3A_125 = tpu.vector_load %arg19[%swap3A, %swap3A_124] {strides = array<i32>} : memref<40x128xf32, #tpu.memory_space<vmem>>, vector<1x16xf32>,
      %swap3A_126 = vector.shape_cast %swap3A_125 : vector<1x16xf32> to vector<16xf32>
      %swap3A_127 = vector.shape_cast %mul3A_123 : vector<16xf32> to vector<1x16xf32>
      tpu.vector_store %arg19[%swap3A, %swap3A_124], %swap3A_127 {strides = array<i32>} : memref<40x128xf32, #tpu.memory_space<vmem>>, vector<1x16xf32>,
      %eq3A = arith.constant 0 : i32
      %eq3A_128 = vector.broadcast %eq3A : i32 to vector<16xi32>
      %eq3A_129 = arith.cmpi eq, %iota3A, %eq3A_128 : vector<16xi32>
      %select_n3A = arith.select %eq3A_129, %exp3A, %broadcast_in_dim3A_0 : vector<16xi1>, vector<16xf32>
      %get3A_130 = arith.index_cast %scan3A_79 : i32 to index
      %get3A_131 = arith.constant 16 : index
      %get3A_132 = tpu.vector_load %arg13[%get3A_130, %get3A_131] {strides = array<i32>} : memref<40x128xf32, #tpu.memory_space<vmem>>, vector<1x16xf32>,
      %get3A_133 = vector.shape_cast %get3A_132 : vector<1x16xf32> to vector<16xf32>
      %get3A_134 = arith.index_cast %scan3A_79 : i32 to index
      %get3A_135 = arith.constant 16 : index
      %get3A_136 = tpu.vector_load %arg14[%get3A_134, %get3A_135] {strides = array<i32>} : memref<40x128xf32, #tpu.memory_space<vmem>>, vector<1x16xf32>,
      %get3A_137 = vector.shape_cast %get3A_136 : vector<1x16xf32> to vector<16xf32>
      %mul3A_138 = arith.mulf %get3A_133, %get3A_137 : vector<16xf32>
      %xor3A_139 = arith.constant 1 : i32
      %xor3A_140 = vector.broadcast %xor3A_139 : i32 to vector<16xi32>
      %xor3A_141 = arith.xori %iota3A, %xor3A_140 : vector<16xi32>
      %broadcast_in_dim3A_142 = vector.shape_cast %xor3A_141 : vector<16xi32> to vector<16x1xi32>
      %gather3A_143 = vector.shape_cast %broadcast_in_dim3A_142 : vector<16x1xi32> to vector<16xi32>
      %gather3A_144 = tpu.dynamic_gather %mul3A_138[%gather3A_143] in [0] : vector<16xf32>, vector<16xi32> -> vector<16xf32>
      %add3A_145 = arith.addf %mul3A_138, %gather3A_144 : vector<16xf32>
      %xor3A_146 = arith.constant 2 : i32
      %xor3A_147 = vector.broadcast %xor3A_146 : i32 to vector<16xi32>
      %xor3A_148 = arith.xori %iota3A, %xor3A_147 : vector<16xi32>
      %broadcast_in_dim3A_149 = vector.shape_cast %xor3A_148 : vector<16xi32> to vector<16x1xi32>
      %gather3A_150 = vector.shape_cast %broadcast_in_dim3A_149 : vector<16x1xi32> to vector<16xi32>
      %gather3A_151 = tpu.dynamic_gather %add3A_145[%gather3A_150] in [0] : vector<16xf32>, vector<16xi32> -> vector<16xf32>
      %add3A_152 = arith.addf %add3A_145, %gather3A_151 : vector<16xf32>
      %xor3A_153 = arith.constant 4 : i32
      %xor3A_154 = vector.broadcast %xor3A_153 : i32 to vector<16xi32>
      %xor3A_155 = arith.xori %iota3A, %xor3A_154 : vector<16xi32>
      %broadcast_in_dim3A_156 = vector.shape_cast %xor3A_155 : vector<16xi32> to vector<16x1xi32>
      %gather3A_157 = vector.shape_cast %broadcast_in_dim3A_156 : vector<16x1xi32> to vector<16xi32>
      %gather3A_158 = tpu.dynamic_gather %add3A_152[%gather3A_157] in [0] : vector<16xf32>, vector<16xi32> -> vector<16xf32>
      %add3A_159 = arith.addf %add3A_152, %gather3A_158 : vector<16xf32>
      %xor3A_160 = arith.constant 8 : i32
      %xor3A_161 = vector.broadcast %xor3A_160 : i32 to vector<16xi32>
      %xor3A_162 = arith.xori %iota3A, %xor3A_161 : vector<16xi32>
      %broadcast_in_dim3A_163 = vector.shape_cast %xor3A_162 : vector<16xi32> to vector<16x1xi32>
      %gather3A_164 = vector.shape_cast %broadcast_in_dim3A_163 : vector<16x1xi32> to vector<16xi32>
      %gather3A_165 = tpu.dynamic_gather %add3A_159[%gather3A_164] in [0] : vector<16xf32>, vector<16xi32> -> vector<16xf32>
      %add3A_166 = arith.addf %add3A_159, %gather3A_165 : vector<16xf32>
      %max3A_167 = arith.constant -5.000000e+00 : f32
      %max3A_168 = vector.broadcast %max3A_167 : f32 to vector<16xf32>
      %max3A_169 = arith.maximumf %add3A_166, %max3A_168 : vector<16xf32>
      %min3A_170 = arith.constant 5.000000e+00 : f32
      %min3A_171 = vector.broadcast %min3A_170 : f32 to vector<16xf32>
      %min3A_172 = arith.minimumf %max3A_169, %min3A_171 : vector<16xf32>
      %exp3A_173 = math.exp %min3A_172 : vector<16xf32>
      %get3A_174 = arith.index_cast %scan3A_79 : i32 to index
      %get3A_175 = arith.constant 16 : index
      %get3A_176 = tpu.vector_load %arg15[%get3A_174, %get3A_175] {strides = array<i32>} : memref<40x128xf32, #tpu.memory_space<vmem>>, vector<1x16xf32>,
      %get3A_177 = vector.shape_cast %get3A_176 : vector<1x16xf32> to vector<16xf32>
      %mul3A_178 = arith.mulf %exp3A_173, %get3A_177 : vector<16xf32>
      %swap3A_179 = arith.index_cast %scan3A_79 : i32 to index
      %swap3A_180 = arith.constant 16 : index
      %swap3A_181 = tpu.vector_load %arg19[%swap3A_179, %swap3A_180] {strides = array<i32>} : memref<40x128xf32, #tpu.memory_space<vmem>>, vector<1x16xf32>,
      %swap3A_182 = vector.shape_cast %swap3A_181 : vector<1x16xf32> to vector<16xf32>
      %swap3A_183 = vector.shape_cast %mul3A_178 : vector<16xf32> to vector<1x16xf32>
      tpu.vector_store %arg19[%swap3A_179, %swap3A_180], %swap3A_183 {strides = array<i32>} : memref<40x128xf32, #tpu.memory_space<vmem>>, vector<1x16xf32>,
      %eq3A_184 = arith.constant 1 : i32
      %eq3A_185 = vector.broadcast %eq3A_184 : i32 to vector<16xi32>
      %eq3A_186 = arith.cmpi eq, %iota3A, %eq3A_185 : vector<16xi32>
      %select_n3A_187 = arith.select %eq3A_186, %exp3A_173, %select_n3A : vector<16xi1>, vector<16xf32>
      %get3A_188 = arith.index_cast %scan3A_79 : i32 to index
      %get3A_189 = arith.constant 32 : index
      %get3A_190 = tpu.vector_load %arg13[%get3A_188, %get3A_189] {strides = array<i32>} : memref<40x128xf32, #tpu.memory_space<vmem>>, vector<1x16xf32>,
      %get3A_191 = vector.shape_cast %get3A_190 : vector<1x16xf32> to vector<16xf32>
      %get3A_192 = arith.index_cast %scan3A_79 : i32 to index
      %get3A_193 = arith.constant 32 : index
      %get3A_194 = tpu.vector_load %arg14[%get3A_192, %get3A_193] {strides = array<i32>} : memref<40x128xf32, #tpu.memory_space<vmem>>, vector<1x16xf32>,
      %get3A_195 = vector.shape_cast %get3A_194 : vector<1x16xf32> to vector<16xf32>
      %mul3A_196 = arith.mulf %get3A_191, %get3A_195 : vector<16xf32>
      %xor3A_197 = arith.constant 1 : i32
      %xor3A_198 = vector.broadcast %xor3A_197 : i32 to vector<16xi32>
      %xor3A_199 = arith.xori %iota3A, %xor3A_198 : vector<16xi32>
      %broadcast_in_dim3A_200 = vector.shape_cast %xor3A_199 : vector<16xi32> to vector<16x1xi32>
      %gather3A_201 = vector.shape_cast %broadcast_in_dim3A_200 : vector<16x1xi32> to vector<16xi32>
      %gather3A_202 = tpu.dynamic_gather %mul3A_196[%gather3A_201] in [0] : vector<16xf32>, vector<16xi32> -> vector<16xf32>
      %add3A_203 = arith.addf %mul3A_196, %gather3A_202 : vector<16xf32>
      %xor3A_204 = arith.constant 2 : i32
      %xor3A_205 = vector.broadcast %xor3A_204 : i32 to vector<16xi32>
      %xor3A_206 = arith.xori %iota3A, %xor3A_205 : vector<16xi32>
      %broadcast_in_dim3A_207 = vector.shape_cast %xor3A_206 : vector<16xi32> to vector<16x1xi32>
      %gather3A_208 = vector.shape_cast %broadcast_in_dim3A_207 : vector<16x1xi32> to vector<16xi32>
      %gather3A_209 = tpu.dynamic_gather %add3A_203[%gather3A_208] in [0] : vector<16xf32>, vector<16xi32> -> vector<16xf32>
      %add3A_210 = arith.addf %add3A_203, %gather3A_209 : vector<16xf32>
      %xor3A_211 = arith.constant 4 : i32
      %xor3A_212 = vector.broadcast %xor3A_211 : i32 to vector<16xi32>
      %xor3A_213 = arith.xori %iota3A, %xor3A_212 : vector<16xi32>
      %broadcast_in_dim3A_214 = vector.shape_cast %xor3A_213 : vector<16xi32> to vector<16x1xi32>
      %gather3A_215 = vector.shape_cast %broadcast_in_dim3A_214 : vector<16x1xi32> to vector<16xi32>
      %gather3A_216 = tpu.dynamic_gather %add3A_210[%gather3A_215] in [0] : vector<16xf32>, vector<16xi32> -> vector<16xf32>
      %add3A_217 = arith.addf %add3A_210, %gather3A_216 : vector<16xf32>
      %xor3A_218 = arith.constant 8 : i32
      %xor3A_219 = vector.broadcast %xor3A_218 : i32 to vector<16xi32>
      %xor3A_220 = arith.xori %iota3A, %xor3A_219 : vector<16xi32>
      %broadcast_in_dim3A_221 = vector.shape_cast %xor3A_220 : vector<16xi32> to vector<16x1xi32>
      %gather3A_222 = vector.shape_cast %broadcast_in_dim3A_221 : vector<16x1xi32> to vector<16xi32>
      %gather3A_223 = tpu.dynamic_gather %add3A_217[%gather3A_222] in [0] : vector<16xf32>, vector<16xi32> -> vector<16xf32>
      %add3A_224 = arith.addf %add3A_217, %gather3A_223 : vector<16xf32>
      %max3A_225 = arith.constant -5.000000e+00 : f32
      %max3A_226 = vector.broadcast %max3A_225 : f32 to vector<16xf32>
      %max3A_227 = arith.maximumf %add3A_224, %max3A_226 : vector<16xf32>
      %min3A_228 = arith.constant 5.000000e+00 : f32
      %min3A_229 = vector.broadcast %min3A_228 : f32 to vector<16xf32>
      %min3A_230 = arith.minimumf %max3A_227, %min3A_229 : vector<16xf32>
      %exp3A_231 = math.exp %min3A_230 : vector<16xf32>
      %get3A_232 = arith.index_cast %scan3A_79 : i32 to index
      %get3A_233 = arith.constant 32 : index
      %get3A_234 = tpu.vector_load %arg15[%get3A_232, %get3A_233] {strides = array<i32>} : memref<40x128xf32, #tpu.memory_space<vmem>>, vector<1x16xf32>,
      %get3A_235 = vector.shape_cast %get3A_234 : vector<1x16xf32> to vector<16xf32>
      %mul3A_236 = arith.mulf %exp3A_231, %get3A_235 : vector<16xf32>
      %swap3A_237 = arith.index_cast %scan3A_79 : i32 to index
      %swap3A_238 = arith.constant 32 : index
      %swap3A_239 = tpu.vector_load %arg19[%swap3A_237, %swap3A_238] {strides = array<i32>} : memref<40x128xf32, #tpu.memory_space<vmem>>, vector<1x16xf32>,
      %swap3A_240 = vector.shape_cast %swap3A_239 : vector<1x16xf32> to vector<16xf32>
      %swap3A_241 = vector.shape_cast %mul3A_236 : vector<16xf32> to vector<1x16xf32>
      tpu.vector_store %arg19[%swap3A_237, %swap3A_238], %swap3A_241 {strides = array<i32>} : memref<40x128xf32, #tpu.memory_space<vmem>>, vector<1x16xf32>,
      %eq3A_242 = arith.constant 2 : i32
      %eq3A_243 = vector.broadcast %eq3A_242 : i32 to vector<16xi32>
      %eq3A_244 = arith.cmpi eq, %iota3A, %eq3A_243 : vector<16xi32>
      %select_n3A_245 = arith.select %eq3A_244, %exp3A_231, %select_n3A_187 : vector<16xi1>, vector<16xf32>
      %get3A_246 = arith.index_cast %scan3A_79 : i32 to index
      %get3A_247 = arith.constant 48 : index
      %get3A_248 = tpu.vector_load %arg13[%get3A_246, %get3A_247] {strides = array<i32>} : memref<40x128xf32, #tpu.memory_space<vmem>>, vector<1x16xf32>,
      %get3A_249 = vector.shape_cast %get3A_248 : vector<1x16xf32> to vector<16xf32>
      %get3A_250 = arith.index_cast %scan3A_79 : i32 to index
      %get3A_251 = arith.constant 48 : index
      %get3A_252 = tpu.vector_load %arg14[%get3A_250, %get3A_251] {strides = array<i32>} : memref<40x128xf32, #tpu.memory_space<vmem>>, vector<1x16xf32>,
      %get3A_253 = vector.shape_cast %get3A_252 : vector<1x16xf32> to vector<16xf32>
      %mul3A_254 = arith.mulf %get3A_249, %get3A_253 : vector<16xf32>
      %xor3A_255 = arith.constant 1 : i32
      %xor3A_256 = vector.broadcast %xor3A_255 : i32 to vector<16xi32>
      %xor3A_257 = arith.xori %iota3A, %xor3A_256 : vector<16xi32>
      %broadcast_in_dim3A_258 = vector.shape_cast %xor3A_257 : vector<16xi32> to vector<16x1xi32>
      %gather3A_259 = vector.shape_cast %broadcast_in_dim3A_258 : vector<16x1xi32> to vector<16xi32>
      %gather3A_260 = tpu.dynamic_gather %mul3A_254[%gather3A_259] in [0] : vector<16xf32>, vector<16xi32> -> vector<16xf32>
      %add3A_261 = arith.addf %mul3A_254, %gather3A_260 : vector<16xf32>
      %xor3A_262 = arith.constant 2 : i32
      %xor3A_263 = vector.broadcast %xor3A_262 : i32 to vector<16xi32>
      %xor3A_264 = arith.xori %iota3A, %xor3A_263 : vector<16xi32>
      %broadcast_in_dim3A_265 = vector.shape_cast %xor3A_264 : vector<16xi32> to vector<16x1xi32>
      %gather3A_266 = vector.shape_cast %broadcast_in_dim3A_265 : vector<16x1xi32> to vector<16xi32>
      %gather3A_267 = tpu.dynamic_gather %add3A_261[%gather3A_266] in [0] : vector<16xf32>, vector<16xi32> -> vector<16xf32>
      %add3A_268 = arith.addf %add3A_261, %gather3A_267 : vector<16xf32>
      %xor3A_269 = arith.constant 4 : i32
      %xor3A_270 = vector.broadcast %xor3A_269 : i32 to vector<16xi32>
      %xor3A_271 = arith.xori %iota3A, %xor3A_270 : vector<16xi32>
      %broadcast_in_dim3A_272 = vector.shape_cast %xor3A_271 : vector<16xi32> to vector<16x1xi32>
      %gather3A_273 = vector.shape_cast %broadcast_in_dim3A_272 : vector<16x1xi32> to vector<16xi32>
      %gather3A_274 = tpu.dynamic_gather %add3A_268[%gather3A_273] in [0] : vector<16xf32>, vector<16xi32> -> vector<16xf32>
      %add3A_275 = arith.addf %add3A_268, %gather3A_274 : vector<16xf32>
      %xor3A_276 = arith.constant 8 : i32
      %xor3A_277 = vector.broadcast %xor3A_276 : i32 to vector<16xi32>
      %xor3A_278 = arith.xori %iota3A, %xor3A_277 : vector<16xi32>
      %broadcast_in_dim3A_279 = vector.shape_cast %xor3A_278 : vector<16xi32> to vector<16x1xi32>
      %gather3A_280 = vector.shape_cast %broadcast_in_dim3A_279 : vector<16x1xi32> to vector<16xi32>
      %gather3A_281 = tpu.dynamic_gather %add3A_275[%gather3A_280] in [0] : vector<16xf32>, vector<16xi32> -> vector<16xf32>
      %add3A_282 = arith.addf %add3A_275, %gather3A_281 : vector<16xf32>
      %max3A_283 = arith.constant -5.000000e+00 : f32
      %max3A_284 = vector.broadcast %max3A_283 : f32 to vector<16xf32>
      %max3A_285 = arith.maximumf %add3A_282, %max3A_284 : vector<16xf32>
      %min3A_286 = arith.constant 5.000000e+00 : f32
      %min3A_287 = vector.broadcast %min3A_286 : f32 to vector<16xf32>
      %min3A_288 = arith.minimumf %max3A_285, %min3A_287 : vector<16xf32>
      %exp3A_289 = math.exp %min3A_288 : vector<16xf32>
      %get3A_290 = arith.index_cast %scan3A_79 : i32 to index
      %get3A_291 = arith.constant 48 : index
      %get3A_292 = tpu.vector_load %arg15[%get3A_290, %get3A_291] {strides = array<i32>} : memref<40x128xf32, #tpu.memory_space<vmem>>, vector<1x16xf32>,
      %get3A_293 = vector.shape_cast %get3A_292 : vector<1x16xf32> to vector<16xf32>
      %mul3A_294 = arith.mulf %exp3A_289, %get3A_293 : vector<16xf32>
      %swap3A_295 = arith.index_cast %scan3A_79 : i32 to index
      %swap3A_296 = arith.constant 48 : index
      %swap3A_297 = tpu.vector_load %arg19[%swap3A_295, %swap3A_296] {strides = array<i32>} : memref<40x128xf32, #tpu.memory_space<vmem>>, vector<1x16xf32>,
      %swap3A_298 = vector.shape_cast %swap3A_297 : vector<1x16xf32> to vector<16xf32>
      %swap3A_299 = vector.shape_cast %mul3A_294 : vector<16xf32> to vector<1x16xf32>
      tpu.vector_store %arg19[%swap3A_295, %swap3A_296], %swap3A_299 {strides = array<i32>} : memref<40x128xf32, #tpu.memory_space<vmem>>, vector<1x16xf32>,
      %eq3A_300 = arith.constant 3 : i32
      %eq3A_301 = vector.broadcast %eq3A_300 : i32 to vector<16xi32>
      %eq3A_302 = arith.cmpi eq, %iota3A, %eq3A_301 : vector<16xi32>
      %select_n3A_303 = arith.select %eq3A_302, %exp3A_289, %select_n3A_245 : vector<16xi1>, vector<16xf32>
      %get3A_304 = arith.index_cast %scan3A_79 : i32 to index
      %get3A_305 = arith.constant 64 : index
      %get3A_306 = tpu.vector_load %arg13[%get3A_304, %get3A_305] {strides = array<i32>} : memref<40x128xf32, #tpu.memory_space<vmem>>, vector<1x16xf32>,
      %get3A_307 = vector.shape_cast %get3A_306 : vector<1x16xf32> to vector<16xf32>
      %get3A_308 = arith.index_cast %scan3A_79 : i32 to index
      %get3A_309 = arith.constant 64 : index
      %get3A_310 = tpu.vector_load %arg14[%get3A_308, %get3A_309] {strides = array<i32>} : memref<40x128xf32, #tpu.memory_space<vmem>>, vector<1x16xf32>,
      %get3A_311 = vector.shape_cast %get3A_310 : vector<1x16xf32> to vector<16xf32>
      %mul3A_312 = arith.mulf %get3A_307, %get3A_311 : vector<16xf32>
      %xor3A_313 = arith.constant 1 : i32
      %xor3A_314 = vector.broadcast %xor3A_313 : i32 to vector<16xi32>
      %xor3A_315 = arith.xori %iota3A, %xor3A_314 : vector<16xi32>
      %broadcast_in_dim3A_316 = vector.shape_cast %xor3A_315 : vector<16xi32> to vector<16x1xi32>
      %gather3A_317 = vector.shape_cast %broadcast_in_dim3A_316 : vector<16x1xi32> to vector<16xi32>
      %gather3A_318 = tpu.dynamic_gather %mul3A_312[%gather3A_317] in [0] : vector<16xf32>, vector<16xi32> -> vector<16xf32>
      %add3A_319 = arith.addf %mul3A_312, %gather3A_318 : vector<16xf32>
      %xor3A_320 = arith.constant 2 : i32
      %xor3A_321 = vector.broadcast %xor3A_320 : i32 to vector<16xi32>
      %xor3A_322 = arith.xori %iota3A, %xor3A_321 : vector<16xi32>
      %broadcast_in_dim3A_323 = vector.shape_cast %xor3A_322 : vector<16xi32> to vector<16x1xi32>
      %gather3A_324 = vector.shape_cast %broadcast_in_dim3A_323 : vector<16x1xi32> to vector<16xi32>
      %gather3A_325 = tpu.dynamic_gather %add3A_319[%gather3A_324] in [0] : vector<16xf32>, vector<16xi32> -> vector<16xf32>
      %add3A_326 = arith.addf %add3A_319, %gather3A_325 : vector<16xf32>
      %xor3A_327 = arith.constant 4 : i32
      %xor3A_328 = vector.broadcast %xor3A_327 : i32 to vector<16xi32>
      %xor3A_329 = arith.xori %iota3A, %xor3A_328 : vector<16xi32>
      %broadcast_in_dim3A_330 = vector.shape_cast %xor3A_329 : vector<16xi32> to vector<16x1xi32>
      %gather3A_331 = vector.shape_cast %broadcast_in_dim3A_330 : vector<16x1xi32> to vector<16xi32>
      %gather3A_332 = tpu.dynamic_gather %add3A_326[%gather3A_331] in [0] : vector<16xf32>, vector<16xi32> -> vector<16xf32>
      %add3A_333 = arith.addf %add3A_326, %gather3A_332 : vector<16xf32>
      %xor3A_334 = arith.constant 8 : i32
      %xor3A_335 = vector.broadcast %xor3A_334 : i32 to vector<16xi32>
      %xor3A_336 = arith.xori %iota3A, %xor3A_335 : vector<16xi32>
      %broadcast_in_dim3A_337 = vector.shape_cast %xor3A_336 : vector<16xi32> to vector<16x1xi32>
      %gather3A_338 = vector.shape_cast %broadcast_in_dim3A_337 : vector<16x1xi32> to vector<16xi32>
      %gather3A_339 = tpu.dynamic_gather %add3A_333[%gather3A_338] in [0] : vector<16xf32>, vector<16xi32> -> vector<16xf32>
      %add3A_340 = arith.addf %add3A_333, %gather3A_339 : vector<16xf32>
      %max3A_341 = arith.constant -5.000000e+00 : f32
      %max3A_342 = vector.broadcast %max3A_341 : f32 to vector<16xf32>
      %max3A_343 = arith.maximumf %add3A_340, %max3A_342 : vector<16xf32>
      %min3A_344 = arith.constant 5.000000e+00 : f32
      %min3A_345 = vector.broadcast %min3A_344 : f32 to vector<16xf32>
      %min3A_346 = arith.minimumf %max3A_343, %min3A_345 : vector<16xf32>
      %exp3A_347 = math.exp %min3A_346 : vector<16xf32>
      %get3A_348 = arith.index_cast %scan3A_79 : i32 to index
      %get3A_349 = arith.constant 64 : index
      %get3A_350 = tpu.vector_load %arg15[%get3A_348, %get3A_349] {strides = array<i32>} : memref<40x128xf32, #tpu.memory_space<vmem>>, vector<1x16xf32>,
      %get3A_351 = vector.shape_cast %get3A_350 : vector<1x16xf32> to vector<16xf32>
      %mul3A_352 = arith.mulf %exp3A_347, %get3A_351 : vector<16xf32>
      %swap3A_353 = arith.index_cast %scan3A_79 : i32 to index
      %swap3A_354 = arith.constant 64 : index
      %swap3A_355 = tpu.vector_load %arg19[%swap3A_353, %swap3A_354] {strides = array<i32>} : memref<40x128xf32, #tpu.memory_space<vmem>>, vector<1x16xf32>,
      %swap3A_356 = vector.shape_cast %swap3A_355 : vector<1x16xf32> to vector<16xf32>
      %swap3A_357 = vector.shape_cast %mul3A_352 : vector<16xf32> to vector<1x16xf32>
      tpu.vector_store %arg19[%swap3A_353, %swap3A_354], %swap3A_357 {strides = array<i32>} : memref<40x128xf32, #tpu.memory_space<vmem>>, vector<1x16xf32>,
      %eq3A_358 = arith.constant 4 : i32
      %eq3A_359 = vector.broadcast %eq3A_358 : i32 to vector<16xi32>
      %eq3A_360 = arith.cmpi eq, %iota3A, %eq3A_359 : vector<16xi32>
      %select_n3A_361 = arith.select %eq3A_360, %exp3A_347, %select_n3A_303 : vector<16xi1>, vector<16xf32>
      %get3A_362 = arith.index_cast %scan3A_79 : i32 to index
      %get3A_363 = arith.constant 80 : index
      %get3A_364 = tpu.vector_load %arg13[%get3A_362, %get3A_363] {strides = array<i32>} : memref<40x128xf32, #tpu.memory_space<vmem>>, vector<1x16xf32>,
      %get3A_365 = vector.shape_cast %get3A_364 : vector<1x16xf32> to vector<16xf32>
      %get3A_366 = arith.index_cast %scan3A_79 : i32 to index
      %get3A_367 = arith.constant 80 : index
      %get3A_368 = tpu.vector_load %arg14[%get3A_366, %get3A_367] {strides = array<i32>} : memref<40x128xf32, #tpu.memory_space<vmem>>, vector<1x16xf32>,
      %get3A_369 = vector.shape_cast %get3A_368 : vector<1x16xf32> to vector<16xf32>
      %mul3A_370 = arith.mulf %get3A_365, %get3A_369 : vector<16xf32>
      %xor3A_371 = arith.constant 1 : i32
      %xor3A_372 = vector.broadcast %xor3A_371 : i32 to vector<16xi32>
      %xor3A_373 = arith.xori %iota3A, %xor3A_372 : vector<16xi32>
      %broadcast_in_dim3A_374 = vector.shape_cast %xor3A_373 : vector<16xi32> to vector<16x1xi32>
      %gather3A_375 = vector.shape_cast %broadcast_in_dim3A_374 : vector<16x1xi32> to vector<16xi32>
      %gather3A_376 = tpu.dynamic_gather %mul3A_370[%gather3A_375] in [0] : vector<16xf32>, vector<16xi32> -> vector<16xf32>
      %add3A_377 = arith.addf %mul3A_370, %gather3A_376 : vector<16xf32>
      %xor3A_378 = arith.constant 2 : i32
      %xor3A_379 = vector.broadcast %xor3A_378 : i32 to vector<16xi32>
      %xor3A_380 = arith.xori %iota3A, %xor3A_379 : vector<16xi32>
      %broadcast_in_dim3A_381 = vector.shape_cast %xor3A_380 : vector<16xi32> to vector<16x1xi32>
      %gather3A_382 = vector.shape_cast %broadcast_in_dim3A_381 : vector<16x1xi32> to vector<16xi32>
      %gather3A_383 = tpu.dynamic_gather %add3A_377[%gather3A_382] in [0] : vector<16xf32>, vector<16xi32> -> vector<16xf32>
      %add3A_384 = arith.addf %add3A_377, %gather3A_383 : vector<16xf32>
      %xor3A_385 = arith.constant 4 : i32
      %xor3A_386 = vector.broadcast %xor3A_385 : i32 to vector<16xi32>
      %xor3A_387 = arith.xori %iota3A, %xor3A_386 : vector<16xi32>
      %broadcast_in_dim3A_388 = vector.shape_cast %xor3A_387 : vector<16xi32> to vector<16x1xi32>
      %gather3A_389 = vector.shape_cast %broadcast_in_dim3A_388 : vector<16x1xi32> to vector<16xi32>
      %gather3A_390 = tpu.dynamic_gather %add3A_384[%gather3A_389] in [0] : vector<16xf32>, vector<16xi32> -> vector<16xf32>
      %add3A_391 = arith.addf %add3A_384, %gather3A_390 : vector<16xf32>
      %xor3A_392 = arith.constant 8 : i32
      %xor3A_393 = vector.broadcast %xor3A_392 : i32 to vector<16xi32>
      %xor3A_394 = arith.xori %iota3A, %xor3A_393 : vector<16xi32>
      %broadcast_in_dim3A_395 = vector.shape_cast %xor3A_394 : vector<16xi32> to vector<16x1xi32>
      %gather3A_396 = vector.shape_cast %broadcast_in_dim3A_395 : vector<16x1xi32> to vector<16xi32>
      %gather3A_397 = tpu.dynamic_gather %add3A_391[%gather3A_396] in [0] : vector<16xf32>, vector<16xi32> -> vector<16xf32>
      %add3A_398 = arith.addf %add3A_391, %gather3A_397 : vector<16xf32>
      %max3A_399 = arith.constant -5.000000e+00 : f32
      %max3A_400 = vector.broadcast %max3A_399 : f32 to vector<16xf32>
      %max3A_401 = arith.maximumf %add3A_398, %max3A_400 : vector<16xf32>
      %min3A_402 = arith.constant 5.000000e+00 : f32
      %min3A_403 = vector.broadcast %min3A_402 : f32 to vector<16xf32>
      %min3A_404 = arith.minimumf %max3A_401, %min3A_403 : vector<16xf32>
      %exp3A_405 = math.exp %min3A_404 : vector<16xf32>
      %get3A_406 = arith.index_cast %scan3A_79 : i32 to index
      %get3A_407 = arith.constant 80 : index
      %get3A_408 = tpu.vector_load %arg15[%get3A_406, %get3A_407] {strides = array<i32>} : memref<40x128xf32, #tpu.memory_space<vmem>>, vector<1x16xf32>,
      %get3A_409 = vector.shape_cast %get3A_408 : vector<1x16xf32> to vector<16xf32>
      %mul3A_410 = arith.mulf %exp3A_405, %get3A_409 : vector<16xf32>
      %swap3A_411 = arith.index_cast %scan3A_79 : i32 to index
      %swap3A_412 = arith.constant 80 : index
      %swap3A_413 = tpu.vector_load %arg19[%swap3A_411, %swap3A_412] {strides = array<i32>} : memref<40x128xf32, #tpu.memory_space<vmem>>, vector<1x16xf32>,
      %swap3A_414 = vector.shape_cast %swap3A_413 : vector<1x16xf32> to vector<16xf32>
      %swap3A_415 = vector.shape_cast %mul3A_410 : vector<16xf32> to vector<1x16xf32>
      tpu.vector_store %arg19[%swap3A_411, %swap3A_412], %swap3A_415 {strides = array<i32>} : memref<40x128xf32, #tpu.memory_space<vmem>>, vector<1x16xf32>,
      %eq3A_416 = arith.constant 5 : i32
      %eq3A_417 = vector.broadcast %eq3A_416 : i32 to vector<16xi32>
      %eq3A_418 = arith.cmpi eq, %iota3A, %eq3A_417 : vector<16xi32>
      %select_n3A_419 = arith.select %eq3A_418, %exp3A_405, %select_n3A_361 : vector<16xi1>, vector<16xf32>
      %get3A_420 = arith.index_cast %scan3A_79 : i32 to index
      %get3A_421 = arith.constant 96 : index
      %get3A_422 = tpu.vector_load %arg13[%get3A_420, %get3A_421] {strides = array<i32>} : memref<40x128xf32, #tpu.memory_space<vmem>>, vector<1x16xf32>,
      %get3A_423 = vector.shape_cast %get3A_422 : vector<1x16xf32> to vector<16xf32>
      %get3A_424 = arith.index_cast %scan3A_79 : i32 to index
      %get3A_425 = arith.constant 96 : index
      %get3A_426 = tpu.vector_load %arg14[%get3A_424, %get3A_425] {strides = array<i32>} : memref<40x128xf32, #tpu.memory_space<vmem>>, vector<1x16xf32>,
      %get3A_427 = vector.shape_cast %get3A_426 : vector<1x16xf32> to vector<16xf32>
      %mul3A_428 = arith.mulf %get3A_423, %get3A_427 : vector<16xf32>
      %xor3A_429 = arith.constant 1 : i32
      %xor3A_430 = vector.broadcast %xor3A_429 : i32 to vector<16xi32>
      %xor3A_431 = arith.xori %iota3A, %xor3A_430 : vector<16xi32>
      %broadcast_in_dim3A_432 = vector.shape_cast %xor3A_431 : vector<16xi32> to vector<16x1xi32>
      %gather3A_433 = vector.shape_cast %broadcast_in_dim3A_432 : vector<16x1xi32> to vector<16xi32>
      %gather3A_434 = tpu.dynamic_gather %mul3A_428[%gather3A_433] in [0] : vector<16xf32>, vector<16xi32> -> vector<16xf32>
      %add3A_435 = arith.addf %mul3A_428, %gather3A_434 : vector<16xf32>
      %xor3A_436 = arith.constant 2 : i32
      %xor3A_437 = vector.broadcast %xor3A_436 : i32 to vector<16xi32>
      %xor3A_438 = arith.xori %iota3A, %xor3A_437 : vector<16xi32>
      %broadcast_in_dim3A_439 = vector.shape_cast %xor3A_438 : vector<16xi32> to vector<16x1xi32>
      %gather3A_440 = vector.shape_cast %broadcast_in_dim3A_439 : vector<16x1xi32> to vector<16xi32>
      %gather3A_441 = tpu.dynamic_gather %add3A_435[%gather3A_440] in [0] : vector<16xf32>, vector<16xi32> -> vector<16xf32>
      %add3A_442 = arith.addf %add3A_435, %gather3A_441 : vector<16xf32>
      %xor3A_443 = arith.constant 4 : i32
      %xor3A_444 = vector.broadcast %xor3A_443 : i32 to vector<16xi32>
      %xor3A_445 = arith.xori %iota3A, %xor3A_444 : vector<16xi32>
      %broadcast_in_dim3A_446 = vector.shape_cast %xor3A_445 : vector<16xi32> to vector<16x1xi32>
      %gather3A_447 = vector.shape_cast %broadcast_in_dim3A_446 : vector<16x1xi32> to vector<16xi32>
      %gather3A_448 = tpu.dynamic_gather %add3A_442[%gather3A_447] in [0] : vector<16xf32>, vector<16xi32> -> vector<16xf32>
      %add3A_449 = arith.addf %add3A_442, %gather3A_448 : vector<16xf32>
      %xor3A_450 = arith.constant 8 : i32
      %xor3A_451 = vector.broadcast %xor3A_450 : i32 to vector<16xi32>
      %xor3A_452 = arith.xori %iota3A, %xor3A_451 : vector<16xi32>
      %broadcast_in_dim3A_453 = vector.shape_cast %xor3A_452 : vector<16xi32> to vector<16x1xi32>
      %gather3A_454 = vector.shape_cast %broadcast_in_dim3A_453 : vector<16x1xi32> to vector<16xi32>
      %gather3A_455 = tpu.dynamic_gather %add3A_449[%gather3A_454] in [0] : vector<16xf32>, vector<16xi32> -> vector<16xf32>
      %add3A_456 = arith.addf %add3A_449, %gather3A_455 : vector<16xf32>
      %max3A_457 = arith.constant -5.000000e+00 : f32
      %max3A_458 = vector.broadcast %max3A_457 : f32 to vector<16xf32>
      %max3A_459 = arith.maximumf %add3A_456, %max3A_458 : vector<16xf32>
      %min3A_460 = arith.constant 5.000000e+00 : f32
      %min3A_461 = vector.broadcast %min3A_460 : f32 to vector<16xf32>
      %min3A_462 = arith.minimumf %max3A_459, %min3A_461 : vector<16xf32>
      %exp3A_463 = math.exp %min3A_462 : vector<16xf32>
      %get3A_464 = arith.index_cast %scan3A_79 : i32 to index
      %get3A_465 = arith.constant 96 : index
      %get3A_466 = tpu.vector_load %arg15[%get3A_464, %get3A_465] {strides = array<i32>} : memref<40x128xf32, #tpu.memory_space<vmem>>, vector<1x16xf32>,
      %get3A_467 = vector.shape_cast %get3A_466 : vector<1x16xf32> to vector<16xf32>
      %mul3A_468 = arith.mulf %exp3A_463, %get3A_467 : vector<16xf32>
      %swap3A_469 = arith.index_cast %scan3A_79 : i32 to index
      %swap3A_470 = arith.constant 96 : index
      %swap3A_471 = tpu.vector_load %arg19[%swap3A_469, %swap3A_470] {strides = array<i32>} : memref<40x128xf32, #tpu.memory_space<vmem>>, vector<1x16xf32>,
      %swap3A_472 = vector.shape_cast %swap3A_471 : vector<1x16xf32> to vector<16xf32>
      %swap3A_473 = vector.shape_cast %mul3A_468 : vector<16xf32> to vector<1x16xf32>
      tpu.vector_store %arg19[%swap3A_469, %swap3A_470], %swap3A_473 {strides = array<i32>} : memref<40x128xf32, #tpu.memory_space<vmem>>, vector<1x16xf32>,
      %eq3A_474 = arith.constant 6 : i32
      %eq3A_475 = vector.broadcast %eq3A_474 : i32 to vector<16xi32>
      %eq3A_476 = arith.cmpi eq, %iota3A, %eq3A_475 : vector<16xi32>
      %select_n3A_477 = arith.select %eq3A_476, %exp3A_463, %select_n3A_419 : vector<16xi1>, vector<16xf32>
      %get3A_478 = arith.index_cast %scan3A_79 : i32 to index
      %get3A_479 = arith.constant 112 : index
      %get3A_480 = tpu.vector_load %arg13[%get3A_478, %get3A_479] {strides = array<i32>} : memref<40x128xf32, #tpu.memory_space<vmem>>, vector<1x16xf32>,
      %get3A_481 = vector.shape_cast %get3A_480 : vector<1x16xf32> to vector<16xf32>
      %get3A_482 = arith.index_cast %scan3A_79 : i32 to index
      %get3A_483 = arith.constant 112 : index
      %get3A_484 = tpu.vector_load %arg14[%get3A_482, %get3A_483] {strides = array<i32>} : memref<40x128xf32, #tpu.memory_space<vmem>>, vector<1x16xf32>,
      %get3A_485 = vector.shape_cast %get3A_484 : vector<1x16xf32> to vector<16xf32>
      %mul3A_486 = arith.mulf %get3A_481, %get3A_485 : vector<16xf32>
      %xor3A_487 = arith.constant 1 : i32
      %xor3A_488 = vector.broadcast %xor3A_487 : i32 to vector<16xi32>
      %xor3A_489 = arith.xori %iota3A, %xor3A_488 : vector<16xi32>
      %broadcast_in_dim3A_490 = vector.shape_cast %xor3A_489 : vector<16xi32> to vector<16x1xi32>
      %gather3A_491 = vector.shape_cast %broadcast_in_dim3A_490 : vector<16x1xi32> to vector<16xi32>
      %gather3A_492 = tpu.dynamic_gather %mul3A_486[%gather3A_491] in [0] : vector<16xf32>, vector<16xi32> -> vector<16xf32>
      %add3A_493 = arith.addf %mul3A_486, %gather3A_492 : vector<16xf32>
      %xor3A_494 = arith.constant 2 : i32
      %xor3A_495 = vector.broadcast %xor3A_494 : i32 to vector<16xi32>
      %xor3A_496 = arith.xori %iota3A, %xor3A_495 : vector<16xi32>
      %broadcast_in_dim3A_497 = vector.shape_cast %xor3A_496 : vector<16xi32> to vector<16x1xi32>
      %gather3A_498 = vector.shape_cast %broadcast_in_dim3A_497 : vector<16x1xi32> to vector<16xi32>
      %gather3A_499 = tpu.dynamic_gather %add3A_493[%gather3A_498] in [0] : vector<16xf32>, vector<16xi32> -> vector<16xf32>
      %add3A_500 = arith.addf %add3A_493, %gather3A_499 : vector<16xf32>
      %xor3A_501 = arith.constant 4 : i32
      %xor3A_502 = vector.broadcast %xor3A_501 : i32 to vector<16xi32>
      %xor3A_503 = arith.xori %iota3A, %xor3A_502 : vector<16xi32>
      %broadcast_in_dim3A_504 = vector.shape_cast %xor3A_503 : vector<16xi32> to vector<16x1xi32>
      %gather3A_505 = vector.shape_cast %broadcast_in_dim3A_504 : vector<16x1xi32> to vector<16xi32>
      %gather3A_506 = tpu.dynamic_gather %add3A_500[%gather3A_505] in [0] : vector<16xf32>, vector<16xi32> -> vector<16xf32>
      %add3A_507 = arith.addf %add3A_500, %gather3A_506 : vector<16xf32>
      %xor3A_508 = arith.constant 8 : i32
      %xor3A_509 = vector.broadcast %xor3A_508 : i32 to vector<16xi32>
      %xor3A_510 = arith.xori %iota3A, %xor3A_509 : vector<16xi32>
      %broadcast_in_dim3A_511 = vector.shape_cast %xor3A_510 : vector<16xi32> to vector<16x1xi32>
      %gather3A_512 = vector.shape_cast %broadcast_in_dim3A_511 : vector<16x1xi32> to vector<16xi32>
      %gather3A_513 = tpu.dynamic_gather %add3A_507[%gather3A_512] in [0] : vector<16xf32>, vector<16xi32> -> vector<16xf32>
      %add3A_514 = arith.addf %add3A_507, %gather3A_513 : vector<16xf32>
      %max3A_515 = arith.constant -5.000000e+00 : f32
      %max3A_516 = vector.broadcast %max3A_515 : f32 to vector<16xf32>
      %max3A_517 = arith.maximumf %add3A_514, %max3A_516 : vector<16xf32>
      %min3A_518 = arith.constant 5.000000e+00 : f32
      %min3A_519 = vector.broadcast %min3A_518 : f32 to vector<16xf32>
      %min3A_520 = arith.minimumf %max3A_517, %min3A_519 : vector<16xf32>
      %exp3A_521 = math.exp %min3A_520 : vector<16xf32>
      %get3A_522 = arith.index_cast %scan3A_79 : i32 to index
      %get3A_523 = arith.constant 112 : index
      %get3A_524 = tpu.vector_load %arg15[%get3A_522, %get3A_523] {strides = array<i32>} : memref<40x128xf32, #tpu.memory_space<vmem>>, vector<1x16xf32>,
      %get3A_525 = vector.shape_cast %get3A_524 : vector<1x16xf32> to vector<16xf32>
      %mul3A_526 = arith.mulf %exp3A_521, %get3A_525 : vector<16xf32>
      %swap3A_527 = arith.index_cast %scan3A_79 : i32 to index
      %swap3A_528 = arith.constant 112 : index
      %swap3A_529 = tpu.vector_load %arg19[%swap3A_527, %swap3A_528] {strides = array<i32>} : memref<40x128xf32, #tpu.memory_space<vmem>>, vector<1x16xf32>,
      %swap3A_530 = vector.shape_cast %swap3A_529 : vector<1x16xf32> to vector<16xf32>
      %swap3A_531 = vector.shape_cast %mul3A_526 : vector<16xf32> to vector<1x16xf32>
      tpu.vector_store %arg19[%swap3A_527, %swap3A_528], %swap3A_531 {strides = array<i32>} : memref<40x128xf32, #tpu.memory_space<vmem>>, vector<1x16xf32>,
      %eq3A_532 = arith.constant 7 : i32
      %eq3A_533 = vector.broadcast %eq3A_532 : i32 to vector<16xi32>
      %eq3A_534 = arith.cmpi eq, %iota3A, %eq3A_533 : vector<16xi32>
      %select_n3A_535 = arith.select %eq3A_534, %exp3A_521, %select_n3A_477 : vector<16xi1>, vector<16xf32>
      %swap3A_536 = arith.index_cast %scan3A_79 : i32 to index
      %swap3A_537 = arith.constant 0 : index
      %swap3A_538 = tpu.vector_load %arg20[%swap3A_536, %swap3A_537] {strides = array<i32>} : memref<40x16xf32, #tpu.memory_space<vmem>>, vector<1x16xf32>,
      %swap3A_539 = vector.shape_cast %swap3A_538 : vector<1x16xf32> to vector<16xf32>
      %swap3A_540 = vector.shape_cast %select_n3A_535 : vector<16xf32> to vector<1x16xf32>
      tpu.vector_store %arg20[%swap3A_536, %swap3A_537], %swap3A_540 {strides = array<i32>} : memref<40x16xf32, #tpu.memory_space<vmem>>, vector<1x16xf32>,
      %scan3A_541 = arith.constant 0 : i32
      scf.yield %scan3A_541 : i32
    }
    %scan3A_61 = arith.constant 40 : i32
    "tpu.region"() ({
      %run_scoped3A = tpu.sem_alloc : memref<!tpu.dma_semaphore, #tpu.memory_space<semaphore_mem>>
      %dma_start3A_79 = arith.constant 0 : i32
      %dma_start3A_80 = arith.constant 0 : i32
      %dma_start3A_81 = tpu.memref_slice %arg21[%dma_start3A_79, %dma_start3A_80] : memref<10240x128xf32, #tpu.memory_space<vmem_shared>> -> memref<10240x128xf32, #tpu.memory_space<vmem_shared>>
      tpu.enqueue_indirect_dma source(%arg19 : memref<40x128xf32, #tpu.memory_space<vmem>>) target(%dma_start3A_81 : memref<10240x128xf32, #tpu.memory_space<vmem_shared>>) offsets(%arg10 : memref<40xi32, #tpu.memory_space<vmem>>) semaphore(%run_scoped3A : memref<!tpu.dma_semaphore, #tpu.memory_space<semaphore_mem>>) {add = true}
      %dma_wait3A_82 = arith.constant 0 : i32
      %dma_wait3A_83 = arith.constant 0 : i32
      %dma_wait3A_84 = tpu.memref_slice %arg21[%dma_wait3A_82, %dma_wait3A_83] : memref<10240x128xf32, #tpu.memory_space<vmem_shared>> -> memref<10240x128xf32, #tpu.memory_space<vmem_shared>>
      tpu.wait_indirect_dma semaphore(%run_scoped3A : memref<!tpu.dma_semaphore, #tpu.memory_space<semaphore_mem>>) src(%arg19 : memref<40x128xf32, #tpu.memory_space<vmem>>) dst(%dma_wait3A_84 : memref<10240x128xf32, #tpu.memory_space<vmem_shared>>)
      tpu.yield
    }) : () -> ()
    "tpu.region"() ({
      %run_scoped3A = tpu.sem_alloc : memref<!tpu.dma_semaphore, #tpu.memory_space<semaphore_mem>>
      %dma_start3A_79 = arith.constant 0 : i32
      %dma_start3A_80 = arith.constant 0 : i32
      %dma_start3A_81 = tpu.memref_slice %arg22[%dma_start3A_79, %dma_start3A_80] : memref<10240x16xf32, #tpu.memory_space<vmem_shared>> -> memref<10240x16xf32, #tpu.memory_space<vmem_shared>>
      tpu.enqueue_indirect_dma source(%arg20 : memref<40x16xf32, #tpu.memory_space<vmem>>) target(%dma_start3A_81 : memref<10240x16xf32, #tpu.memory_space<vmem_shared>>) offsets(%arg10 : memref<40xi32, #tpu.memory_space<vmem>>) semaphore(%run_scoped3A : memref<!tpu.dma_semaphore, #tpu.memory_space<semaphore_mem>>) {add = true}
      %dma_wait3A_82 = arith.constant 0 : i32
      %dma_wait3A_83 = arith.constant 0 : i32
      %dma_wait3A_84 = tpu.memref_slice %arg22[%dma_wait3A_82, %dma_wait3A_83] : memref<10240x16xf32, #tpu.memory_space<vmem_shared>> -> memref<10240x16xf32, #tpu.memory_space<vmem_shared>>
      tpu.wait_indirect_dma semaphore(%run_scoped3A : memref<!tpu.dma_semaphore, #tpu.memory_space<semaphore_mem>>) src(%arg20 : memref<40x16xf32, #tpu.memory_space<vmem>>) dst(%dma_wait3A_84 : memref<10240x16xf32, #tpu.memory_space<vmem_shared>>)
      tpu.yield
    }) : () -> ()
    %dma_wait3A_62 = arith.constant 0 : i32
    %dma_wait3A_63 = arith.constant 0 : i32
    %dma_wait3A_64 = tpu.memref_slice %arg3[%dma_wait3A_62, %dma_wait3A_63] : memref<10000x128xf32, #tpu.memory_space<hbm>> -> memref<10000x128xf32, #tpu.memory_space<hbm>>
    tpu.wait_indirect_dma semaphore(%arg24 : memref<!tpu.dma_semaphore, #tpu.memory_space<semaphore_mem>>) src(%dma_wait3A_64 : memref<10000x128xf32, #tpu.memory_space<hbm>>) dst(%arg16 : memref<40x128xf32, #tpu.memory_space<vmem>>)
    %dma_wait3A_65 = arith.constant 0 : i32
    %dma_wait3A_66 = arith.constant 0 : i32
    %dma_wait3A_67 = tpu.memref_slice %arg2[%dma_wait3A_65, %dma_wait3A_66] : memref<10000x128xf32, #tpu.memory_space<hbm>> -> memref<10000x128xf32, #tpu.memory_space<hbm>>
    tpu.wait_indirect_dma semaphore(%arg24 : memref<!tpu.dma_semaphore, #tpu.memory_space<semaphore_mem>>) src(%dma_wait3A_67 : memref<10000x128xf32, #tpu.memory_space<hbm>>) dst(%arg17 : memref<40x128xf32, #tpu.memory_space<vmem>>)
    %dma_wait3A_68 = arith.constant 0 : i32
    %dma_wait3A_69 = arith.constant 0 : i32
    %dma_wait3A_70 = tpu.memref_slice %arg4[%dma_wait3A_68, %dma_wait3A_69] : memref<10000x128xf32, #tpu.memory_space<hbm>> -> memref<10000x128xf32, #tpu.memory_space<hbm>>
    tpu.wait_indirect_dma semaphore(%arg24 : memref<!tpu.dma_semaphore, #tpu.memory_space<semaphore_mem>>) src(%dma_wait3A_70 : memref<10000x128xf32, #tpu.memory_space<hbm>>) dst(%arg18 : memref<40x128xf32, #tpu.memory_space<vmem>>)
    %scan3A_71 = arith.constant 0 : i32
    %scan3A_72 = arith.constant 0 : i32
    %scan3A_73 = arith.constant 40 : i32
    %scan3A_74 = arith.addi %scan3A_72, %scan3A_73 : i32
    %scan3A_75 = arith.constant 1 : i32
    %scan3A_76 = scf.for %scan3A_79 = %scan3A_72 to %scan3A_74 step %scan3A_75 iter_args(%scan3A_80 = %scan3A_71) -> (i32)  : i32 {
      %get3A = arith.index_cast %scan3A_79 : i32 to index
      %get3A_81 = arith.constant 0 : index
      %get3A_82 = tpu.vector_load %arg16[%get3A, %get3A_81] {strides = array<i32>} : memref<40x128xf32, #tpu.memory_space<vmem>>, vector<1x16xf32>,
      %get3A_83 = vector.shape_cast %get3A_82 : vector<1x16xf32> to vector<16xf32>
      %get3A_84 = arith.index_cast %scan3A_79 : i32 to index
      %get3A_85 = arith.constant 0 : index
      %get3A_86 = tpu.vector_load %arg17[%get3A_84, %get3A_85] {strides = array<i32>} : memref<40x128xf32, #tpu.memory_space<vmem>>, vector<1x16xf32>,
      %get3A_87 = vector.shape_cast %get3A_86 : vector<1x16xf32> to vector<16xf32>
      %mul3A_88 = arith.mulf %get3A_83, %get3A_87 : vector<16xf32>
      %xor3A = arith.constant 1 : i32
      %xor3A_89 = vector.broadcast %xor3A : i32 to vector<16xi32>
      %xor3A_90 = arith.xori %iota3A, %xor3A_89 : vector<16xi32>
      %broadcast_in_dim3A_91 = vector.shape_cast %xor3A_90 : vector<16xi32> to vector<16x1xi32>
      %gather3A = vector.shape_cast %broadcast_in_dim3A_91 : vector<16x1xi32> to vector<16xi32>
      %gather3A_92 = tpu.dynamic_gather %mul3A_88[%gather3A] in [0] : vector<16xf32>, vector<16xi32> -> vector<16xf32>
      %add3A_93 = arith.addf %mul3A_88, %gather3A_92 : vector<16xf32>
      %xor3A_94 = arith.constant 2 : i32
      %xor3A_95 = vector.broadcast %xor3A_94 : i32 to vector<16xi32>
      %xor3A_96 = arith.xori %iota3A, %xor3A_95 : vector<16xi32>
      %broadcast_in_dim3A_97 = vector.shape_cast %xor3A_96 : vector<16xi32> to vector<16x1xi32>
      %gather3A_98 = vector.shape_cast %broadcast_in_dim3A_97 : vector<16x1xi32> to vector<16xi32>
      %gather3A_99 = tpu.dynamic_gather %add3A_93[%gather3A_98] in [0] : vector<16xf32>, vector<16xi32> -> vector<16xf32>
      %add3A_100 = arith.addf %add3A_93, %gather3A_99 : vector<16xf32>
      %xor3A_101 = arith.constant 4 : i32
      %xor3A_102 = vector.broadcast %xor3A_101 : i32 to vector<16xi32>
      %xor3A_103 = arith.xori %iota3A, %xor3A_102 : vector<16xi32>
      %broadcast_in_dim3A_104 = vector.shape_cast %xor3A_103 : vector<16xi32> to vector<16x1xi32>
      %gather3A_105 = vector.shape_cast %broadcast_in_dim3A_104 : vector<16x1xi32> to vector<16xi32>
      %gather3A_106 = tpu.dynamic_gather %add3A_100[%gather3A_105] in [0] : vector<16xf32>, vector<16xi32> -> vector<16xf32>
      %add3A_107 = arith.addf %add3A_100, %gather3A_106 : vector<16xf32>
      %xor3A_108 = arith.constant 8 : i32
      %xor3A_109 = vector.broadcast %xor3A_108 : i32 to vector<16xi32>
      %xor3A_110 = arith.xori %iota3A, %xor3A_109 : vector<16xi32>
      %broadcast_in_dim3A_111 = vector.shape_cast %xor3A_110 : vector<16xi32> to vector<16x1xi32>
      %gather3A_112 = vector.shape_cast %broadcast_in_dim3A_111 : vector<16x1xi32> to vector<16xi32>
      %gather3A_113 = tpu.dynamic_gather %add3A_107[%gather3A_112] in [0] : vector<16xf32>, vector<16xi32> -> vector<16xf32>
      %add3A_114 = arith.addf %add3A_107, %gather3A_113 : vector<16xf32>
      %max3A = arith.constant -5.000000e+00 : f32
      %max3A_115 = vector.broadcast %max3A : f32 to vector<16xf32>
      %max3A_116 = arith.maximumf %add3A_114, %max3A_115 : vector<16xf32>
      %min3A = arith.constant 5.000000e+00 : f32
      %min3A_117 = vector.broadcast %min3A : f32 to vector<16xf32>
      %min3A_118 = arith.minimumf %max3A_116, %min3A_117 : vector<16xf32>
      %exp3A = math.exp %min3A_118 : vector<16xf32>
      %get3A_119 = arith.index_cast %scan3A_79 : i32 to index
      %get3A_120 = arith.constant 0 : index
      %get3A_121 = tpu.vector_load %arg18[%get3A_119, %get3A_120] {strides = array<i32>} : memref<40x128xf32, #tpu.memory_space<vmem>>, vector<1x16xf32>,
      %get3A_122 = vector.shape_cast %get3A_121 : vector<1x16xf32> to vector<16xf32>
      %mul3A_123 = arith.mulf %exp3A, %get3A_122 : vector<16xf32>
      %swap3A = arith.index_cast %scan3A_79 : i32 to index
      %swap3A_124 = arith.constant 0 : index
      %swap3A_125 = tpu.vector_load %arg19[%swap3A, %swap3A_124] {strides = array<i32>} : memref<40x128xf32, #tpu.memory_space<vmem>>, vector<1x16xf32>,
      %swap3A_126 = vector.shape_cast %swap3A_125 : vector<1x16xf32> to vector<16xf32>
      %swap3A_127 = vector.shape_cast %mul3A_123 : vector<16xf32> to vector<1x16xf32>
      tpu.vector_store %arg19[%swap3A, %swap3A_124], %swap3A_127 {strides = array<i32>} : memref<40x128xf32, #tpu.memory_space<vmem>>, vector<1x16xf32>,
      %eq3A = arith.constant 0 : i32
      %eq3A_128 = vector.broadcast %eq3A : i32 to vector<16xi32>
      %eq3A_129 = arith.cmpi eq, %iota3A, %eq3A_128 : vector<16xi32>
      %select_n3A = arith.select %eq3A_129, %exp3A, %broadcast_in_dim3A_0 : vector<16xi1>, vector<16xf32>
      %get3A_130 = arith.index_cast %scan3A_79 : i32 to index
      %get3A_131 = arith.constant 16 : index
      %get3A_132 = tpu.vector_load %arg16[%get3A_130, %get3A_131] {strides = array<i32>} : memref<40x128xf32, #tpu.memory_space<vmem>>, vector<1x16xf32>,
      %get3A_133 = vector.shape_cast %get3A_132 : vector<1x16xf32> to vector<16xf32>
      %get3A_134 = arith.index_cast %scan3A_79 : i32 to index
      %get3A_135 = arith.constant 16 : index
      %get3A_136 = tpu.vector_load %arg17[%get3A_134, %get3A_135] {strides = array<i32>} : memref<40x128xf32, #tpu.memory_space<vmem>>, vector<1x16xf32>,
      %get3A_137 = vector.shape_cast %get3A_136 : vector<1x16xf32> to vector<16xf32>
      %mul3A_138 = arith.mulf %get3A_133, %get3A_137 : vector<16xf32>
      %xor3A_139 = arith.constant 1 : i32
      %xor3A_140 = vector.broadcast %xor3A_139 : i32 to vector<16xi32>
      %xor3A_141 = arith.xori %iota3A, %xor3A_140 : vector<16xi32>
      %broadcast_in_dim3A_142 = vector.shape_cast %xor3A_141 : vector<16xi32> to vector<16x1xi32>
      %gather3A_143 = vector.shape_cast %broadcast_in_dim3A_142 : vector<16x1xi32> to vector<16xi32>
      %gather3A_144 = tpu.dynamic_gather %mul3A_138[%gather3A_143] in [0] : vector<16xf32>, vector<16xi32> -> vector<16xf32>
      %add3A_145 = arith.addf %mul3A_138, %gather3A_144 : vector<16xf32>
      %xor3A_146 = arith.constant 2 : i32
      %xor3A_147 = vector.broadcast %xor3A_146 : i32 to vector<16xi32>
      %xor3A_148 = arith.xori %iota3A, %xor3A_147 : vector<16xi32>
      %broadcast_in_dim3A_149 = vector.shape_cast %xor3A_148 : vector<16xi32> to vector<16x1xi32>
      %gather3A_150 = vector.shape_cast %broadcast_in_dim3A_149 : vector<16x1xi32> to vector<16xi32>
      %gather3A_151 = tpu.dynamic_gather %add3A_145[%gather3A_150] in [0] : vector<16xf32>, vector<16xi32> -> vector<16xf32>
      %add3A_152 = arith.addf %add3A_145, %gather3A_151 : vector<16xf32>
      %xor3A_153 = arith.constant 4 : i32
      %xor3A_154 = vector.broadcast %xor3A_153 : i32 to vector<16xi32>
      %xor3A_155 = arith.xori %iota3A, %xor3A_154 : vector<16xi32>
      %broadcast_in_dim3A_156 = vector.shape_cast %xor3A_155 : vector<16xi32> to vector<16x1xi32>
      %gather3A_157 = vector.shape_cast %broadcast_in_dim3A_156 : vector<16x1xi32> to vector<16xi32>
      %gather3A_158 = tpu.dynamic_gather %add3A_152[%gather3A_157] in [0] : vector<16xf32>, vector<16xi32> -> vector<16xf32>
      %add3A_159 = arith.addf %add3A_152, %gather3A_158 : vector<16xf32>
      %xor3A_160 = arith.constant 8 : i32
      %xor3A_161 = vector.broadcast %xor3A_160 : i32 to vector<16xi32>
      %xor3A_162 = arith.xori %iota3A, %xor3A_161 : vector<16xi32>
      %broadcast_in_dim3A_163 = vector.shape_cast %xor3A_162 : vector<16xi32> to vector<16x1xi32>
      %gather3A_164 = vector.shape_cast %broadcast_in_dim3A_163 : vector<16x1xi32> to vector<16xi32>
      %gather3A_165 = tpu.dynamic_gather %add3A_159[%gather3A_164] in [0] : vector<16xf32>, vector<16xi32> -> vector<16xf32>
      %add3A_166 = arith.addf %add3A_159, %gather3A_165 : vector<16xf32>
      %max3A_167 = arith.constant -5.000000e+00 : f32
      %max3A_168 = vector.broadcast %max3A_167 : f32 to vector<16xf32>
      %max3A_169 = arith.maximumf %add3A_166, %max3A_168 : vector<16xf32>
      %min3A_170 = arith.constant 5.000000e+00 : f32
      %min3A_171 = vector.broadcast %min3A_170 : f32 to vector<16xf32>
      %min3A_172 = arith.minimumf %max3A_169, %min3A_171 : vector<16xf32>
      %exp3A_173 = math.exp %min3A_172 : vector<16xf32>
      %get3A_174 = arith.index_cast %scan3A_79 : i32 to index
      %get3A_175 = arith.constant 16 : index
      %get3A_176 = tpu.vector_load %arg18[%get3A_174, %get3A_175] {strides = array<i32>} : memref<40x128xf32, #tpu.memory_space<vmem>>, vector<1x16xf32>,
      %get3A_177 = vector.shape_cast %get3A_176 : vector<1x16xf32> to vector<16xf32>
      %mul3A_178 = arith.mulf %exp3A_173, %get3A_177 : vector<16xf32>
      %swap3A_179 = arith.index_cast %scan3A_79 : i32 to index
      %swap3A_180 = arith.constant 16 : index
      %swap3A_181 = tpu.vector_load %arg19[%swap3A_179, %swap3A_180] {strides = array<i32>} : memref<40x128xf32, #tpu.memory_space<vmem>>, vector<1x16xf32>,
      %swap3A_182 = vector.shape_cast %swap3A_181 : vector<1x16xf32> to vector<16xf32>
      %swap3A_183 = vector.shape_cast %mul3A_178 : vector<16xf32> to vector<1x16xf32>
      tpu.vector_store %arg19[%swap3A_179, %swap3A_180], %swap3A_183 {strides = array<i32>} : memref<40x128xf32, #tpu.memory_space<vmem>>, vector<1x16xf32>,
      %eq3A_184 = arith.constant 1 : i32
      %eq3A_185 = vector.broadcast %eq3A_184 : i32 to vector<16xi32>
      %eq3A_186 = arith.cmpi eq, %iota3A, %eq3A_185 : vector<16xi32>
      %select_n3A_187 = arith.select %eq3A_186, %exp3A_173, %select_n3A : vector<16xi1>, vector<16xf32>
      %get3A_188 = arith.index_cast %scan3A_79 : i32 to index
      %get3A_189 = arith.constant 32 : index
      %get3A_190 = tpu.vector_load %arg16[%get3A_188, %get3A_189] {strides = array<i32>} : memref<40x128xf32, #tpu.memory_space<vmem>>, vector<1x16xf32>,
      %get3A_191 = vector.shape_cast %get3A_190 : vector<1x16xf32> to vector<16xf32>
      %get3A_192 = arith.index_cast %scan3A_79 : i32 to index
      %get3A_193 = arith.constant 32 : index
      %get3A_194 = tpu.vector_load %arg17[%get3A_192, %get3A_193] {strides = array<i32>} : memref<40x128xf32, #tpu.memory_space<vmem>>, vector<1x16xf32>,
      %get3A_195 = vector.shape_cast %get3A_194 : vector<1x16xf32> to vector<16xf32>
      %mul3A_196 = arith.mulf %get3A_191, %get3A_195 : vector<16xf32>
      %xor3A_197 = arith.constant 1 : i32
      %xor3A_198 = vector.broadcast %xor3A_197 : i32 to vector<16xi32>
      %xor3A_199 = arith.xori %iota3A, %xor3A_198 : vector<16xi32>
      %broadcast_in_dim3A_200 = vector.shape_cast %xor3A_199 : vector<16xi32> to vector<16x1xi32>
      %gather3A_201 = vector.shape_cast %broadcast_in_dim3A_200 : vector<16x1xi32> to vector<16xi32>
      %gather3A_202 = tpu.dynamic_gather %mul3A_196[%gather3A_201] in [0] : vector<16xf32>, vector<16xi32> -> vector<16xf32>
      %add3A_203 = arith.addf %mul3A_196, %gather3A_202 : vector<16xf32>
      %xor3A_204 = arith.constant 2 : i32
      %xor3A_205 = vector.broadcast %xor3A_204 : i32 to vector<16xi32>
      %xor3A_206 = arith.xori %iota3A, %xor3A_205 : vector<16xi32>
      %broadcast_in_dim3A_207 = vector.shape_cast %xor3A_206 : vector<16xi32> to vector<16x1xi32>
      %gather3A_208 = vector.shape_cast %broadcast_in_dim3A_207 : vector<16x1xi32> to vector<16xi32>
      %gather3A_209 = tpu.dynamic_gather %add3A_203[%gather3A_208] in [0] : vector<16xf32>, vector<16xi32> -> vector<16xf32>
      %add3A_210 = arith.addf %add3A_203, %gather3A_209 : vector<16xf32>
      %xor3A_211 = arith.constant 4 : i32
      %xor3A_212 = vector.broadcast %xor3A_211 : i32 to vector<16xi32>
      %xor3A_213 = arith.xori %iota3A, %xor3A_212 : vector<16xi32>
      %broadcast_in_dim3A_214 = vector.shape_cast %xor3A_213 : vector<16xi32> to vector<16x1xi32>
      %gather3A_215 = vector.shape_cast %broadcast_in_dim3A_214 : vector<16x1xi32> to vector<16xi32>
      %gather3A_216 = tpu.dynamic_gather %add3A_210[%gather3A_215] in [0] : vector<16xf32>, vector<16xi32> -> vector<16xf32>
      %add3A_217 = arith.addf %add3A_210, %gather3A_216 : vector<16xf32>
      %xor3A_218 = arith.constant 8 : i32
      %xor3A_219 = vector.broadcast %xor3A_218 : i32 to vector<16xi32>
      %xor3A_220 = arith.xori %iota3A, %xor3A_219 : vector<16xi32>
      %broadcast_in_dim3A_221 = vector.shape_cast %xor3A_220 : vector<16xi32> to vector<16x1xi32>
      %gather3A_222 = vector.shape_cast %broadcast_in_dim3A_221 : vector<16x1xi32> to vector<16xi32>
      %gather3A_223 = tpu.dynamic_gather %add3A_217[%gather3A_222] in [0] : vector<16xf32>, vector<16xi32> -> vector<16xf32>
      %add3A_224 = arith.addf %add3A_217, %gather3A_223 : vector<16xf32>
      %max3A_225 = arith.constant -5.000000e+00 : f32
      %max3A_226 = vector.broadcast %max3A_225 : f32 to vector<16xf32>
      %max3A_227 = arith.maximumf %add3A_224, %max3A_226 : vector<16xf32>
      %min3A_228 = arith.constant 5.000000e+00 : f32
      %min3A_229 = vector.broadcast %min3A_228 : f32 to vector<16xf32>
      %min3A_230 = arith.minimumf %max3A_227, %min3A_229 : vector<16xf32>
      %exp3A_231 = math.exp %min3A_230 : vector<16xf32>
      %get3A_232 = arith.index_cast %scan3A_79 : i32 to index
      %get3A_233 = arith.constant 32 : index
      %get3A_234 = tpu.vector_load %arg18[%get3A_232, %get3A_233] {strides = array<i32>} : memref<40x128xf32, #tpu.memory_space<vmem>>, vector<1x16xf32>,
      %get3A_235 = vector.shape_cast %get3A_234 : vector<1x16xf32> to vector<16xf32>
      %mul3A_236 = arith.mulf %exp3A_231, %get3A_235 : vector<16xf32>
      %swap3A_237 = arith.index_cast %scan3A_79 : i32 to index
      %swap3A_238 = arith.constant 32 : index
      %swap3A_239 = tpu.vector_load %arg19[%swap3A_237, %swap3A_238] {strides = array<i32>} : memref<40x128xf32, #tpu.memory_space<vmem>>, vector<1x16xf32>,
      %swap3A_240 = vector.shape_cast %swap3A_239 : vector<1x16xf32> to vector<16xf32>
      %swap3A_241 = vector.shape_cast %mul3A_236 : vector<16xf32> to vector<1x16xf32>
      tpu.vector_store %arg19[%swap3A_237, %swap3A_238], %swap3A_241 {strides = array<i32>} : memref<40x128xf32, #tpu.memory_space<vmem>>, vector<1x16xf32>,
      %eq3A_242 = arith.constant 2 : i32
      %eq3A_243 = vector.broadcast %eq3A_242 : i32 to vector<16xi32>
      %eq3A_244 = arith.cmpi eq, %iota3A, %eq3A_243 : vector<16xi32>
      %select_n3A_245 = arith.select %eq3A_244, %exp3A_231, %select_n3A_187 : vector<16xi1>, vector<16xf32>
      %get3A_246 = arith.index_cast %scan3A_79 : i32 to index
      %get3A_247 = arith.constant 48 : index
      %get3A_248 = tpu.vector_load %arg16[%get3A_246, %get3A_247] {strides = array<i32>} : memref<40x128xf32, #tpu.memory_space<vmem>>, vector<1x16xf32>,
      %get3A_249 = vector.shape_cast %get3A_248 : vector<1x16xf32> to vector<16xf32>
      %get3A_250 = arith.index_cast %scan3A_79 : i32 to index
      %get3A_251 = arith.constant 48 : index
      %get3A_252 = tpu.vector_load %arg17[%get3A_250, %get3A_251] {strides = array<i32>} : memref<40x128xf32, #tpu.memory_space<vmem>>, vector<1x16xf32>,
      %get3A_253 = vector.shape_cast %get3A_252 : vector<1x16xf32> to vector<16xf32>
      %mul3A_254 = arith.mulf %get3A_249, %get3A_253 : vector<16xf32>
      %xor3A_255 = arith.constant 1 : i32
      %xor3A_256 = vector.broadcast %xor3A_255 : i32 to vector<16xi32>
      %xor3A_257 = arith.xori %iota3A, %xor3A_256 : vector<16xi32>
      %broadcast_in_dim3A_258 = vector.shape_cast %xor3A_257 : vector<16xi32> to vector<16x1xi32>
      %gather3A_259 = vector.shape_cast %broadcast_in_dim3A_258 : vector<16x1xi32> to vector<16xi32>
      %gather3A_260 = tpu.dynamic_gather %mul3A_254[%gather3A_259] in [0] : vector<16xf32>, vector<16xi32> -> vector<16xf32>
      %add3A_261 = arith.addf %mul3A_254, %gather3A_260 : vector<16xf32>
      %xor3A_262 = arith.constant 2 : i32
      %xor3A_263 = vector.broadcast %xor3A_262 : i32 to vector<16xi32>
      %xor3A_264 = arith.xori %iota3A, %xor3A_263 : vector<16xi32>
      %broadcast_in_dim3A_265 = vector.shape_cast %xor3A_264 : vector<16xi32> to vector<16x1xi32>
      %gather3A_266 = vector.shape_cast %broadcast_in_dim3A_265 : vector<16x1xi32> to vector<16xi32>
      %gather3A_267 = tpu.dynamic_gather %add3A_261[%gather3A_266] in [0] : vector<16xf32>, vector<16xi32> -> vector<16xf32>
      %add3A_268 = arith.addf %add3A_261, %gather3A_267 : vector<16xf32>
      %xor3A_269 = arith.constant 4 : i32
      %xor3A_270 = vector.broadcast %xor3A_269 : i32 to vector<16xi32>
      %xor3A_271 = arith.xori %iota3A, %xor3A_270 : vector<16xi32>
      %broadcast_in_dim3A_272 = vector.shape_cast %xor3A_271 : vector<16xi32> to vector<16x1xi32>
      %gather3A_273 = vector.shape_cast %broadcast_in_dim3A_272 : vector<16x1xi32> to vector<16xi32>
      %gather3A_274 = tpu.dynamic_gather %add3A_268[%gather3A_273] in [0] : vector<16xf32>, vector<16xi32> -> vector<16xf32>
      %add3A_275 = arith.addf %add3A_268, %gather3A_274 : vector<16xf32>
      %xor3A_276 = arith.constant 8 : i32
      %xor3A_277 = vector.broadcast %xor3A_276 : i32 to vector<16xi32>
      %xor3A_278 = arith.xori %iota3A, %xor3A_277 : vector<16xi32>
      %broadcast_in_dim3A_279 = vector.shape_cast %xor3A_278 : vector<16xi32> to vector<16x1xi32>
      %gather3A_280 = vector.shape_cast %broadcast_in_dim3A_279 : vector<16x1xi32> to vector<16xi32>
      %gather3A_281 = tpu.dynamic_gather %add3A_275[%gather3A_280] in [0] : vector<16xf32>, vector<16xi32> -> vector<16xf32>
      %add3A_282 = arith.addf %add3A_275, %gather3A_281 : vector<16xf32>
      %max3A_283 = arith.constant -5.000000e+00 : f32
      %max3A_284 = vector.broadcast %max3A_283 : f32 to vector<16xf32>
      %max3A_285 = arith.maximumf %add3A_282, %max3A_284 : vector<16xf32>
      %min3A_286 = arith.constant 5.000000e+00 : f32
      %min3A_287 = vector.broadcast %min3A_286 : f32 to vector<16xf32>
      %min3A_288 = arith.minimumf %max3A_285, %min3A_287 : vector<16xf32>
      %exp3A_289 = math.exp %min3A_288 : vector<16xf32>
      %get3A_290 = arith.index_cast %scan3A_79 : i32 to index
      %get3A_291 = arith.constant 48 : index
      %get3A_292 = tpu.vector_load %arg18[%get3A_290, %get3A_291] {strides = array<i32>} : memref<40x128xf32, #tpu.memory_space<vmem>>, vector<1x16xf32>,
      %get3A_293 = vector.shape_cast %get3A_292 : vector<1x16xf32> to vector<16xf32>
      %mul3A_294 = arith.mulf %exp3A_289, %get3A_293 : vector<16xf32>
      %swap3A_295 = arith.index_cast %scan3A_79 : i32 to index
      %swap3A_296 = arith.constant 48 : index
      %swap3A_297 = tpu.vector_load %arg19[%swap3A_295, %swap3A_296] {strides = array<i32>} : memref<40x128xf32, #tpu.memory_space<vmem>>, vector<1x16xf32>,
      %swap3A_298 = vector.shape_cast %swap3A_297 : vector<1x16xf32> to vector<16xf32>
      %swap3A_299 = vector.shape_cast %mul3A_294 : vector<16xf32> to vector<1x16xf32>
      tpu.vector_store %arg19[%swap3A_295, %swap3A_296], %swap3A_299 {strides = array<i32>} : memref<40x128xf32, #tpu.memory_space<vmem>>, vector<1x16xf32>,
      %eq3A_300 = arith.constant 3 : i32
      %eq3A_301 = vector.broadcast %eq3A_300 : i32 to vector<16xi32>
      %eq3A_302 = arith.cmpi eq, %iota3A, %eq3A_301 : vector<16xi32>
      %select_n3A_303 = arith.select %eq3A_302, %exp3A_289, %select_n3A_245 : vector<16xi1>, vector<16xf32>
      %get3A_304 = arith.index_cast %scan3A_79 : i32 to index
      %get3A_305 = arith.constant 64 : index
      %get3A_306 = tpu.vector_load %arg16[%get3A_304, %get3A_305] {strides = array<i32>} : memref<40x128xf32, #tpu.memory_space<vmem>>, vector<1x16xf32>,
      %get3A_307 = vector.shape_cast %get3A_306 : vector<1x16xf32> to vector<16xf32>
      %get3A_308 = arith.index_cast %scan3A_79 : i32 to index
      %get3A_309 = arith.constant 64 : index
      %get3A_310 = tpu.vector_load %arg17[%get3A_308, %get3A_309] {strides = array<i32>} : memref<40x128xf32, #tpu.memory_space<vmem>>, vector<1x16xf32>,
      %get3A_311 = vector.shape_cast %get3A_310 : vector<1x16xf32> to vector<16xf32>
      %mul3A_312 = arith.mulf %get3A_307, %get3A_311 : vector<16xf32>
      %xor3A_313 = arith.constant 1 : i32
      %xor3A_314 = vector.broadcast %xor3A_313 : i32 to vector<16xi32>
      %xor3A_315 = arith.xori %iota3A, %xor3A_314 : vector<16xi32>
      %broadcast_in_dim3A_316 = vector.shape_cast %xor3A_315 : vector<16xi32> to vector<16x1xi32>
      %gather3A_317 = vector.shape_cast %broadcast_in_dim3A_316 : vector<16x1xi32> to vector<16xi32>
      %gather3A_318 = tpu.dynamic_gather %mul3A_312[%gather3A_317] in [0] : vector<16xf32>, vector<16xi32> -> vector<16xf32>
      %add3A_319 = arith.addf %mul3A_312, %gather3A_318 : vector<16xf32>
      %xor3A_320 = arith.constant 2 : i32
      %xor3A_321 = vector.broadcast %xor3A_320 : i32 to vector<16xi32>
      %xor3A_322 = arith.xori %iota3A, %xor3A_321 : vector<16xi32>
      %broadcast_in_dim3A_323 = vector.shape_cast %xor3A_322 : vector<16xi32> to vector<16x1xi32>
      %gather3A_324 = vector.shape_cast %broadcast_in_dim3A_323 : vector<16x1xi32> to vector<16xi32>
      %gather3A_325 = tpu.dynamic_gather %add3A_319[%gather3A_324] in [0] : vector<16xf32>, vector<16xi32> -> vector<16xf32>
      %add3A_326 = arith.addf %add3A_319, %gather3A_325 : vector<16xf32>
      %xor3A_327 = arith.constant 4 : i32
      %xor3A_328 = vector.broadcast %xor3A_327 : i32 to vector<16xi32>
      %xor3A_329 = arith.xori %iota3A, %xor3A_328 : vector<16xi32>
      %broadcast_in_dim3A_330 = vector.shape_cast %xor3A_329 : vector<16xi32> to vector<16x1xi32>
      %gather3A_331 = vector.shape_cast %broadcast_in_dim3A_330 : vector<16x1xi32> to vector<16xi32>
      %gather3A_332 = tpu.dynamic_gather %add3A_326[%gather3A_331] in [0] : vector<16xf32>, vector<16xi32> -> vector<16xf32>
      %add3A_333 = arith.addf %add3A_326, %gather3A_332 : vector<16xf32>
      %xor3A_334 = arith.constant 8 : i32
      %xor3A_335 = vector.broadcast %xor3A_334 : i32 to vector<16xi32>
      %xor3A_336 = arith.xori %iota3A, %xor3A_335 : vector<16xi32>
      %broadcast_in_dim3A_337 = vector.shape_cast %xor3A_336 : vector<16xi32> to vector<16x1xi32>
      %gather3A_338 = vector.shape_cast %broadcast_in_dim3A_337 : vector<16x1xi32> to vector<16xi32>
      %gather3A_339 = tpu.dynamic_gather %add3A_333[%gather3A_338] in [0] : vector<16xf32>, vector<16xi32> -> vector<16xf32>
      %add3A_340 = arith.addf %add3A_333, %gather3A_339 : vector<16xf32>
      %max3A_341 = arith.constant -5.000000e+00 : f32
      %max3A_342 = vector.broadcast %max3A_341 : f32 to vector<16xf32>
      %max3A_343 = arith.maximumf %add3A_340, %max3A_342 : vector<16xf32>
      %min3A_344 = arith.constant 5.000000e+00 : f32
      %min3A_345 = vector.broadcast %min3A_344 : f32 to vector<16xf32>
      %min3A_346 = arith.minimumf %max3A_343, %min3A_345 : vector<16xf32>
      %exp3A_347 = math.exp %min3A_346 : vector<16xf32>
      %get3A_348 = arith.index_cast %scan3A_79 : i32 to index
      %get3A_349 = arith.constant 64 : index
      %get3A_350 = tpu.vector_load %arg18[%get3A_348, %get3A_349] {strides = array<i32>} : memref<40x128xf32, #tpu.memory_space<vmem>>, vector<1x16xf32>,
      %get3A_351 = vector.shape_cast %get3A_350 : vector<1x16xf32> to vector<16xf32>
      %mul3A_352 = arith.mulf %exp3A_347, %get3A_351 : vector<16xf32>
      %swap3A_353 = arith.index_cast %scan3A_79 : i32 to index
      %swap3A_354 = arith.constant 64 : index
      %swap3A_355 = tpu.vector_load %arg19[%swap3A_353, %swap3A_354] {strides = array<i32>} : memref<40x128xf32, #tpu.memory_space<vmem>>, vector<1x16xf32>,
      %swap3A_356 = vector.shape_cast %swap3A_355 : vector<1x16xf32> to vector<16xf32>
      %swap3A_357 = vector.shape_cast %mul3A_352 : vector<16xf32> to vector<1x16xf32>
      tpu.vector_store %arg19[%swap3A_353, %swap3A_354], %swap3A_357 {strides = array<i32>} : memref<40x128xf32, #tpu.memory_space<vmem>>, vector<1x16xf32>,
      %eq3A_358 = arith.constant 4 : i32
      %eq3A_359 = vector.broadcast %eq3A_358 : i32 to vector<16xi32>
      %eq3A_360 = arith.cmpi eq, %iota3A, %eq3A_359 : vector<16xi32>
      %select_n3A_361 = arith.select %eq3A_360, %exp3A_347, %select_n3A_303 : vector<16xi1>, vector<16xf32>
      %get3A_362 = arith.index_cast %scan3A_79 : i32 to index
      %get3A_363 = arith.constant 80 : index
      %get3A_364 = tpu.vector_load %arg16[%get3A_362, %get3A_363] {strides = array<i32>} : memref<40x128xf32, #tpu.memory_space<vmem>>, vector<1x16xf32>,
      %get3A_365 = vector.shape_cast %get3A_364 : vector<1x16xf32> to vector<16xf32>
      %get3A_366 = arith.index_cast %scan3A_79 : i32 to index
      %get3A_367 = arith.constant 80 : index
      %get3A_368 = tpu.vector_load %arg17[%get3A_366, %get3A_367] {strides = array<i32>} : memref<40x128xf32, #tpu.memory_space<vmem>>, vector<1x16xf32>,
      %get3A_369 = vector.shape_cast %get3A_368 : vector<1x16xf32> to vector<16xf32>
      %mul3A_370 = arith.mulf %get3A_365, %get3A_369 : vector<16xf32>
      %xor3A_371 = arith.constant 1 : i32
      %xor3A_372 = vector.broadcast %xor3A_371 : i32 to vector<16xi32>
      %xor3A_373 = arith.xori %iota3A, %xor3A_372 : vector<16xi32>
      %broadcast_in_dim3A_374 = vector.shape_cast %xor3A_373 : vector<16xi32> to vector<16x1xi32>
      %gather3A_375 = vector.shape_cast %broadcast_in_dim3A_374 : vector<16x1xi32> to vector<16xi32>
      %gather3A_376 = tpu.dynamic_gather %mul3A_370[%gather3A_375] in [0] : vector<16xf32>, vector<16xi32> -> vector<16xf32>
      %add3A_377 = arith.addf %mul3A_370, %gather3A_376 : vector<16xf32>
      %xor3A_378 = arith.constant 2 : i32
      %xor3A_379 = vector.broadcast %xor3A_378 : i32 to vector<16xi32>
      %xor3A_380 = arith.xori %iota3A, %xor3A_379 : vector<16xi32>
      %broadcast_in_dim3A_381 = vector.shape_cast %xor3A_380 : vector<16xi32> to vector<16x1xi32>
      %gather3A_382 = vector.shape_cast %broadcast_in_dim3A_381 : vector<16x1xi32> to vector<16xi32>
      %gather3A_383 = tpu.dynamic_gather %add3A_377[%gather3A_382] in [0] : vector<16xf32>, vector<16xi32> -> vector<16xf32>
      %add3A_384 = arith.addf %add3A_377, %gather3A_383 : vector<16xf32>
      %xor3A_385 = arith.constant 4 : i32
      %xor3A_386 = vector.broadcast %xor3A_385 : i32 to vector<16xi32>
      %xor3A_387 = arith.xori %iota3A, %xor3A_386 : vector<16xi32>
      %broadcast_in_dim3A_388 = vector.shape_cast %xor3A_387 : vector<16xi32> to vector<16x1xi32>
      %gather3A_389 = vector.shape_cast %broadcast_in_dim3A_388 : vector<16x1xi32> to vector<16xi32>
      %gather3A_390 = tpu.dynamic_gather %add3A_384[%gather3A_389] in [0] : vector<16xf32>, vector<16xi32> -> vector<16xf32>
      %add3A_391 = arith.addf %add3A_384, %gather3A_390 : vector<16xf32>
      %xor3A_392 = arith.constant 8 : i32
      %xor3A_393 = vector.broadcast %xor3A_392 : i32 to vector<16xi32>
      %xor3A_394 = arith.xori %iota3A, %xor3A_393 : vector<16xi32>
      %broadcast_in_dim3A_395 = vector.shape_cast %xor3A_394 : vector<16xi32> to vector<16x1xi32>
      %gather3A_396 = vector.shape_cast %broadcast_in_dim3A_395 : vector<16x1xi32> to vector<16xi32>
      %gather3A_397 = tpu.dynamic_gather %add3A_391[%gather3A_396] in [0] : vector<16xf32>, vector<16xi32> -> vector<16xf32>
      %add3A_398 = arith.addf %add3A_391, %gather3A_397 : vector<16xf32>
      %max3A_399 = arith.constant -5.000000e+00 : f32
      %max3A_400 = vector.broadcast %max3A_399 : f32 to vector<16xf32>
      %max3A_401 = arith.maximumf %add3A_398, %max3A_400 : vector<16xf32>
      %min3A_402 = arith.constant 5.000000e+00 : f32
      %min3A_403 = vector.broadcast %min3A_402 : f32 to vector<16xf32>
      %min3A_404 = arith.minimumf %max3A_401, %min3A_403 : vector<16xf32>
      %exp3A_405 = math.exp %min3A_404 : vector<16xf32>
      %get3A_406 = arith.index_cast %scan3A_79 : i32 to index
      %get3A_407 = arith.constant 80 : index
      %get3A_408 = tpu.vector_load %arg18[%get3A_406, %get3A_407] {strides = array<i32>} : memref<40x128xf32, #tpu.memory_space<vmem>>, vector<1x16xf32>,
      %get3A_409 = vector.shape_cast %get3A_408 : vector<1x16xf32> to vector<16xf32>
      %mul3A_410 = arith.mulf %exp3A_405, %get3A_409 : vector<16xf32>
      %swap3A_411 = arith.index_cast %scan3A_79 : i32 to index
      %swap3A_412 = arith.constant 80 : index
      %swap3A_413 = tpu.vector_load %arg19[%swap3A_411, %swap3A_412] {strides = array<i32>} : memref<40x128xf32, #tpu.memory_space<vmem>>, vector<1x16xf32>,
      %swap3A_414 = vector.shape_cast %swap3A_413 : vector<1x16xf32> to vector<16xf32>
      %swap3A_415 = vector.shape_cast %mul3A_410 : vector<16xf32> to vector<1x16xf32>
      tpu.vector_store %arg19[%swap3A_411, %swap3A_412], %swap3A_415 {strides = array<i32>} : memref<40x128xf32, #tpu.memory_space<vmem>>, vector<1x16xf32>,
      %eq3A_416 = arith.constant 5 : i32
      %eq3A_417 = vector.broadcast %eq3A_416 : i32 to vector<16xi32>
      %eq3A_418 = arith.cmpi eq, %iota3A, %eq3A_417 : vector<16xi32>
      %select_n3A_419 = arith.select %eq3A_418, %exp3A_405, %select_n3A_361 : vector<16xi1>, vector<16xf32>
      %get3A_420 = arith.index_cast %scan3A_79 : i32 to index
      %get3A_421 = arith.constant 96 : index
      %get3A_422 = tpu.vector_load %arg16[%get3A_420, %get3A_421] {strides = array<i32>} : memref<40x128xf32, #tpu.memory_space<vmem>>, vector<1x16xf32>,
      %get3A_423 = vector.shape_cast %get3A_422 : vector<1x16xf32> to vector<16xf32>
      %get3A_424 = arith.index_cast %scan3A_79 : i32 to index
      %get3A_425 = arith.constant 96 : index
      %get3A_426 = tpu.vector_load %arg17[%get3A_424, %get3A_425] {strides = array<i32>} : memref<40x128xf32, #tpu.memory_space<vmem>>, vector<1x16xf32>,
      %get3A_427 = vector.shape_cast %get3A_426 : vector<1x16xf32> to vector<16xf32>
      %mul3A_428 = arith.mulf %get3A_423, %get3A_427 : vector<16xf32>
      %xor3A_429 = arith.constant 1 : i32
      %xor3A_430 = vector.broadcast %xor3A_429 : i32 to vector<16xi32>
      %xor3A_431 = arith.xori %iota3A, %xor3A_430 : vector<16xi32>
      %broadcast_in_dim3A_432 = vector.shape_cast %xor3A_431 : vector<16xi32> to vector<16x1xi32>
      %gather3A_433 = vector.shape_cast %broadcast_in_dim3A_432 : vector<16x1xi32> to vector<16xi32>
      %gather3A_434 = tpu.dynamic_gather %mul3A_428[%gather3A_433] in [0] : vector<16xf32>, vector<16xi32> -> vector<16xf32>
      %add3A_435 = arith.addf %mul3A_428, %gather3A_434 : vector<16xf32>
      %xor3A_436 = arith.constant 2 : i32
      %xor3A_437 = vector.broadcast %xor3A_436 : i32 to vector<16xi32>
      %xor3A_438 = arith.xori %iota3A, %xor3A_437 : vector<16xi32>
      %broadcast_in_dim3A_439 = vector.shape_cast %xor3A_438 : vector<16xi32> to vector<16x1xi32>
      %gather3A_440 = vector.shape_cast %broadcast_in_dim3A_439 : vector<16x1xi32> to vector<16xi32>
      %gather3A_441 = tpu.dynamic_gather %add3A_435[%gather3A_440] in [0] : vector<16xf32>, vector<16xi32> -> vector<16xf32>
      %add3A_442 = arith.addf %add3A_435, %gather3A_441 : vector<16xf32>
      %xor3A_443 = arith.constant 4 : i32
      %xor3A_444 = vector.broadcast %xor3A_443 : i32 to vector<16xi32>
      %xor3A_445 = arith.xori %iota3A, %xor3A_444 : vector<16xi32>
      %broadcast_in_dim3A_446 = vector.shape_cast %xor3A_445 : vector<16xi32> to vector<16x1xi32>
      %gather3A_447 = vector.shape_cast %broadcast_in_dim3A_446 : vector<16x1xi32> to vector<16xi32>
      %gather3A_448 = tpu.dynamic_gather %add3A_442[%gather3A_447] in [0] : vector<16xf32>, vector<16xi32> -> vector<16xf32>
      %add3A_449 = arith.addf %add3A_442, %gather3A_448 : vector<16xf32>
      %xor3A_450 = arith.constant 8 : i32
      %xor3A_451 = vector.broadcast %xor3A_450 : i32 to vector<16xi32>
      %xor3A_452 = arith.xori %iota3A, %xor3A_451 : vector<16xi32>
      %broadcast_in_dim3A_453 = vector.shape_cast %xor3A_452 : vector<16xi32> to vector<16x1xi32>
      %gather3A_454 = vector.shape_cast %broadcast_in_dim3A_453 : vector<16x1xi32> to vector<16xi32>
      %gather3A_455 = tpu.dynamic_gather %add3A_449[%gather3A_454] in [0] : vector<16xf32>, vector<16xi32> -> vector<16xf32>
      %add3A_456 = arith.addf %add3A_449, %gather3A_455 : vector<16xf32>
      %max3A_457 = arith.constant -5.000000e+00 : f32
      %max3A_458 = vector.broadcast %max3A_457 : f32 to vector<16xf32>
      %max3A_459 = arith.maximumf %add3A_456, %max3A_458 : vector<16xf32>
      %min3A_460 = arith.constant 5.000000e+00 : f32
      %min3A_461 = vector.broadcast %min3A_460 : f32 to vector<16xf32>
      %min3A_462 = arith.minimumf %max3A_459, %min3A_461 : vector<16xf32>
      %exp3A_463 = math.exp %min3A_462 : vector<16xf32>
      %get3A_464 = arith.index_cast %scan3A_79 : i32 to index
      %get3A_465 = arith.constant 96 : index
      %get3A_466 = tpu.vector_load %arg18[%get3A_464, %get3A_465] {strides = array<i32>} : memref<40x128xf32, #tpu.memory_space<vmem>>, vector<1x16xf32>,
      %get3A_467 = vector.shape_cast %get3A_466 : vector<1x16xf32> to vector<16xf32>
      %mul3A_468 = arith.mulf %exp3A_463, %get3A_467 : vector<16xf32>
      %swap3A_469 = arith.index_cast %scan3A_79 : i32 to index
      %swap3A_470 = arith.constant 96 : index
      %swap3A_471 = tpu.vector_load %arg19[%swap3A_469, %swap3A_470] {strides = array<i32>} : memref<40x128xf32, #tpu.memory_space<vmem>>, vector<1x16xf32>,
      %swap3A_472 = vector.shape_cast %swap3A_471 : vector<1x16xf32> to vector<16xf32>
      %swap3A_473 = vector.shape_cast %mul3A_468 : vector<16xf32> to vector<1x16xf32>
      tpu.vector_store %arg19[%swap3A_469, %swap3A_470], %swap3A_473 {strides = array<i32>} : memref<40x128xf32, #tpu.memory_space<vmem>>, vector<1x16xf32>,
      %eq3A_474 = arith.constant 6 : i32
      %eq3A_475 = vector.broadcast %eq3A_474 : i32 to vector<16xi32>
      %eq3A_476 = arith.cmpi eq, %iota3A, %eq3A_475 : vector<16xi32>
      %select_n3A_477 = arith.select %eq3A_476, %exp3A_463, %select_n3A_419 : vector<16xi1>, vector<16xf32>
      %get3A_478 = arith.index_cast %scan3A_79 : i32 to index
      %get3A_479 = arith.constant 112 : index
      %get3A_480 = tpu.vector_load %arg16[%get3A_478, %get3A_479] {strides = array<i32>} : memref<40x128xf32, #tpu.memory_space<vmem>>, vector<1x16xf32>,
      %get3A_481 = vector.shape_cast %get3A_480 : vector<1x16xf32> to vector<16xf32>
      %get3A_482 = arith.index_cast %scan3A_79 : i32 to index
      %get3A_483 = arith.constant 112 : index
      %get3A_484 = tpu.vector_load %arg17[%get3A_482, %get3A_483] {strides = array<i32>} : memref<40x128xf32, #tpu.memory_space<vmem>>, vector<1x16xf32>,
      %get3A_485 = vector.shape_cast %get3A_484 : vector<1x16xf32> to vector<16xf32>
      %mul3A_486 = arith.mulf %get3A_481, %get3A_485 : vector<16xf32>
      %xor3A_487 = arith.constant 1 : i32
      %xor3A_488 = vector.broadcast %xor3A_487 : i32 to vector<16xi32>
      %xor3A_489 = arith.xori %iota3A, %xor3A_488 : vector<16xi32>
      %broadcast_in_dim3A_490 = vector.shape_cast %xor3A_489 : vector<16xi32> to vector<16x1xi32>
      %gather3A_491 = vector.shape_cast %broadcast_in_dim3A_490 : vector<16x1xi32> to vector<16xi32>
      %gather3A_492 = tpu.dynamic_gather %mul3A_486[%gather3A_491] in [0] : vector<16xf32>, vector<16xi32> -> vector<16xf32>
      %add3A_493 = arith.addf %mul3A_486, %gather3A_492 : vector<16xf32>
      %xor3A_494 = arith.constant 2 : i32
      %xor3A_495 = vector.broadcast %xor3A_494 : i32 to vector<16xi32>
      %xor3A_496 = arith.xori %iota3A, %xor3A_495 : vector<16xi32>
      %broadcast_in_dim3A_497 = vector.shape_cast %xor3A_496 : vector<16xi32> to vector<16x1xi32>
      %gather3A_498 = vector.shape_cast %broadcast_in_dim3A_497 : vector<16x1xi32> to vector<16xi32>
      %gather3A_499 = tpu.dynamic_gather %add3A_493[%gather3A_498] in [0] : vector<16xf32>, vector<16xi32> -> vector<16xf32>
      %add3A_500 = arith.addf %add3A_493, %gather3A_499 : vector<16xf32>
      %xor3A_501 = arith.constant 4 : i32
      %xor3A_502 = vector.broadcast %xor3A_501 : i32 to vector<16xi32>
      %xor3A_503 = arith.xori %iota3A, %xor3A_502 : vector<16xi32>
      %broadcast_in_dim3A_504 = vector.shape_cast %xor3A_503 : vector<16xi32> to vector<16x1xi32>
      %gather3A_505 = vector.shape_cast %broadcast_in_dim3A_504 : vector<16x1xi32> to vector<16xi32>
      %gather3A_506 = tpu.dynamic_gather %add3A_500[%gather3A_505] in [0] : vector<16xf32>, vector<16xi32> -> vector<16xf32>
      %add3A_507 = arith.addf %add3A_500, %gather3A_506 : vector<16xf32>
      %xor3A_508 = arith.constant 8 : i32
      %xor3A_509 = vector.broadcast %xor3A_508 : i32 to vector<16xi32>
      %xor3A_510 = arith.xori %iota3A, %xor3A_509 : vector<16xi32>
      %broadcast_in_dim3A_511 = vector.shape_cast %xor3A_510 : vector<16xi32> to vector<16x1xi32>
      %gather3A_512 = vector.shape_cast %broadcast_in_dim3A_511 : vector<16x1xi32> to vector<16xi32>
      %gather3A_513 = tpu.dynamic_gather %add3A_507[%gather3A_512] in [0] : vector<16xf32>, vector<16xi32> -> vector<16xf32>
      %add3A_514 = arith.addf %add3A_507, %gather3A_513 : vector<16xf32>
      %max3A_515 = arith.constant -5.000000e+00 : f32
      %max3A_516 = vector.broadcast %max3A_515 : f32 to vector<16xf32>
      %max3A_517 = arith.maximumf %add3A_514, %max3A_516 : vector<16xf32>
      %min3A_518 = arith.constant 5.000000e+00 : f32
      %min3A_519 = vector.broadcast %min3A_518 : f32 to vector<16xf32>
      %min3A_520 = arith.minimumf %max3A_517, %min3A_519 : vector<16xf32>
      %exp3A_521 = math.exp %min3A_520 : vector<16xf32>
      %get3A_522 = arith.index_cast %scan3A_79 : i32 to index
      %get3A_523 = arith.constant 112 : index
      %get3A_524 = tpu.vector_load %arg18[%get3A_522, %get3A_523] {strides = array<i32>} : memref<40x128xf32, #tpu.memory_space<vmem>>, vector<1x16xf32>,
      %get3A_525 = vector.shape_cast %get3A_524 : vector<1x16xf32> to vector<16xf32>
      %mul3A_526 = arith.mulf %exp3A_521, %get3A_525 : vector<16xf32>
      %swap3A_527 = arith.index_cast %scan3A_79 : i32 to index
      %swap3A_528 = arith.constant 112 : index
      %swap3A_529 = tpu.vector_load %arg19[%swap3A_527, %swap3A_528] {strides = array<i32>} : memref<40x128xf32, #tpu.memory_space<vmem>>, vector<1x16xf32>,
      %swap3A_530 = vector.shape_cast %swap3A_529 : vector<1x16xf32> to vector<16xf32>
      %swap3A_531 = vector.shape_cast %mul3A_526 : vector<16xf32> to vector<1x16xf32>
      tpu.vector_store %arg19[%swap3A_527, %swap3A_528], %swap3A_531 {strides = array<i32>} : memref<40x128xf32, #tpu.memory_space<vmem>>, vector<1x16xf32>,
      %eq3A_532 = arith.constant 7 : i32
      %eq3A_533 = vector.broadcast %eq3A_532 : i32 to vector<16xi32>
      %eq3A_534 = arith.cmpi eq, %iota3A, %eq3A_533 : vector<16xi32>
      %select_n3A_535 = arith.select %eq3A_534, %exp3A_521, %select_n3A_477 : vector<16xi1>, vector<16xf32>
      %swap3A_536 = arith.index_cast %scan3A_79 : i32 to index
      %swap3A_537 = arith.constant 0 : index
      %swap3A_538 = tpu.vector_load %arg20[%swap3A_536, %swap3A_537] {strides = array<i32>} : memref<40x16xf32, #tpu.memory_space<vmem>>, vector<1x16xf32>,
      %swap3A_539 = vector.shape_cast %swap3A_538 : vector<1x16xf32> to vector<16xf32>
      %swap3A_540 = vector.shape_cast %select_n3A_535 : vector<16xf32> to vector<1x16xf32>
      tpu.vector_store %arg20[%swap3A_536, %swap3A_537], %swap3A_540 {strides = array<i32>} : memref<40x16xf32, #tpu.memory_space<vmem>>, vector<1x16xf32>,
      %scan3A_541 = arith.constant 0 : i32
      scf.yield %scan3A_541 : i32
    }
    %scan3A_77 = arith.constant 40 : i32
    "tpu.region"() ({
      %run_scoped3A = tpu.sem_alloc : memref<!tpu.dma_semaphore, #tpu.memory_space<semaphore_mem>>
      %dma_start3A_79 = arith.constant 0 : i32
      %dma_start3A_80 = arith.constant 0 : i32
      %dma_start3A_81 = tpu.memref_slice %arg21[%dma_start3A_79, %dma_start3A_80] : memref<10240x128xf32, #tpu.memory_space<vmem_shared>> -> memref<10240x128xf32, #tpu.memory_space<vmem_shared>>
      tpu.enqueue_indirect_dma source(%arg19 : memref<40x128xf32, #tpu.memory_space<vmem>>) target(%dma_start3A_81 : memref<10240x128xf32, #tpu.memory_space<vmem_shared>>) offsets(%arg12 : memref<40xi32, #tpu.memory_space<vmem>>) semaphore(%run_scoped3A : memref<!tpu.dma_semaphore, #tpu.memory_space<semaphore_mem>>) {add = true}
      %dma_wait3A_82 = arith.constant 0 : i32
      %dma_wait3A_83 = arith.constant 0 : i32
      %dma_wait3A_84 = tpu.memref_slice %arg21[%dma_wait3A_82, %dma_wait3A_83] : memref<10240x128xf32, #tpu.memory_space<vmem_shared>> -> memref<10240x128xf32, #tpu.memory_space<vmem_shared>>
      tpu.wait_indirect_dma semaphore(%run_scoped3A : memref<!tpu.dma_semaphore, #tpu.memory_space<semaphore_mem>>) src(%arg19 : memref<40x128xf32, #tpu.memory_space<vmem>>) dst(%dma_wait3A_84 : memref<10240x128xf32, #tpu.memory_space<vmem_shared>>)
      tpu.yield
    }) : () -> ()
    "tpu.region"() ({
      %run_scoped3A = tpu.sem_alloc : memref<!tpu.dma_semaphore, #tpu.memory_space<semaphore_mem>>
      %dma_start3A_79 = arith.constant 0 : i32
      %dma_start3A_80 = arith.constant 0 : i32
      %dma_start3A_81 = tpu.memref_slice %arg22[%dma_start3A_79, %dma_start3A_80] : memref<10240x16xf32, #tpu.memory_space<vmem_shared>> -> memref<10240x16xf32, #tpu.memory_space<vmem_shared>>
      tpu.enqueue_indirect_dma source(%arg20 : memref<40x16xf32, #tpu.memory_space<vmem>>) target(%dma_start3A_81 : memref<10240x16xf32, #tpu.memory_space<vmem_shared>>) offsets(%arg12 : memref<40xi32, #tpu.memory_space<vmem>>) semaphore(%run_scoped3A : memref<!tpu.dma_semaphore, #tpu.memory_space<semaphore_mem>>) {add = true}
      %dma_wait3A_82 = arith.constant 0 : i32
      %dma_wait3A_83 = arith.constant 0 : i32
      %dma_wait3A_84 = tpu.memref_slice %arg22[%dma_wait3A_82, %dma_wait3A_83] : memref<10240x16xf32, #tpu.memory_space<vmem_shared>> -> memref<10240x16xf32, #tpu.memory_space<vmem_shared>>
      tpu.wait_indirect_dma semaphore(%run_scoped3A : memref<!tpu.dma_semaphore, #tpu.memory_space<semaphore_mem>>) src(%arg20 : memref<40x16xf32, #tpu.memory_space<vmem>>) dst(%dma_wait3A_84 : memref<10240x16xf32, #tpu.memory_space<vmem_shared>>)
      tpu.yield
    }) : () -> ()
    %barrier3A_78 = arith.constant 0 : index
    tpu.barrier barrier_id(%barrier3A_78)
    "tpu.region"() ({
      %run_scoped3A = tpu.sem_alloc : memref<!tpu.dma_semaphore, #tpu.memory_space<semaphore_mem>>
      %dma_start3A_79 = arith.constant 0 : i32
      %dma_start3A_80 = tpu.memref_slice %arg7[%arg0, %mul3A_7, %dma_start3A_79] : memref<2x10240x128xf32, #tpu.memory_space<hbm>> -> memref<1x640x128xf32, #tpu.memory_space<hbm>>
      %dma_start3A_81 = tpu.memref_squeeze %dma_start3A_80 : memref<1x640x128xf32, #tpu.memory_space<hbm>> -> memref<640x128xf32, #tpu.memory_space<hbm>>
      %dma_start3A_82 = arith.constant 0 : i32
      %dma_start3A_83 = tpu.memref_slice %arg21[%mul3A_7, %dma_start3A_82] : memref<10240x128xf32, #tpu.memory_space<vmem_shared>> -> memref<640x128xf32, #tpu.memory_space<vmem_shared>>
      tpu.enqueue_dma source(%dma_start3A_83 : memref<640x128xf32, #tpu.memory_space<vmem_shared>>) target(%dma_start3A_81 : memref<640x128xf32, #tpu.memory_space<hbm>>) target_semaphore(%run_scoped3A : memref<!tpu.dma_semaphore, #tpu.memory_space<semaphore_mem>>)
      %dma_wait3A_84 = arith.constant 0 : i32
      %dma_wait3A_85 = tpu.memref_slice %arg7[%arg0, %mul3A_7, %dma_wait3A_84] : memref<2x10240x128xf32, #tpu.memory_space<hbm>> -> memref<1x640x128xf32, #tpu.memory_space<hbm>>
      %dma_wait3A_86 = tpu.memref_squeeze %dma_wait3A_85 : memref<1x640x128xf32, #tpu.memory_space<hbm>> -> memref<640x128xf32, #tpu.memory_space<hbm>>
      %dma_wait3A_87 = arith.constant 0 : i32
      %dma_wait3A_88 = tpu.memref_slice %arg21[%mul3A_7, %dma_wait3A_87] : memref<10240x128xf32, #tpu.memory_space<vmem_shared>> -> memref<640x128xf32, #tpu.memory_space<vmem_shared>>
      tpu.wait_dma2 semaphore(%run_scoped3A : memref<!tpu.dma_semaphore, #tpu.memory_space<semaphore_mem>>) src(%dma_wait3A_88 : memref<640x128xf32, #tpu.memory_space<vmem_shared>>) dst(%dma_wait3A_86 : memref<640x128xf32, #tpu.memory_space<hbm>>)
      tpu.yield
    }) : () -> ()
    "tpu.region"() ({
      %run_scoped3A = tpu.sem_alloc : memref<!tpu.dma_semaphore, #tpu.memory_space<semaphore_mem>>
      %dma_start3A_79 = arith.constant 0 : i32
      %dma_start3A_80 = tpu.memref_slice %arg8[%arg0, %mul3A_7, %dma_start3A_79] : memref<2x10240x16xf32, #tpu.memory_space<hbm>> -> memref<1x640x16xf32, #tpu.memory_space<hbm>>
      %dma_start3A_81 = tpu.memref_squeeze %dma_start3A_80 : memref<1x640x16xf32, #tpu.memory_space<hbm>> -> memref<640x16xf32, #tpu.memory_space<hbm>>
      %dma_start3A_82 = arith.constant 0 : i32
      %dma_start3A_83 = tpu.memref_slice %arg22[%mul3A_7, %dma_start3A_82] : memref<10240x16xf32, #tpu.memory_space<vmem_shared>> -> memref<640x16xf32, #tpu.memory_space<vmem_shared>>
      tpu.enqueue_dma source(%dma_start3A_83 : memref<640x16xf32, #tpu.memory_space<vmem_shared>>) target(%dma_start3A_81 : memref<640x16xf32, #tpu.memory_space<hbm>>) target_semaphore(%run_scoped3A : memref<!tpu.dma_semaphore, #tpu.memory_space<semaphore_mem>>)
      %dma_wait3A_84 = arith.constant 0 : i32
      %dma_wait3A_85 = tpu.memref_slice %arg8[%arg0, %mul3A_7, %dma_wait3A_84] : memref<2x10240x16xf32, #tpu.memory_space<hbm>> -> memref<1x640x16xf32, #tpu.memory_space<hbm>>
      %dma_wait3A_86 = tpu.memref_squeeze %dma_wait3A_85 : memref<1x640x16xf32, #tpu.memory_space<hbm>> -> memref<640x16xf32, #tpu.memory_space<hbm>>
      %dma_wait3A_87 = arith.constant 0 : i32
      %dma_wait3A_88 = tpu.memref_slice %arg22[%mul3A_7, %dma_wait3A_87] : memref<10240x16xf32, #tpu.memory_space<vmem_shared>> -> memref<640x16xf32, #tpu.memory_space<vmem_shared>>
      tpu.wait_dma2 semaphore(%run_scoped3A : memref<!tpu.dma_semaphore, #tpu.memory_space<semaphore_mem>>) src(%dma_wait3A_88 : memref<640x16xf32, #tpu.memory_space<vmem_shared>>) dst(%dma_wait3A_86 : memref<640x16xf32, #tpu.memory_space<hbm>>)
      tpu.yield
    }) : () -> ()
    return
  }
}

</mosaic_0001>

<sc_bundles>
// kernel: _sc_attn.3.cloned.1.call-start
scs
__scs_entry_jumppad:
0x0: {  	(pc) =	sbr.rel $0x88, $3  }
0x1: {  	(tag) =	ssettag $0x0;
	lr =	simm.s32 $0x1  }
0x2: {  	[smem:$0x3F9C] =	sst lr;
	_ =	strace $0xD0000000  }
0x3: {  	_ = 	snop  }
0x4: {  	_ = 	snop  }
0x5: {  	_ = 	snop  }
0x6: {  	_ = 	snop  }
0x7: {  	_ = 	snop  }
__scs_overlays_trampoline_lowered:
0x8: {  	[smem:$0x3FAB] =	sst s0  }
0x9: {  	[smem:$0x3FAC] =	sst s1  }
0xa: {  	[smem:$0x3FAD] =	sst s2  }
0xb: {  	[smem:$0x3FAE] =	sst s3  }
0xc: {  	[smem:$0x3FAF] =	sst s4  }
0xd: {  	[smem:$0x3FB0] =	sst s5  }
0xe: {  	[smem:$0x3FB1] =	sst s6  }
0xf: {  	[smem:$0x3FB2] =	sst s7  }
0x10: {  	[smem:$0x3FB3] =	sst s8  }
0x11: {  	[smem:$0x3FB4] =	sst s9;
	s0 =	simm.s32 @!p0 $0x0  }
0x12: {  	s1 =	sld [smem:$0x3F9A];
	s0 =	simm.s32 @p0 $0x1  }
0x13: {  	[smem:$0x3FB5] =	sst s0;
	s0 =	simm.s32 @!p1 $0x0  }
0x14: {  	s2 =	sld [smem:$0x3F99];
	s0 =	simm.s32 @p1 $0x1  }
0x15: {  	[smem:$0x3FB6] =	sst s0;
	s0 =	simm.s32 @!p2 $0x0  }
0x16: {  	s3 =	sld [smem:$0x3FDB];
	s0 =	simm.s32 @p2 $0x1  }
0x17: {  	s4 =	simm.s32 $0x1BF5;
	[smem:$0x3FB8] =	sst s0  }
0x18: {  	s0 =	sld [smem:$0x3F9B];
	_ =	swait.ge [sflag:s4], $0x0  }
0x19: {  	s7 =	sld [smem:$0x3F9C]  }
0x1a: {  	s8 =	sadd.s32 $0xFFFFE003, lr  }
0x1b: {  	s9 =	sadd.s32 $0xFFFFFEF7, lr;
	s5 =	simm.s32 $0xFFFFFFFF;
	p2 =	slt.u32 s8, $0xFFFFF086  }
0x1c: {  	p1 =	slt.u32 s9, $0xF7A;
	s5 =	simm.s32 @!p2 $0x0  }
0x1d: {  	s5 =	simm.s32 @p1 $0x1;
	p0 =	seq.s32 s7, s2  }
0x1e: {  	s7 =	smul.u32 @!p0 $0xF7A, s2;
	p2 =	seq.s32 @!p0 s5, $0x0  }
0x1f: {  	s9 =	smul.u32 $0xF7A, s1;
	s8 =	simm.s32 @!p0 $0x1BF5;
	p2 =	por !p2, p0  }
0x20: {  	[sflag:s8] =	ssyncset.s32 @!p0 $0xFFFFF086;
	s6 =	sadd.s32 @!p0 s3, s7;
	s7 =	simm.s32 @!p0 $0x108  }
0x21: {  	s3 =	sadd.s32 s3, s9;
	s6 =	sadd.s32 @!p0 $0x88, s6;
	s7 =	simm.s32 @p2 $0x1082  }
0x22: {  	[simem:s7], [sflag:s8] =	dma.local @!p0 [hbm:s6], $0xF7A  }
0x23: {  	s9 =	sor.u32 $0xD0000000, s2;
	s6 =	simm.s32 $0x108;
	_ =	swait.ge @!p0 [sflag:s8], $0x0  }
0x24: {  	s3 =	sadd.s32 $0x88, s3;
	s6 =	simm.s32 @!p1 $0x1082;
	[sflag:s4] =	ssyncset.s32 $0xFFFFF086  }
0x25: {  	[simem:s6], [sflag:s4] =	dma.local [hbm:s3], $0xF7A  }
0x26: {  	[smem:$0x3F9C] =	sst s1;
	(tag) =	ssettag s2;
	_ =	strace s9  }
0x27: {  	s1 =	sld [smem:$0x3FAC]  }
0x28: {  	s2 =	sld [smem:$0x3FAD]  }
0x29: {  	s4 =	sld [smem:$0x3FAF]  }
0x2a: {  	p0 =	seq.s32 s5, $0x0;
	s5 =	sld [smem:$0x3FB0]  }
0x2b: {  	s6 =	sld [smem:$0x3FB1]  }
0x2c: {  	s7 =	sld [smem:$0x3FB2]  }
0x2d: {  	s3 =	simm.s32 $0x108;
	s8 =	sld [smem:$0x3FB3]  }
0x2e: {  	s3 =	simm.s32 @!p0 $0x1082;
	s9 =	sld [smem:$0x3FB4]  }
0x2f: {  	lr =	sadd.s32 s0, s3;
	s0 =	sld [smem:$0x3FAB]  }
0x30: {  	s3 =	sld [smem:$0x3FAE]  }
0x31: {  	[smem:$0x3FB7] =	sst s10  }
0x32: {  	s10 =	sld [smem:$0x3FB5];
	_ =	sdelay $0x3  }
0x33: {  	p0 =	seq.s32 s10, $0x1;
	s10 =	sld [smem:$0x3FB7];
	_ =	sdelay $0x3  }
0x34: {  	[smem:$0x3FB7] =	sst s10  }
0x35: {  	s10 =	sld [smem:$0x3FB6];
	_ =	sdelay $0x3  }
0x36: {  	p1 =	seq.s32 s10, $0x1;
	s10 =	sld [smem:$0x3FB7];
	_ =	sdelay $0x3  }
0x37: {  	[smem:$0x3FB7] =	sst s10  }
0x38: {  	s10 =	sld [smem:$0x3FB8]  }
0x39: {  	_ = 	snop;
	(pc) =	sbr.ind lr, $3  }
0x3a: {  	_ = 	snop  }
0x3b: {  	_ = 	snop  }
0x3c: {  	p2 =	seq.s32 s10, $0x1;
	s10 =	sld [smem:$0x3FB7]  }
0x3d: {  	_ =	shalt  }
0x3e: {  	_ =	shalt  }
0x3f: {  	_ =	shalt  }
0x40: {  	_ =	shalt  }
0x41: {  	_ =	shalt  }
0x42: {  	_ =	shalt  }
0x43: {  	_ =	shalt  }
0x44: {  	_ =	shalt  }
0x45: {  	_ =	shalt  }
0x46: {  	_ =	shalt  }
0x47: {  	_ =	shalt  }
0x48: {  	_ =	shalt  }
0x49: {  	_ =	shalt  }
0x4a: {  	_ =	shalt  }
0x4b: {  	_ =	shalt  }
0x4c: {  	_ =	shalt  }
0x4d: {  	_ =	shalt  }
0x4e: {  	_ =	shalt  }
0x4f: {  	_ =	shalt  }
0x50: {  	_ =	shalt  }
0x51: {  	_ =	shalt  }
0x52: {  	_ =	shalt  }
0x53: {  	_ =	shalt  }
0x54: {  	_ =	shalt  }
0x55: {  	_ =	shalt  }
0x56: {  	_ =	shalt  }
0x57: {  	_ =	shalt  }
0x58: {  	_ =	shalt  }
0x59: {  	_ =	shalt  }
0x5a: {  	_ =	shalt  }
0x5b: {  	_ =	shalt  }
0x5c: {  	_ =	shalt  }
0x5d: {  	_ =	shalt  }
0x5e: {  	_ =	shalt  }
0x5f: {  	_ =	shalt  }
0x60: {  	_ =	shalt  }
0x61: {  	_ =	shalt  }
0x62: {  	_ =	shalt  }
0x63: {  	_ =	shalt  }
0x64: {  	_ =	shalt  }
0x65: {  	_ =	shalt  }
0x66: {  	_ =	shalt  }
0x67: {  	_ =	shalt  }
0x68: {  	_ =	shalt  }
0x69: {  	_ =	shalt  }
0x6a: {  	_ =	shalt  }
0x6b: {  	_ =	shalt  }
0x6c: {  	_ =	shalt  }
0x6d: {  	_ =	shalt  }
0x6e: {  	_ =	shalt  }
0x6f: {  	_ =	shalt  }
0x70: {  	_ =	shalt  }
0x71: {  	_ =	shalt  }
0x72: {  	_ =	shalt  }
0x73: {  	_ =	shalt  }
0x74: {  	_ =	shalt  }
0x75: {  	_ =	shalt  }
0x76: {  	_ =	shalt  }
0x77: {  	_ =	shalt  }
0x78: {  	_ =	shalt  }
0x79: {  	_ =	shalt  }
0x7a: {  	_ =	shalt  }
0x7b: {  	_ =	shalt  }
0x7c: {  	_ =	shalt  }
0x7d: {  	_ =	shalt  }
0x7e: {  	_ =	shalt  }
0x7f: {  	_ =	shalt  }
0x80: {  	_ =	shalt  }
0x81: {  	_ =	shalt  }
0x82: {  	_ =	shalt  }
0x83: {  	_ =	shalt  }
0x84: {  	_ =	shalt  }
0x85: {  	_ =	shalt  }
0x86: {  	_ =	shalt  }
0x87: {  	_ =	shalt  }
.Lfunc_end0:
.L_simem_size_0:
called_computation_lowered:
.L_overlay_start_0:
0x88: {  	s2 =	sld [smem:$0x3FD9]  }
0x89: {  	s3 =	sld [smem:$0x3FFE];
	_ =	sdelay $0x1  }
0x8a: {  	s1 =	srdreg.scid  }
0x8b: {  	s0 =	sand.u32 $0x1, s1  }
0x8c: {  	s15 =	sshll.u32 s0, $0xA;
	s2 =	sadd.s32 s3, s2  }
0x8d: {  	s2 =	sadd.s32 s2, s15  }
0x8e: {  	[smem:$0x3FC3] =	sst s2  }
0x8f: {  	_ = 	snop  }
0x90: {  	s2 =	sld [smem:$0x3FC9]  }
0x91: {  	s16 =	sld [smem:$0x3FC8]  }
0x92: {  	s4 =	sld [smem:$0x3FD0]  }
0x93: {  	s5 =	sld [smem:$0x3FC7]  }
0x94: {  	s6 =	sld [smem:$0x3FC6]  }
0x95: {  	s8 =	simm.s32 $0xA;
	s9 =	simm.s32 $0x10;
	s7 =	sld [smem:$0x3FC5]  }
0x96: {  	[smem:s9], [sflag:s8] =	dma.local [hbm:s4], $0x1  }
0x97: {  	_ =	swait.eq [sflag:s8], $0x1  }
0x98: {  	[sflag:s8] =	ssyncset.done $0x0  }
0x99: {  	s17 =	sld [smem:$0x10];
	[sflag:s8] =	ssyncadd.s32 $0xFFFFFFFF  }
0x9a: {  	s18 =	sld [smem:$0x11];
	(tm) =	ssettm $0x1  }
0x9b: {  	s19 =	sld [smem:$0x3FFB];
	_ =	sdelay $0x3  }
0x9c: {  	_ =	strace s19  }
0x9d: {  	s9 =	sld [smem:$0x3FFC];
	_ =	sdelay $0x3  }
0x9e: {  	_ =	strace s9  }
0x9f: {  	s9 =	sld [smem:$0x3FFD];
	_ =	sdelay $0x3  }
0xa0: {  	_ =	strace s9  }
0xa1: {  	_ =	strace $0x8FFFFFFF  }
0xa2: {  	s20 =	sld [smem:$0x3FDB];
	_ =	sdelay $0x1  }
0xa3: {  	s10 =	simm.s32 $_scs_section_size  }
0xa4: {  	s11 =	simm.s32 $_size__tile_overlayer_lowered;
	s12 =	simm.s32 $_tile_overlayer_lowered  }
0xa5: {  	s23 =	simm.s32 $0x1BFF;
	s22 =	sshll.u32 s12, $0x1;
	s9 =	sadd.s32 s10, s20  }
0xa6: {  	s13 =	simm.s32 $0x0;
	s21 =	sshll.u32 s11, $0x1;
	s11 =	sadd.s32 s22, s9  }
0xa7: {  	[timem:s13], [sflag:s23] =	dma.local [hbm:s11], s21  }
0xa8: {  	_ =	swait.ge [sflag:s23], s21  }
0xa9: {  	s10 =	ssub.s32 $0x0, s21;
	[sflag:s23] =	ssyncset.done $0x0  }
0xaa: {  	[sflag:s23] =	ssyncadd.s32 s10;
	_ =	sdelay $0x1  }
0xab: {  	s24 =	simm.s32 $0x1B8B  }
0xac: {  	_ =	swait.ge [sflag:s24], $0x1  }
0xad: {  	[sflag:s24] =	ssyncset.done $0x0  }
0xae: {  	s25 =	simm.s32 $0x1B8E;
	[sflag:s24] =	ssyncadd.s32 $0xFFFFFFFF  }
0xaf: {  	s26 =	simm.s32 $execute0_lowered;
	[smem:$0x3FD2] =	sst s25  }
0xb0: {  	s10 =	sshll.u32 s26, $0x1;
	_ =	strace $0x80000046;
	[dreg:$0x1] =	wrdreg $0xFFFFFFFF  }
0xb1: {  	s28 =	simm.s32 $_size_execute0_lowered;
	s9 =	sadd.s32 s9, s10;
	[dreg:$0x0] =	wrdreg $0x0  }
0xb2: {  	s10 =	sshll.u32 s28, $0x1;
	[dreg:$0x2] =	wrdreg s9  }
0xb3: {  	[dreg:$0x3] =	wrdreg s10  }
0xb4: {  	[dreg:$0x4] =	wrdreg $0xC0  }
0xb5: {  	_ =	task [dreg:s13], $0x5FFFF  }
0xb6: {  	[dreg:$0x1] =	wrdreg $0xFFFFFFFF  }
0xb7: {  	[dreg:$0x0] =	wrdreg $0x60  }
0xb8: {  	[dreg:$0x2] =	wrdreg s2  }
0xb9: {  	[dreg:$0x3] =	wrdreg s16  }
0xba: {  	[dreg:$0x4] =	wrdreg s5  }
0xbb: {  	[dreg:$0x5] =	wrdreg s6  }
0xbc: {  	[dreg:$0x6] =	wrdreg s7  }
0xbd: {  	[dreg:$0x7] =	wrdreg s17  }
0xbe: {  	[dreg:$0x8] =	wrdreg s18  }
0xbf: {  	[dreg:$0x9] =	wrdreg $0x8F200  }
0xc0: {  	[dreg:$0xa] =	wrdreg $0x1CF200  }
0xc1: {  	[dreg:$0xb] =	wrdreg $0x9  }
0xc2: {  	_ =	task.clear_ibuf [dreg:s13], $0xCFFFF;
	_ =	strace $0x90000046  }
0xc3: {  	s29 =	simm.s32 $0x9;
	_ =	strace $0x80000048  }
0xc4: {  	_ =	swait.ge [sflag:s29], $0x1  }
0xc5: {  	[sflag:s29] =	ssyncadd.s32 $0xFFFFFFFF  }
0xc6: {  	_ =	strace $0x90000048  }
0xc7: {  	_ =	sfence  }
0xc8: {  	s30 =	sld [smem:$0x0];
	_ =	sdelay $0x2  }
0xc9: {  	s31 =	sshll.u32 s1, $0xD;
	s1 =	sshrl.u32 s1, $0x2  }
0xca: {  	s3 =	sand.u32 $0x4000, s31;
	s1 =	sadd.s32 s1, s30  }
0xcb: {  	s0 =	sor.u32 s3, s0;
	s1 =	sshll.u32 s1, $0x11  }
0xcc: {  	s0 =	sor.u32 s1, s0  }
0xcd: {  	s0 =	sadd.s32 $0x8F2B, s0  }
0xce: {  	[sflag:s0] =	ssyncadd.remote.s32 $0x1  }
0xcf: {  	_ =	sfence.sel $0xFFFF  }
0xd0: {  	[dreg:$0x0] =	wrdreg $0xFFFFFFFF;
	(pc) =	sbr.abs _section_cstart, $3  }
0xd1: {  	[dreg:$0x1] =	wrdreg $0xFFFFFFFF  }
0xd2: {  	_ =	task.clear_ibuf [dreg:s13], $0x2FFFF;
	_ =	strace $0x9FFFFFFF  }
0xd3: {  	(tm) =	ssettm $0x7FFFFFFF  }
tec
execute0_lowered:
.L_overlay_start_1:
0x0: {  	(tag) =	ssettag $0x1  }
0x1: {  	s0 =	rddreg [dreg:$0x0]  }
0x2: {  	s1 =	rddreg [dreg:$0x1]  }
0x3: {  	s2 =	rddreg [dreg:$0x2]  }
0x4: {  	s3 =	rddreg [dreg:$0x3]  }
0x5: {  	s4 =	rddreg [dreg:$0x4]  }
0x6: {  	s5 =	rddreg [dreg:$0x5]  }
0x7: {  	s6 =	rddreg [dreg:$0x6];
	s8 =	srdreg.scid  }
0x8: {  	s7 =	rddreg [dreg:$0x7];
	s17 =	stileid.u32;
	s18 =	simm.s32 $0x0  }
0x9: {  	s21 =	simm.s32 $0x78A0;
	s22 =	simm.s32 $0x3;
	s29 =	simm.s32 $0x14A0  }
0xa: {  	s30 =	simm.s32 $0x28A0;
	s31 =	simm.s32 $0x1;
	s15 =	smul.u32 $0x14000, s17  }
0xb: {  	s9 =	sand.u32 $0x1, s8;
	s8 =	rddreg [dreg:$0x8];
	s25 =	smul.u32 $0x2800, s17  }
0xc: {  	[smem:$0x7FF] =	sst s18;
	s28 =	smul.u32 $0xA000, s17;
	s10 =	sshll.u32 s9, $0x4  }
0xd: {  	s11 =	ssub.s32 $0x2, s9;
	_ =	strace $0x80000047;
	s14 =	smul.u32 $0x140000, s9  }
0xe: {  	s9 =	smul.u32 $0x28000, s9;
	s10 =	sor.u32 s17, s10;
	s12 =	sshrl.u32 s11, $0x1  }
0xf: {  	v0 =	vimm.s32 $0xEFCDAB89;
	s20 =	sadd.s32 s25, s8;
	s10 =	smul.u32 $0x2710, s10;
	s11 =	ssub.s32 s11, s12  }
0x10: {  	v1 =	vimm.s32 $0x67452301;
	v2 =	vimm.s32 $0xDCFE98BA;
	v3 =	vimm.s32 $0x54761032;
	s26 =	sadd.s32 s15, s14;
	s9 =	sadd.s32 s25, s9;
	s25 =	sshrl.u32 s28, $0x2  }
0x11: {  	v4 =	vimm.s32 $0xBA98FEDC;
	v5 =	vimm.s32 $0x32107654;
	s14 =	simm.s32 $0x64A0;
	s9 =	sshrl.u32 s9, $0x3;
	s23 =	sshrl.u32 s10, $0x3  }
0x12: {  	v6 =	vimm.s32 $0xFEDCBA98;
	v7 =	vimm.s32 $0x76543210;
	s16 =	sadd.s32 $0x26E8, s10;
	s13 =	sadd.s32 s3, s23;
	s12 =	sadd.s32 s4, s23  }
0x13: {  	vm0 =	vmmov $0x1;
	vm1 =	vcmask $0x320;
	vm2 =	vcmask $0x720;
	s24 =	sshrl.u32 s16, $0x3;
	s23 =	simm.s32 $0x8CA0;
	[dreg:$0xb] =	wrdreg s13  }
0x14: {  	vm3 =	vcmask $0xB20;
	vm4 =	vcmask $0xF20;
	v0 =	vunpack.c.l.s4.s8 v0;
	[dreg:$0xc] =	wrdreg s12;
	s12 =	sadd.s32 $0x28, s10;
	s19 =	sadd.s32 s3, s24  }
0x15: {  	v1 =	vunpack.c.l.s4.s8 v1;
	v2 =	vunpack.c.l.s4.s8 v2;
	v3 =	vunpack.c.l.s4.s8 v3;
	s13 =	sadd.s32 $0x50, s10;
	s10 =	sadd.s32 s4, s24;
	[dreg:$0xd] =	wrdreg s19  }
0x16: {  	v4 =	vunpack.c.l.s4.s8 v4;
	v5 =	vunpack.c.l.s4.s8 v5;
	v6 =	vunpack.c.l.s4.s8 v6;
	s24 =	smax.u32 s11, $0x1;
	s11 =	simm.s32 $0x50A0;
	[dreg:$0xe] =	wrdreg s10  }
0x17: {  	v0 =	vunpack.c.0.s8.s32 v0;
	v1 =	vunpack.c.0.s8.s32 v1;
	v2 =	vunpack.c.0.s8.s32 v2;
	s10 =	sshrl.u32 s26, $0x3;
	[dreg:$0x11] =	wrdreg s24;
	s19 =	sadd.s32 s25, s8  }
0x18: {  	v3 =	vunpack.c.0.s8.s32 v3;
	v4 =	vunpack.c.0.s8.s32 v4;
	v5 =	vunpack.c.0.s8.s32 v5;
	s5 =	sadd.s32 s5, s10;
	s10 =	smul.u32 $0x50000, s17;
	s17 =	sadd.s32 s15, s7  }
0x19: {  	vm5 =	vcmask $0x1320;
	v7 =	vunpack.c.l.s4.s8 v7;
	v1 =	vcombine.low v1, v0;
	s15 =	simm.s32 $0x2;
	[dreg:$0xf] =	wrdreg s5;
	s5 =	sadd.s32 s6, s9  }
0x1a: {  	v2 =	vcombine.low v3, v2;
	v3 =	vcombine.low v5, v4;
	v4 =	vunpack.c.0.s8.s32 v6;
	s28 =	sshrl.u32 s17, $0x3;
	s6 =	simm.s32 $0x78;
	[dreg:$0x10] =	wrdreg s5  }
0x1b: {  	vm6 =	vcmask $0x1720;
	vm7 =	vcmask $0x1B20;
	v5 =	vunpack.c.0.s8.s32 v7;
	s9 =	sshrl.u32 s10, $0x2;
	[dreg:$0x13] =	wrdreg s28;
	s5 =	sshrl.u32 s20, $0x3  }
0x1c: {  	v0 =	vimm.f32 $0.0e+00;
	v1 =	vand.u32 $0xF, v1;
	v4 =	vand.u32 $0xF, v4;
	s10 =	simm.s32 $0x3CA0;
	s26 =	sadd.s32 s9, s7;
	[dreg:$0x14] =	wrdreg s5  }
0x1d: {  	v2 =	vand.u32 $0xF, v2;
	v3 =	vand.u32 $0xF, v3;
	v4 =	vcombine.low v4, v5;
	s5 =	simm.s32 $0x50;
	[dreg:$0x12] =	wrdreg s26;
	s26 =	simm.s32 $0x28  }
.LBB2_1:
0x1e: {  	s9 =	simm.s32 $0x78E0  }
0x1f: {  	[tilespmem:s9+$0xFFFFFFD0] =	vst v0  }
0x20: {  	[tilespmem:s9+$0xFFFFFFE0] =	vst v0  }
0x21: {  	[tilespmem:s9+$0xFFFFFFF0] =	vst v0  }
0x22: {  	[tilespmem:s9+$0x0] =	vst v0  }
0x23: {  	[tilespmem:s9+$0x10] =	vst v0  }
0x24: {  	[tilespmem:s9+$0x20] =	vst v0  }
0x25: {  	[tilespmem:s9+$0x30] =	vst v0  }
0x26: {  	s17 =	simm.s32 $0x0;
	s16 =	simm.s32 $0x40;
	[tilespmem:s9+$0xFFFFFFC0] =	vst v0  }
.LBB2_2:
0x27: {  	p0 =	sne.s32 s16, $0x9C0;
	[tilespmem:s17+$0x8CA0] =	vst v0;
	s9 =	sadd.s32 $0x80, s9  }
0x28: {  	[tilespmem:s9+$0xFFFFFFD0] =	vst v0  }
0x29: {  	[tilespmem:s9+$0xFFFFFFE0] =	vst v0  }
0x2a: {  	[tilespmem:s9+$0xFFFFFFF0] =	vst v0  }
.Ltmp0:
0x2b: {  	[tilespmem:s9+$0x0] =	vst v0;
	(pc) =	sbr.rel @p0 .LBB2_2-.Ltmp0, $4  }
0x2c: {  	[tilespmem:s9+$0x10] =	vst v0  }
0x2d: {  	[tilespmem:s9+$0x20] =	vst v0  }
0x2e: {  	[tilespmem:s9+$0x30] =	vst v0  }
0x2f: {  	s17 =	sshra.s32 s16, $0x2;
	s16 =	sadd.s32 $0x40, s16;
	[tilespmem:s9+$0xFFFFFFC0] =	vst v0  }
0x30: {  	[dreg:$0xa] =	wrdreg s18  }
0x31: {  	[tilespmem:s17+$0x8CA0] =	vst v0;
	s16 =	rddreg [dreg:$0x12]  }
0x32: {  	[spmem:s16] =	stream.linear.scatter [tilespmem:s21], [sflag:$0x3], $0x1400, $0x38;
	[tilespmem:$0x1F720] =	vst v63  }
0x33: {  	_ =	swait.ge [sflag:s22], $0x1400  }
0x34: {  	[sflag:s22] =	ssyncset.done $0x0  }
0x35: {  	s9 =	sadd.s32 $0x0, s19;
	[sflag:s22] =	ssyncadd.s32 $0xFFFFEC00  }
0x36: {  	[spmem:s9] =	stream.linear.scatter [tilespmem:s23], [sflag:$0x3], $0x280, $0x38;
	[tilespmem:$0x1F720] =	vst v63  }
0x37: {  	_ =	swait.ge [sflag:s22], $0x280  }
0x38: {  	s9 =	simm.s32 $0xA00;
	[sflag:s22] =	ssyncset.done $0x0  }
.LBB2_4:
0x39: {  	p0 =	sne.s32 s9, $0x9600;
	[sflag:s22] =	ssyncadd.s32 $0xFFFFFD80;
	s16 =	sadd.s32 $0x1400, s16  }
0x3a: {  	[spmem:s16] =	stream.linear.scatter [tilespmem:s21], [sflag:$0x3], $0x1400, $0x38;
	[tilespmem:$0x1F720] =	vst v63  }
0x3b: {  	s17 =	smov.u32 s9;
	s9 =	sadd.s32 $0xA00, s9;
	_ =	swait.ge [sflag:s22], $0x1400  }
.Ltmp1:
0x3c: {  	s17 =	sshra.s32 s17, $0x2;
	[sflag:s22] =	ssyncset.done $0x0;
	(pc) =	sbr.rel @p0 .LBB2_4-.Ltmp1, $4  }
0x3d: {  	s17 =	sadd.s32 s17, s19;
	[sflag:s22] =	ssyncadd.s32 $0xFFFFEC00  }
0x3e: {  	[spmem:s17] =	stream.linear.scatter [tilespmem:s23], [sflag:$0x3], $0x280, $0x38;
	[tilespmem:$0x1F720] =	vst v63  }
0x3f: {  	_ =	swait.ge [sflag:s22], $0x280  }
0x40: {  	[sflag:s22] =	ssyncset.done $0x0  }
0x41: {  	[sflag:s22] =	ssyncadd.s32 $0xFFFFFD80  }
0x42: {  	[bflag:$0x0] =	sbarrier.arrive $0xFFFF  }
0x43: {  	s16 =	simm.s32 $0x0;
	s9 =	rddreg [dreg:$0xb]  }
0x44: {  	[tilespmem:s16], [sflag:$0x3] =	stream.linear.gather [hbm4b:s9+s16], $0x28, $0x38;
	[tilespmem:$0x1F720] =	vst v63  }
0x45: {  	_ =	swait.ge [sflag:s22], $0x28  }
0x46: {  	[sflag:s22] =	ssyncset.done $0x0  }
0x47: {  	s25 =	rddreg [dreg:$0xc];
	[sflag:s22] =	ssyncadd.s32 $0xFFFFFFD8  }
0x48: {  	[tilespmem:s26], [sflag:$0x3] =	stream.linear.gather [hbm4b:s25+s16], $0x28, $0x38;
	[tilespmem:$0x1F720] =	vst v63  }
0x49: {  	_ =	swait.ge [sflag:s22], $0x28  }
0x4a: {  	[sflag:s22] =	ssyncset.done $0x0  }
0x4b: {  	s28 =	simm.s32 $0xA0;
	[sflag:s22] =	ssyncadd.s32 $0xFFFFFFD8  }
0x4c: {  	[tilespmem:s28], [sflag:$0x1] =	stream.indirect.gather [hbm4b:s1+s26], $0x80, s16, s26, $0xb8;
	[tilespmem:$0x1F720] =	vst v63  }
0x4d: {  	_ = 	snop  }
0x4e: {  	[tilespmem:s29], [sflag:$0x1] =	stream.indirect.gather [hbm4b:s0+s26], $0x80, s26, s26, $0xb8;
	[tilespmem:$0x1F720] =	vst v63  }
0x4f: {  	_ = 	snop  }
0x50: {  	[tilespmem:s30], [sflag:$0x1] =	stream.indirect.gather [hbm4b:s2+s26], $0x80, s16, s26, $0xb8;
	[tilespmem:$0x1F720] =	vst v63  }
0x51: {  	_ =	swait.ge [sflag:s31], $0x1400  }
0x52: {  	[sflag:s31] =	ssyncset.done $0x0  }
0x53: {  	[sflag:s31] =	ssyncadd.s32 $0xFFFFEC00  }
0x54: {  	_ =	swait.ge [sflag:s31], $0x1400  }
0x55: {  	[sflag:s31] =	ssyncset.done $0x0  }
0x56: {  	[sflag:s31] =	ssyncadd.s32 $0xFFFFEC00  }
0x57: {  	_ =	swait.ge [sflag:s31], $0x1400  }
0x58: {  	[sflag:s31] =	ssyncset.done $0x0  }
0x59: {  	s17 =	simm.s32 $0x0;
	[sflag:s31] =	ssyncadd.s32 $0xFFFFEC00  }
.LBB2_6:
0x5a: {  	s18 =	smul.u32 $0x50, s17;
	_ =	sdelay $0x1  }
0x5b: {  	s9 =	sadd.s32 s18, s12  }
0x5c: {  	s9 =	sshrl.u32 s9, $0x3  }
0x5d: {  	s20 =	sadd.s32 s3, s9  }
0x5e: {  	[tilespmem:s5], [sflag:$0x3] =	stream.linear.gather [hbm4b:s20+s16], $0x28, $0x38;
	[tilespmem:$0x1F720] =	vst v63  }
0x5f: {  	_ =	swait.ge [sflag:s22], $0x28  }
0x60: {  	[sflag:s22] =	ssyncset.done $0x0  }
0x61: {  	s9 =	sadd.s32 s4, s9;
	[sflag:s22] =	ssyncadd.s32 $0xFFFFFFD8  }
0x62: {  	[tilespmem:s6], [sflag:$0x3] =	stream.linear.gather [hbm4b:s9+s16], $0x28, $0x38;
	[tilespmem:$0x1F720] =	vst v63  }
0x63: {  	_ =	swait.ge [sflag:s22], $0x28  }
0x64: {  	[sflag:s22] =	ssyncset.done $0x0  }
0x65: {  	[sflag:s22] =	ssyncadd.s32 $0xFFFFFFD8  }
0x66: {  	[tilespmem:s10], [sflag:$0x2] =	stream.indirect.gather [hbm4b:s1+s26], $0x80, s5, s26, $0xb8;
	[tilespmem:$0x1F720] =	vst v63  }
0x67: {  	_ = 	snop  }
0x68: {  	[tilespmem:s11], [sflag:$0x2] =	stream.indirect.gather [hbm4b:s0+s26], $0x80, s6, s26, $0xb8;
	[tilespmem:$0x1F720] =	vst v63  }
0x69: {  	s24 =	simm.s32 $0x0  }
0x6a: {  	[tilespmem:s14], [sflag:$0x2] =	stream.indirect.gather [hbm4b:s2+s26], $0x80, s5, s26, $0xb8;
	[tilespmem:$0x1F720] =	vst v63  }
0x6b: {  	v5 =	vld [tilespmem:s24+$0x100]  }
0x6c: {  	v6 =	vld [tilespmem:s24+$0x14A0]  }
0x6d: {  	v7 =	vld [tilespmem:s24+$0x14C0]  }
0x6e: {  	v8 =	vld [tilespmem:s24+$0x1500]  }
0x6f: {  	v9 =	vld [tilespmem:s24+$0x110]  }
0x70: {  	v10 =	vld [tilespmem:s24+$0x1510]  }
0x71: {  	v11 =	vld [tilespmem:s24+$0xA0]  }
0x72: {  	v12 =	vld [tilespmem:s24+$0x14B0]  }
0x73: {  	v13 =	vld [tilespmem:s24+$0xB0]  }
0x74: {  	v14 =	vld [tilespmem:s24+$0xC0]  }
0x75: {  	v15 =	vld [tilespmem:s24+$0x14E0]  }
0x76: {  	v16 =	vld [tilespmem:s24+$0xE0]  }
0x77: {  	v5 =	vmul.f32 v8, v5;
	v8 =	vmul.f32 v10, v9;
	v10 =	vld [tilespmem:s24+$0x14D0]  }
0x78: {  	v12 =	vmul.f32 v12, v13;
	v13 =	vld [tilespmem:s24+$0xD0]  }
0x79: {  	v6 =	vmul.f32 v6, v11  }
0x7a: {  	v7 =	vmul.f32 v7, v14;
	v9 =	vperm.xlane v5, v1  }
0x7b: {  	v11 =	vperm.xlane v8, v1;
	v14 =	vperm.xlane v12, v1  }
0x7c: {  	v16 =	vmul.f32 v15, v16;
	v5 =	vadd.f32 v9, v5;
	v9 =	vperm.xlane v6, v1  }
0x7d: {  	v8 =	vadd.f32 v11, v8;
	v12 =	vadd.f32 v14, v12;
	v13 =	vmul.f32 v10, v13  }
0x7e: {  	v11 =	vperm.xlane v5, v2;
	v6 =	vadd.f32 v9, v6;
	v9 =	vperm.xlane v7, v1  }
0x7f: {  	v14 =	vperm.xlane v8, v2;
	v17 =	vperm.xlane v12, v2  }
0x80: {  	v10 =	vld [tilespmem:s24+$0xF0];
	v5 =	vadd.f32 v11, v5;
	v11 =	vperm.xlane v6, v2;
	v7 =	vadd.f32 v9, v7  }
0x81: {  	v19 =	vperm.xlane v16, v1;
	v9 =	vld [tilespmem:s24+$0x14F0];
	v8 =	vadd.f32 v14, v8  }
0x82: {  	v12 =	vadd.f32 v17, v12;
	v11 =	vadd.f32 v11, v6;
	v6 =	vperm.xlane v7, v2  }
0x83: {  	v14 =	vperm.xlane v5, v3;
	v15 =	vperm.xlane v8, v3  }
0x84: {  	v18 =	vperm.xlane v12, v3;
	v17 =	vperm.xlane v11, v3  }
0x85: {  	v6 =	vadd.f32 v6, v7;
	v7 =	vperm.xlane v13, v1;
	v20 =	vadd.f32 v15, v8  }
0x86: {  	v5 =	vadd.f32 v14, v5;
	v10 =	vmul.f32 v9, v10;
	v9 =	vadd.f32 v18, v12  }
0x87: {  	v11 =	vadd.f32 v17, v11;
	v8 =	vadd.f32 v7, v13;
	v14 =	vperm.xlane v20, v4  }
0x88: {  	v7 =	vadd.f32 v19, v16;
	v16 =	vperm.xlane v10, v1;
	v13 =	vperm.xlane v9, v4  }
0x89: {  	s25 =	simm.s32 $0x8CA0;
	s20 =	simm.s32 $0x8CA0;
	s9 =	simm.s32 $0x200;
	v15 =	vperm.xlane v11, v4;
	v12 =	vperm.xlane v8, v2;
	v14 =	vadd.f32 v14, v20  }
.LBB2_7:
0x8a: {  	p0 =	sne.s32 s9, $0x4E00  }
0x8b: {  	v11 =	vadd.f32 v15, v11;
	v15 =	vperm.xlane v6, v3;
	v10 =	vadd.f32 v16, v10;
	s20 =	sadd.s32 $0x10, s20;
	s28 =	smov.u32 s9;
	s9 =	sadd.s32 $0x200, s9  }
0x8c: {  	v9 =	vadd.f32 v13, v9;
	v13 =	vperm.xlane v7, v2;
	v14 =	vmax.f32 v14, $-5.000000000e+00  }
0x8d: {  	v8 =	vadd.f32 v12, v8;
	v11 =	vmax.f32 v11, $-5.000000000e+00;
	v12 =	vperm.xlane v10, v2  }
0x8e: {  	v6 =	vadd.f32 v15, v6;
	v11 =	vmin.f32 v11, $5.000000000e+00;
	v7 =	vadd.f32 v13, v7  }
0x8f: {  	v9 =	vmax.f32 v9, $-5.000000000e+00;
	v13 =	vperm.xlane v8, v3;
	v10 =	vadd.f32 v12, v10  }
0x90: {  	v9 =	vmin.f32 v9, $5.000000000e+00;
	v12 =	vperm.xlane v6, v4;
	v15 =	vperm.xlane v7, v3  }
0x91: {  	v11 =	vmul.f32 $1.442695020e+00, v11;
	v9 =	vmul.f32 $1.442695020e+00, v9;
	v8 =	vadd.f32 v13, v8  }
0x92: {  	v6 =	vadd.f32 v12, v6;
	v12 =	vperm.xlane v10, v3;
	v7 =	vadd.f32 v15, v7  }
0x93: {  	v14 =	vmin.f32 v14, $5.000000000e+00;
	v13 =	vperm.xlane v8, v4;
	(erf) = vpow2.f32 v9  }
0x94: {  	v6 =	vmax.f32 v6, $-5.000000000e+00;
	v10 =	vadd.f32 v12, v10;
	v9 =	vperm.xlane v7, v4  }
0x95: {  	v6 =	vmin.f32 v6, $5.000000000e+00;
	v8 =	vadd.f32 v13, v8;
	(erf) = vpow2.f32 v11  }
0x96: {  	v6 =	vmul.f32 $1.442695020e+00, v6;
	v7 =	vadd.f32 v9, v7;
	v9 =	vperm.xlane v10, v4  }
0x97: {  	v12 =	vmul.f32 $1.442695020e+00, v14;
	v11 =	vperm.xlane v5, v4;
	v8 =	vmax.f32 v8, $-5.000000000e+00  }
0x98: {  	v13 =	vld [tilespmem:s24+$0x28B0];
	v7 =	vmax.f32 v7, $-5.000000000e+00;
	v9 =	vadd.f32 v9, v10;
	(erf) = vpow2.f32 v6  }
0x99: {  	v5 =	vadd.f32 v11, v5;
	v6 =	vmin.f32 v8, $5.000000000e+00;
	v7 =	vmin.f32 v7, $5.000000000e+00  }
0x9a: {  	v6 =	vmul.f32 $1.442695020e+00, v6;
	v7 =	vmul.f32 $1.442695020e+00, v7;
	v8 =	vmax.f32 v9, $-5.000000000e+00  }
0x9b: {  	v5 =	vmax.f32 v5, $-5.000000000e+00;
	v8 =	vmin.f32 v8, $5.000000000e+00;
	(erf) = vpow2.f32 v12  }
0x9c: {  	s28 =	sshra.s32 s28, $0x2;
	v5 =	vmin.f32 v5, $5.000000000e+00;
	v8 =	vmul.f32 $1.442695020e+00, v8;
	v9 =	vpop (erf);
	(erf) = vpow2.f32 v6  }
0x9d: {  	v6 =	vmul.f32 v9, v13;
	v10 =	vld [tilespmem:s24+$0x28C0];
	(erf) = vpow2.f32 v7  }
0x9e: {  	v5 =	vmul.f32 $1.442695020e+00, v5;
	v7 =	vpop (erf);
	(erf) = vpow2.f32 v8  }
0x9f: {  	v8 =	vnsel vm0, $0x0, v7;
	[tilespmem:s24+$0x78B0] =	vst v6;
	v6 =	vld [tilespmem:s24+$0x2910]  }
0xa0: {  	v11 =	vld [tilespmem:s24+$0x28A0];
	v8 =	vsel vm1, v8, v9;
	(erf) = vpow2.f32 v5  }
0xa1: {  	v5 =	vld [tilespmem:s24+$0x28D0];
	v9 =	vpop (erf)  }
0xa2: {  	v14 =	vmul.f32 v9, v10;
	v12 =	vld [tilespmem:s24+$0x28E0]  }
0xa3: {  	v13 =	vld [tilespmem:s24+$0x28F0]  }
0xa4: {  	[tilespmem:s24+$0x78C0] =	vst v14;
	v10 =	vpop (erf)  }
0xa5: {  	v8 =	vsel vm2, v8, v9;
	v7 =	vmul.f32 v7, v11;
	v9 =	vld [tilespmem:s24+$0x2900];
	v6 =	vmul.f32 v10, v6;
	v11 =	vpop (erf)  }
0xa6: {  	v5 =	vmul.f32 v11, v5;
	v8 =	vsel vm3, v8, v11;
	v11 =	vpop (erf)  }
0xa7: {  	[tilespmem:s24+$0x78A0] =	vst v7;
	v12 =	vmul.f32 v11, v12;
	v8 =	vsel vm4, v8, v11;
	v11 =	vpop (erf)  }
0xa8: {  	[tilespmem:s24+$0x78D0] =	vst v5;
	v5 =	vmul.f32 v11, v13;
	v8 =	vsel vm5, v8, v11  }
0xa9: {  	[tilespmem:s24+$0x78E0] =	vst v12;
	v7 =	vpop (erf)  }
0xaa: {  	[tilespmem:s24+$0x78F0] =	vst v5;
	v5 =	vmul.f32 v7, v9;
	v7 =	vsel vm6, v8, v7  }
0xab: {  	[tilespmem:s24+$0x7910] =	vst v6;
	v6 =	vsel vm7, v7, v10  }
0xac: {  	[tilespmem:s24+$0x7900] =	vst v5;
	s24 =	smov.u32 s28  }
0xad: {  	[tilespmem:s25+$0x0] =	vst v6;
	s25 =	smov.u32 s20  }
0xae: {  	v5 =	vld [tilespmem:s24+$0x100]  }
0xaf: {  	v6 =	vld [tilespmem:s24+$0x14A0]  }
0xb0: {  	v7 =	vld [tilespmem:s24+$0x14C0]  }
0xb1: {  	v8 =	vld [tilespmem:s24+$0x1500]  }
0xb2: {  	v9 =	vld [tilespmem:s24+$0x110]  }
0xb3: {  	v10 =	vld [tilespmem:s24+$0x1510]  }
0xb4: {  	v11 =	vld [tilespmem:s24+$0xA0]  }
0xb5: {  	v12 =	vld [tilespmem:s24+$0x14B0]  }
0xb6: {  	v13 =	vld [tilespmem:s24+$0xB0];
	v5 =	vmul.f32 v8, v5  }
0xb7: {  	v8 =	vld [tilespmem:s24+$0xC0]  }
0xb8: {  	v14 =	vperm.xlane v5, v1;
	v9 =	vmul.f32 v10, v9  }
0xb9: {  	v6 =	vmul.f32 v6, v11;
	v10 =	vld [tilespmem:s24+$0x14D0]  }
0xba: {  	v11 =	vld [tilespmem:s24+$0xD0];
	v5 =	vadd.f32 v14, v5;
	v14 =	vperm.xlane v9, v1  }
0xbb: {  	v12 =	vmul.f32 v12, v13  }
0xbc: {  	v13 =	vperm.xlane v6, v1;
	v7 =	vmul.f32 v7, v8  }
0xbd: {  	v16 =	vperm.xlane v5, v2;
	v9 =	vadd.f32 v14, v9;
	v8 =	vperm.xlane v12, v1;
	v15 =	vld [tilespmem:s24+$0x14E0]  }
0xbe: {  	v6 =	vadd.f32 v13, v6;
	v13 =	vperm.xlane v7, v1;
	v14 =	vld [tilespmem:s24+$0xE0]  }
0xbf: {  	v5 =	vadd.f32 v16, v5;
	v8 =	vadd.f32 v8, v12;
	v12 =	vperm.xlane v9, v2  }
0xc0: {  	v16 =	vperm.xlane v6, v2;
	v7 =	vadd.f32 v13, v7;
	v13 =	vld [tilespmem:s24+$0x14F0]  }
0xc1: {  	v18 =	vmul.f32 v10, v11;
	v17 =	vperm.xlane v8, v2;
	v10 =	vld [tilespmem:s24+$0xF0];
	v9 =	vadd.f32 v12, v9  }
0xc2: {  	v11 =	vadd.f32 v16, v6;
	v12 =	vperm.xlane v5, v3;
	v6 =	vperm.xlane v7, v2  }
0xc3: {  	v8 =	vadd.f32 v17, v8;
	v14 =	vmul.f32 v15, v14;
	v15 =	vperm.xlane v9, v3  }
0xc4: {  	v16 =	vperm.xlane v11, v3;
	v6 =	vadd.f32 v6, v7;
	v7 =	vperm.xlane v18, v1  }
.Ltmp2:
0xc5: {  	v17 =	vperm.xlane v8, v3;
	v19 =	vperm.xlane v14, v1;
	v20 =	vadd.f32 v15, v9;
	(pc) =	sbr.rel @p0 .LBB2_7-.Ltmp2, $4  }
0xc6: {  	v5 =	vadd.f32 v12, v5;
	v11 =	vadd.f32 v16, v11;
	v10 =	vmul.f32 v13, v10  }
0xc7: {  	v9 =	vadd.f32 v17, v8;
	v8 =	vadd.f32 v7, v18;
	v17 =	vperm.xlane v20, v4  }
0xc8: {  	v15 =	vperm.xlane v11, v4;
	v7 =	vadd.f32 v19, v14;
	v16 =	vperm.xlane v10, v1  }
0xc9: {  	v13 =	vperm.xlane v9, v4;
	v12 =	vperm.xlane v8, v2;
	v14 =	vadd.f32 v17, v20  }
0xca: {  	v11 =	vadd.f32 v15, v11;
	v15 =	vperm.xlane v6, v3;
	v10 =	vadd.f32 v16, v10  }
0xcb: {  	v9 =	vadd.f32 v13, v9;
	v13 =	vperm.xlane v7, v2  }
0xcc: {  	v8 =	vadd.f32 v12, v8;
	v12 =	vperm.xlane v10, v2;
	v6 =	vadd.f32 v15, v6  }
0xcd: {  	v7 =	vadd.f32 v13, v7;
	v9 =	vmax.f32 v9, $-5.000000000e+00  }
0xce: {  	v13 =	vperm.xlane v8, v3;
	v10 =	vadd.f32 v12, v10;
	v12 =	vperm.xlane v6, v4  }
0xcf: {  	v14 =	vmax.f32 v14, $-5.000000000e+00;
	v11 =	vmax.f32 v11, $-5.000000000e+00;
	v9 =	vmin.f32 v9, $5.000000000e+00  }
0xd0: {  	v15 =	vperm.xlane v7, v3;
	v8 =	vadd.f32 v13, v8;
	v6 =	vadd.f32 v12, v6  }
0xd1: {  	v11 =	vmin.f32 v11, $5.000000000e+00;
	v9 =	vmul.f32 $1.442695020e+00, v9;
	v12 =	vperm.xlane v10, v3  }
0xd2: {  	v7 =	vadd.f32 v15, v7;
	v13 =	vperm.xlane v8, v4;
	v6 =	vmax.f32 v6, $-5.000000000e+00  }
0xd3: {  	(erf) = vpow2.f32 v9;
	v9 =	vmul.f32 $1.442695020e+00, v11;
	v6 =	vmin.f32 v6, $5.000000000e+00  }
0xd4: {  	v10 =	vadd.f32 v12, v10;
	v12 =	vperm.xlane v7, v4;
	v6 =	vmul.f32 $1.442695020e+00, v6  }
0xd5: {  	v11 =	vmin.f32 v14, $5.000000000e+00;
	v8 =	vadd.f32 v13, v8;
	(erf) = vpow2.f32 v9  }
0xd6: {  	v9 =	vperm.xlane v10, v4;
	v7 =	vadd.f32 v12, v7;
	(erf) = vpow2.f32 v6  }
0xd7: {  	v11 =	vmul.f32 $1.442695020e+00, v11  }
0xd8: {  	v8 =	vmax.f32 v8, $-5.000000000e+00;
	v9 =	vadd.f32 v9, v10;
	v7 =	vmax.f32 v7, $-5.000000000e+00  }
0xd9: {  	v12 =	vperm.xlane v5, v4;
	v6 =	vmin.f32 v8, $5.000000000e+00;
	v7 =	vmin.f32 v7, $5.000000000e+00  }
0xda: {  	v6 =	vmul.f32 $1.442695020e+00, v6;
	v7 =	vmul.f32 $1.442695020e+00, v7  }
0xdb: {  	v10 =	vld [tilespmem:s24+$0x28C0];
	v5 =	vadd.f32 v12, v5;
	(erf) = vpow2.f32 v11  }
0xdc: {  	v8 =	vmax.f32 v9, $-5.000000000e+00;
	v9 =	vpop (erf);
	(erf) = vpow2.f32 v6  }
0xdd: {  	v8 =	vmin.f32 v8, $5.000000000e+00;
	v5 =	vmax.f32 v5, $-5.000000000e+00;
	(erf) = vpow2.f32 v7  }
0xde: {  	v8 =	vmul.f32 $1.442695020e+00, v8;
	v5 =	vmin.f32 v5, $5.000000000e+00;
	v7 =	vpop (erf)  }
0xdf: {  	v13 =	vld [tilespmem:s24+$0x28B0];
	v5 =	vmul.f32 $1.442695020e+00, v5;
	v11 =	vpop (erf)  }
0xe0: {  	(erf) = vpow2.f32 v8;
	v8 =	vld [tilespmem:s24+$0x28A0];
	v10 =	vmul.f32 v11, v10;
	_ =	sdelay $0x1  }
0xe1: {  	v12 =	vld [tilespmem:s24+$0x28E0];
	(erf) = vpow2.f32 v5  }
0xe2: {  	v5 =	vld [tilespmem:s24+$0x28D0];
	v14 =	vnsel vm0, $0x0, v7  }
0xe3: {  	v6 =	vmul.f32 v9, v13;
	[tilespmem:s24+$0x78C0] =	vst v10;
	v10 =	vpop (erf)  }
0xe4: {  	v13 =	vld [tilespmem:s24+$0x28F0];
	v7 =	vmul.f32 v7, v8;
	v15 =	vpop (erf)  }
0xe5: {  	[tilespmem:s24+$0x78B0] =	vst v6;
	v6 =	vld [tilespmem:s24+$0x2910];
	v9 =	vsel vm1, v14, v9;
	v14 =	vpop (erf)  }
0xe6: {  	v8 =	vld [tilespmem:s24+$0x2900];
	[tilespmem:s24+$0x78A0] =	vst v7;
	v7 =	vmul.f32 v14, v12  }
0xe7: {  	v5 =	vmul.f32 v15, v5  }
0xe8: {  	v9 =	vsel vm2, v9, v11;
	v11 =	vpop (erf)  }
0xe9: {  	v9 =	vsel vm3, v9, v15;
	[tilespmem:s24+$0x78D0] =	vst v5;
	v5 =	vmul.f32 v11, v13  }
0xea: {  	v6 =	vmul.f32 v10, v6;
	v9 =	vsel vm4, v9, v14;
	[tilespmem:s24+$0x78E0] =	vst v7;
	v7 =	vpop (erf)  }
0xeb: {  	v9 =	vsel vm5, v9, v11;
	[tilespmem:s24+$0x78F0] =	vst v5;
	v5 =	vmul.f32 v7, v8  }
0xec: {  	[tilespmem:s24+$0x7910] =	vst v6;
	v7 =	vsel vm6, v9, v7  }
0xed: {  	v6 =	vsel vm7, v7, v10;
	[tilespmem:s24+$0x7900] =	vst v5  }
0xee: {  	[tilespmem:s25+$0x0] =	vst v6  }
0xef: {  	[spmem:s7] =	stream.indirect.scatter.add.f32 [tilespmem:s21], [sflag:$0x3], $0x80, s26, s26, $0xb8;
	[tilespmem:$0x1F720] =	vst v63  }
0xf0: {  	_ =	swait.ge [sflag:s22], $0x1400  }
0xf1: {  	[sflag:s22] =	ssyncset.done $0x0  }
0xf2: {  	s25 =	simm.s32 $0x8CA0;
	[sflag:s22] =	ssyncadd.s32 $0xFFFFEC00  }
0xf3: {  	[spmem:s8] =	stream.indirect.scatter.add.f32 [tilespmem:s25], [sflag:$0x3], $0x10, s26, s26, $0xb8;
	[tilespmem:$0x1F720] =	vst v63  }
0xf4: {  	_ =	swait.ge [sflag:s22], $0x280  }
0xf5: {  	[sflag:s22] =	ssyncset.done $0x0  }
0xf6: {  	[sflag:s22] =	ssyncadd.s32 $0xFFFFFD80  }
0xf7: {  	_ =	swait.ge [sflag:s15], $0x1400  }
0xf8: {  	[sflag:s15] =	ssyncset.done $0x0  }
0xf9: {  	[sflag:s15] =	ssyncadd.s32 $0xFFFFEC00  }
0xfa: {  	_ =	swait.ge [sflag:s15], $0x1400  }
0xfb: {  	[sflag:s15] =	ssyncset.done $0x0  }
0xfc: {  	[sflag:s15] =	ssyncadd.s32 $0xFFFFEC00  }
0xfd: {  	s9 =	sadd.s32 s18, s13;
	_ =	swait.ge [sflag:s15], $0x1400  }
0xfe: {  	s9 =	sshrl.u32 s9, $0x3;
	[sflag:s15] =	ssyncset.done $0x0  }
0xff: {  	s20 =	simm.s32 $0x0;
	s24 =	sadd.s32 s3, s9;
	[sflag:s15] =	ssyncadd.s32 $0xFFFFEC00  }
0x100: {  	[tilespmem:s20], [sflag:$0x3] =	stream.linear.gather [hbm4b:s24+s20], $0x28, $0x38;
	[tilespmem:$0x1F720] =	vst v63  }
0x101: {  	_ =	swait.ge [sflag:s22], $0x28  }
0x102: {  	[sflag:s22] =	ssyncset.done $0x0  }
0x103: {  	s9 =	sadd.s32 s4, s9;
	[sflag:s22] =	ssyncadd.s32 $0xFFFFFFD8  }
0x104: {  	[tilespmem:s26], [sflag:$0x3] =	stream.linear.gather [hbm4b:s9+s20], $0x28, $0x38;
	[tilespmem:$0x1F720] =	vst v63  }
0x105: {  	_ =	swait.ge [sflag:s22], $0x28  }
0x106: {  	[sflag:s22] =	ssyncset.done $0x0  }
0x107: {  	s28 =	simm.s32 $0xA0;
	[sflag:s22] =	ssyncadd.s32 $0xFFFFFFD8  }
0x108: {  	[tilespmem:s28], [sflag:$0x1] =	stream.indirect.gather [hbm4b:s1+s26], $0x80, s20, s26, $0xb8;
	[tilespmem:$0x1F720] =	vst v63  }
0x109: {  	_ = 	snop  }
0x10a: {  	[tilespmem:s29], [sflag:$0x1] =	stream.indirect.gather [hbm4b:s0+s26], $0x80, s26, s26, $0xb8;
	[tilespmem:$0x1F720] =	vst v63  }
0x10b: {  	s18 =	simm.s32 $0x0  }
0x10c: {  	[tilespmem:s30], [sflag:$0x1] =	stream.indirect.gather [hbm4b:s2+s26], $0x80, s20, s26, $0xb8;
	[tilespmem:$0x1F720] =	vst v63  }
0x10d: {  	v5 =	vld [tilespmem:s18+$0x3D00]  }
0x10e: {  	v6 =	vld [tilespmem:s18+$0x50A0]  }
0x10f: {  	v7 =	vld [tilespmem:s18+$0x50C0]  }
0x110: {  	v8 =	vld [tilespmem:s18+$0x5100]  }
0x111: {  	v9 =	vld [tilespmem:s18+$0x3D10]  }
0x112: {  	v10 =	vld [tilespmem:s18+$0x5110]  }
0x113: {  	v11 =	vld [tilespmem:s18+$0x3CA0]  }
0x114: {  	v12 =	vld [tilespmem:s18+$0x50B0]  }
0x115: {  	v13 =	vld [tilespmem:s18+$0x3CB0]  }
0x116: {  	v14 =	vld [tilespmem:s18+$0x3CC0]  }
0x117: {  	v15 =	vld [tilespmem:s18+$0x50E0]  }
0x118: {  	v16 =	vld [tilespmem:s18+$0x3CE0]  }
0x119: {  	v5 =	vmul.f32 v8, v5;
	v8 =	vmul.f32 v10, v9;
	v10 =	vld [tilespmem:s18+$0x50D0]  }
0x11a: {  	v12 =	vmul.f32 v12, v13;
	v13 =	vld [tilespmem:s18+$0x3CD0]  }
0x11b: {  	v6 =	vmul.f32 v6, v11  }
0x11c: {  	v7 =	vmul.f32 v7, v14;
	v9 =	vperm.xlane v5, v1  }
0x11d: {  	v11 =	vperm.xlane v8, v1;
	v14 =	vperm.xlane v12, v1  }
0x11e: {  	v16 =	vmul.f32 v15, v16;
	v5 =	vadd.f32 v9, v5;
	v9 =	vperm.xlane v6, v1  }
0x11f: {  	v8 =	vadd.f32 v11, v8;
	v12 =	vadd.f32 v14, v12;
	v13 =	vmul.f32 v10, v13  }
0x120: {  	v11 =	vperm.xlane v5, v2;
	v6 =	vadd.f32 v9, v6;
	v9 =	vperm.xlane v7, v1  }
0x121: {  	v14 =	vperm.xlane v8, v2;
	v17 =	vperm.xlane v12, v2  }
0x122: {  	v10 =	vld [tilespmem:s18+$0x3CF0];
	v5 =	vadd.f32 v11, v5;
	v11 =	vperm.xlane v6, v2;
	v7 =	vadd.f32 v9, v7  }
0x123: {  	v19 =	vperm.xlane v16, v1;
	v9 =	vld [tilespmem:s18+$0x50F0];
	v8 =	vadd.f32 v14, v8  }
0x124: {  	v12 =	vadd.f32 v17, v12;
	v11 =	vadd.f32 v11, v6;
	v6 =	vperm.xlane v7, v2  }
0x125: {  	v14 =	vperm.xlane v5, v3;
	v15 =	vperm.xlane v8, v3  }
0x126: {  	v18 =	vperm.xlane v12, v3;
	v17 =	vperm.xlane v11, v3  }
0x127: {  	v6 =	vadd.f32 v6, v7;
	v7 =	vperm.xlane v13, v1;
	v20 =	vadd.f32 v15, v8  }
0x128: {  	v5 =	vadd.f32 v14, v5;
	v10 =	vmul.f32 v9, v10;
	v9 =	vadd.f32 v18, v12  }
0x129: {  	v11 =	vadd.f32 v17, v11;
	v8 =	vadd.f32 v7, v13;
	v14 =	vperm.xlane v20, v4  }
0x12a: {  	v7 =	vadd.f32 v19, v16;
	v16 =	vperm.xlane v10, v1;
	v13 =	vperm.xlane v9, v4  }
0x12b: {  	s24 =	simm.s32 $0x8CA0;
	s9 =	simm.s32 $0x200;
	v15 =	vperm.xlane v11, v4;
	v12 =	vperm.xlane v8, v2;
	v14 =	vadd.f32 v14, v20  }
.LBB2_9:
0x12c: {  	p0 =	sne.s32 s9, $0x4E00  }
0x12d: {  	v11 =	vadd.f32 v15, v11;
	v15 =	vperm.xlane v6, v3;
	v10 =	vadd.f32 v16, v10;
	s25 =	sadd.s32 $0x10, s25;
	s20 =	smov.u32 s9;
	s9 =	sadd.s32 $0x200, s9  }
0x12e: {  	v9 =	vadd.f32 v13, v9;
	v13 =	vperm.xlane v7, v2;
	v14 =	vmax.f32 v14, $-5.000000000e+00  }
0x12f: {  	v8 =	vadd.f32 v12, v8;
	v11 =	vmax.f32 v11, $-5.000000000e+00;
	v12 =	vperm.xlane v10, v2  }
0x130: {  	v6 =	vadd.f32 v15, v6;
	v11 =	vmin.f32 v11, $5.000000000e+00;
	v7 =	vadd.f32 v13, v7  }
0x131: {  	v9 =	vmax.f32 v9, $-5.000000000e+00;
	v13 =	vperm.xlane v8, v3;
	v10 =	vadd.f32 v12, v10  }
0x132: {  	v9 =	vmin.f32 v9, $5.000000000e+00;
	v12 =	vperm.xlane v6, v4;
	v15 =	vperm.xlane v7, v3  }
0x133: {  	v11 =	vmul.f32 $1.442695020e+00, v11;
	v9 =	vmul.f32 $1.442695020e+00, v9;
	v8 =	vadd.f32 v13, v8  }
0x134: {  	v6 =	vadd.f32 v12, v6;
	v12 =	vperm.xlane v10, v3;
	v7 =	vadd.f32 v15, v7  }
0x135: {  	v14 =	vmin.f32 v14, $5.000000000e+00;
	v13 =	vperm.xlane v8, v4;
	(erf) = vpow2.f32 v9  }
0x136: {  	v6 =	vmax.f32 v6, $-5.000000000e+00;
	v10 =	vadd.f32 v12, v10;
	v9 =	vperm.xlane v7, v4  }
0x137: {  	v6 =	vmin.f32 v6, $5.000000000e+00;
	v8 =	vadd.f32 v13, v8;
	(erf) = vpow2.f32 v11  }
0x138: {  	v6 =	vmul.f32 $1.442695020e+00, v6;
	v7 =	vadd.f32 v9, v7;
	v9 =	vperm.xlane v10, v4  }
0x139: {  	v12 =	vmul.f32 $1.442695020e+00, v14;
	v11 =	vperm.xlane v5, v4;
	v8 =	vmax.f32 v8, $-5.000000000e+00  }
0x13a: {  	v13 =	vld [tilespmem:s18+$0x64B0];
	v7 =	vmax.f32 v7, $-5.000000000e+00;
	v9 =	vadd.f32 v9, v10;
	(erf) = vpow2.f32 v6  }
0x13b: {  	v5 =	vadd.f32 v11, v5;
	v6 =	vmin.f32 v8, $5.000000000e+00;
	v7 =	vmin.f32 v7, $5.000000000e+00  }
0x13c: {  	v6 =	vmul.f32 $1.442695020e+00, v6;
	v7 =	vmul.f32 $1.442695020e+00, v7;
	v8 =	vmax.f32 v9, $-5.000000000e+00  }
0x13d: {  	v5 =	vmax.f32 v5, $-5.000000000e+00;
	v8 =	vmin.f32 v8, $5.000000000e+00;
	(erf) = vpow2.f32 v12  }
0x13e: {  	s20 =	sshra.s32 s20, $0x2;
	v5 =	vmin.f32 v5, $5.000000000e+00;
	v8 =	vmul.f32 $1.442695020e+00, v8;
	v9 =	vpop (erf);
	(erf) = vpow2.f32 v6  }
0x13f: {  	v6 =	vmul.f32 v9, v13;
	v10 =	vld [tilespmem:s18+$0x64C0];
	(erf) = vpow2.f32 v7  }
0x140: {  	v5 =	vmul.f32 $1.442695020e+00, v5;
	v7 =	vpop (erf);
	(erf) = vpow2.f32 v8  }
0x141: {  	v8 =	vnsel vm0, $0x0, v7;
	[tilespmem:s18+$0x78B0] =	vst v6;
	v6 =	vld [tilespmem:s18+$0x6510]  }
0x142: {  	v11 =	vld [tilespmem:s18+$0x64A0];
	v8 =	vsel vm1, v8, v9;
	(erf) = vpow2.f32 v5  }
0x143: {  	v5 =	vld [tilespmem:s18+$0x64D0];
	v9 =	vpop (erf)  }
0x144: {  	v14 =	vmul.f32 v9, v10;
	v12 =	vld [tilespmem:s18+$0x64E0]  }
0x145: {  	v13 =	vld [tilespmem:s18+$0x64F0]  }
0x146: {  	[tilespmem:s18+$0x78C0] =	vst v14;
	v10 =	vpop (erf)  }
0x147: {  	v8 =	vsel vm2, v8, v9;
	v7 =	vmul.f32 v7, v11;
	v9 =	vld [tilespmem:s18+$0x6500];
	v6 =	vmul.f32 v10, v6;
	v11 =	vpop (erf)  }
0x148: {  	v5 =	vmul.f32 v11, v5;
	v8 =	vsel vm3, v8, v11;
	v11 =	vpop (erf)  }
0x149: {  	[tilespmem:s18+$0x78A0] =	vst v7;
	v12 =	vmul.f32 v11, v12;
	v8 =	vsel vm4, v8, v11;
	v11 =	vpop (erf)  }
0x14a: {  	[tilespmem:s18+$0x78D0] =	vst v5;
	v5 =	vmul.f32 v11, v13;
	v8 =	vsel vm5, v8, v11  }
0x14b: {  	[tilespmem:s18+$0x78E0] =	vst v12;
	v7 =	vpop (erf)  }
0x14c: {  	[tilespmem:s18+$0x78F0] =	vst v5;
	v5 =	vmul.f32 v7, v9;
	v7 =	vsel vm6, v8, v7  }
0x14d: {  	[tilespmem:s18+$0x7910] =	vst v6;
	v6 =	vsel vm7, v7, v10  }
0x14e: {  	[tilespmem:s18+$0x7900] =	vst v5;
	s18 =	smov.u32 s20  }
0x14f: {  	[tilespmem:s24+$0x0] =	vst v6;
	s24 =	smov.u32 s25  }
0x150: {  	v5 =	vld [tilespmem:s18+$0x3D00]  }
0x151: {  	v6 =	vld [tilespmem:s18+$0x50A0]  }
0x152: {  	v7 =	vld [tilespmem:s18+$0x50C0]  }
0x153: {  	v8 =	vld [tilespmem:s18+$0x5100]  }
0x154: {  	v9 =	vld [tilespmem:s18+$0x3D10]  }
0x155: {  	v10 =	vld [tilespmem:s18+$0x5110]  }
0x156: {  	v11 =	vld [tilespmem:s18+$0x3CA0]  }
0x157: {  	v12 =	vld [tilespmem:s18+$0x50B0]  }
0x158: {  	v13 =	vld [tilespmem:s18+$0x3CB0];
	v5 =	vmul.f32 v8, v5  }
0x159: {  	v8 =	vld [tilespmem:s18+$0x3CC0]  }
0x15a: {  	v14 =	vperm.xlane v5, v1;
	v9 =	vmul.f32 v10, v9  }
0x15b: {  	v6 =	vmul.f32 v6, v11;
	v10 =	vld [tilespmem:s18+$0x50D0]  }
0x15c: {  	v11 =	vld [tilespmem:s18+$0x3CD0];
	v5 =	vadd.f32 v14, v5;
	v14 =	vperm.xlane v9, v1  }
0x15d: {  	v12 =	vmul.f32 v12, v13  }
0x15e: {  	v13 =	vperm.xlane v6, v1;
	v7 =	vmul.f32 v7, v8  }
0x15f: {  	v16 =	vperm.xlane v5, v2;
	v9 =	vadd.f32 v14, v9;
	v8 =	vperm.xlane v12, v1;
	v15 =	vld [tilespmem:s18+$0x50E0]  }
0x160: {  	v6 =	vadd.f32 v13, v6;
	v13 =	vperm.xlane v7, v1;
	v14 =	vld [tilespmem:s18+$0x3CE0]  }
0x161: {  	v5 =	vadd.f32 v16, v5;
	v8 =	vadd.f32 v8, v12;
	v12 =	vperm.xlane v9, v2  }
0x162: {  	v16 =	vperm.xlane v6, v2;
	v7 =	vadd.f32 v13, v7;
	v13 =	vld [tilespmem:s18+$0x50F0]  }
0x163: {  	v18 =	vmul.f32 v10, v11;
	v17 =	vperm.xlane v8, v2;
	v10 =	vld [tilespmem:s18+$0x3CF0];
	v9 =	vadd.f32 v12, v9  }
0x164: {  	v11 =	vadd.f32 v16, v6;
	v12 =	vperm.xlane v5, v3;
	v6 =	vperm.xlane v7, v2  }
0x165: {  	v8 =	vadd.f32 v17, v8;
	v14 =	vmul.f32 v15, v14;
	v15 =	vperm.xlane v9, v3  }
0x166: {  	v16 =	vperm.xlane v11, v3;
	v6 =	vadd.f32 v6, v7;
	v7 =	vperm.xlane v18, v1  }
.Ltmp3:
0x167: {  	v17 =	vperm.xlane v8, v3;
	v19 =	vperm.xlane v14, v1;
	v20 =	vadd.f32 v15, v9;
	(pc) =	sbr.rel @p0 .LBB2_9-.Ltmp3, $4  }
0x168: {  	v5 =	vadd.f32 v12, v5;
	v11 =	vadd.f32 v16, v11;
	v10 =	vmul.f32 v13, v10  }
0x169: {  	v9 =	vadd.f32 v17, v8;
	v8 =	vadd.f32 v7, v18;
	v17 =	vperm.xlane v20, v4  }
0x16a: {  	v15 =	vperm.xlane v11, v4;
	v7 =	vadd.f32 v19, v14;
	v16 =	vperm.xlane v10, v1  }
0x16b: {  	v13 =	vperm.xlane v9, v4;
	v12 =	vperm.xlane v8, v2;
	v14 =	vadd.f32 v17, v20  }
0x16c: {  	v11 =	vadd.f32 v15, v11;
	v38 =	vperm.xlane v6, v3;
	v10 =	vadd.f32 v16, v10  }
0x16d: {  	v39 =	vperm.xlane v7, v2;
	v49 =	vperm.xlane v5, v4;
	v9 =	vadd.f32 v13, v9  }
0x16e: {  	v14 =	vmax.f32 v14, $-5.000000000e+00;
	v8 =	vadd.f32 v12, v8;
	v6 =	vadd.f32 v38, v6  }
0x16f: {  	v40 =	vperm.xlane v10, v2;
	v7 =	vadd.f32 v39, v7;
	v9 =	vmax.f32 v9, $-5.000000000e+00  }
0x170: {  	v41 =	vperm.xlane v8, v3;
	v9 =	vmin.f32 v9, $5.000000000e+00;
	v42 =	vperm.xlane v6, v4  }
0x171: {  	v11 =	vmax.f32 v11, $-5.000000000e+00;
	v43 =	vperm.xlane v7, v3;
	v9 =	vmul.f32 $1.442695020e+00, v9  }
0x172: {  	v46 =	vmin.f32 v14, $5.000000000e+00;
	v10 =	vadd.f32 v40, v10;
	v8 =	vadd.f32 v41, v8  }
0x173: {  	v6 =	vadd.f32 v42, v6;
	v7 =	vadd.f32 v43, v7;
	(erf) = vpow2.f32 v9  }
0x174: {  	v11 =	vmin.f32 v11, $5.000000000e+00;
	v44 =	vperm.xlane v10, v3;
	v13 =	vperm.xlane v8, v4  }
0x175: {  	v45 =	vmul.f32 $1.442695020e+00, v11;
	v6 =	vmax.f32 v6, $-5.000000000e+00;
	v47 =	vperm.xlane v7, v4  }
0x176: {  	v10 =	vadd.f32 v44, v10;
	v8 =	vadd.f32 v13, v8;
	v6 =	vmin.f32 v6, $5.000000000e+00  }
0x177: {  	v11 =	vmul.f32 $1.442695020e+00, v46;
	v6 =	vmul.f32 $1.442695020e+00, v6;
	v7 =	vadd.f32 v47, v7  }
0x178: {  	(erf) = vpow2.f32 v45;
	v48 =	vperm.xlane v10, v4;
	v8 =	vmax.f32 v8, $-5.000000000e+00  }
0x179: {  	v7 =	vmax.f32 v7, $-5.000000000e+00;
	(erf) = vpow2.f32 v6;
	v6 =	vmin.f32 v8, $5.000000000e+00  }
0x17a: {  	v9 =	vadd.f32 v48, v10;
	v7 =	vmin.f32 v7, $5.000000000e+00;
	v6 =	vmul.f32 $1.442695020e+00, v6  }
0x17b: {  	(erf) = vpow2.f32 v11;
	v7 =	vmul.f32 $1.442695020e+00, v7  }
0x17c: {  	v5 =	vadd.f32 v49, v5;
	v51 =	vmax.f32 v9, $-5.000000000e+00;
	v52 =	vpop (erf);
	(erf) = vpow2.f32 v6  }
0x17d: {  	v8 =	vmin.f32 v51, $5.000000000e+00;
	(erf) = vpow2.f32 v7  }
0x17e: {  	v5 =	vmax.f32 v5, $-5.000000000e+00;
	v8 =	vmul.f32 $1.442695020e+00, v8  }
0x17f: {  	v50 =	vld [tilespmem:s18+$0x64B0];
	v5 =	vmin.f32 v5, $5.000000000e+00  }
0x180: {  	v54 =	vld [tilespmem:s18+$0x64A0];
	v5 =	vmul.f32 $1.442695020e+00, v5;
	(erf) = vpow2.f32 v8  }
0x181: {  	v53 =	vld [tilespmem:s18+$0x64C0]  }
0x182: {  	v56 =	vld [tilespmem:s18+$0x64E0];
	v7 =	vpop (erf);
	(erf) = vpow2.f32 v5  }
0x183: {  	v5 =	vld [tilespmem:s18+$0x64D0];
	v55 =	vpop (erf)  }
0x184: {  	v6 =	vmul.f32 v52, v50;
	v58 =	vpop (erf)  }
0x185: {  	v57 =	vld [tilespmem:s18+$0x64F0];
	v59 =	vnsel vm0, $0x0, v7;
	v7 =	vmul.f32 v7, v54;
	v61 =	vpop (erf)  }
0x186: {  	[tilespmem:s18+$0x78B0] =	vst v6;
	v6 =	vld [tilespmem:s18+$0x6510];
	v62 =	vpop (erf)  }
0x187: {  	v60 =	vld [tilespmem:s18+$0x6500];
	[tilespmem:s18+$0x78A0] =	vst v7;
	v10 =	vmul.f32 v55, v53;
	v7 =	vmul.f32 v62, v56  }
0x188: {  	v9 =	vsel vm1, v59, v52;
	v5 =	vmul.f32 v61, v5  }
0x189: {  	v9 =	vsel vm2, v9, v55;
	[tilespmem:s18+$0x78C0] =	vst v10;
	v63 =	vpop (erf)  }
0x18a: {  	v9 =	vsel vm3, v9, v61;
	[tilespmem:s18+$0x78D0] =	vst v5;
	v5 =	vmul.f32 v63, v57  }
0x18b: {  	v6 =	vmul.f32 v58, v6;
	v9 =	vsel vm4, v9, v62;
	[tilespmem:s18+$0x78E0] =	vst v7;
	v7 =	vpop (erf)  }
0x18c: {  	v9 =	vsel vm5, v9, v63;
	[tilespmem:s18+$0x78F0] =	vst v5;
	v5 =	vmul.f32 v7, v60  }
0x18d: {  	[tilespmem:s18+$0x7910] =	vst v6;
	v7 =	vsel vm6, v9, v7  }
0x18e: {  	v6 =	vsel vm7, v7, v58;
	[tilespmem:s18+$0x7900] =	vst v5  }
0x18f: {  	[tilespmem:s24+$0x0] =	vst v6  }
0x190: {  	[spmem:s7] =	stream.indirect.scatter.add.f32 [tilespmem:s21], [sflag:$0x3], $0x80, s6, s26, $0xb8;
	[tilespmem:$0x1F720] =	vst v63  }
0x191: {  	_ =	swait.ge [sflag:s22], $0x1400  }
0x192: {  	[sflag:s22] =	ssyncset.done $0x0  }
0x193: {  	[sflag:s22] =	ssyncadd.s32 $0xFFFFEC00  }
0x194: {  	[spmem:s8] =	stream.indirect.scatter.add.f32 [tilespmem:s23], [sflag:$0x3], $0x10, s6, s26, $0xb8;
	[tilespmem:$0x1F720] =	vst v63  }
0x195: {  	_ =	swait.ge [sflag:s22], $0x280  }
0x196: {  	[sflag:s22] =	ssyncset.done $0x0  }
0x197: {  	[sflag:s22] =	ssyncadd.s32 $0xFFFFFD80  }
0x198: {  	_ =	swait.ge [sflag:s31], $0x1400  }
0x199: {  	[sflag:s31] =	ssyncset.done $0x0  }
0x19a: {  	s17 =	sadd.s32 $0x1, s17;
	[sflag:s31] =	ssyncadd.s32 $0xFFFFEC00  }
0x19b: {  	p0 =	sne.s32 s17, $0x7C;
	_ =	swait.ge [sflag:s31], $0x1400  }
.Ltmp4:
0x19c: {  	[sflag:s31] =	ssyncset.done $0x0;
	(pc) =	sbr.rel @p0 .LBB2_6-.Ltmp4, $4  }
0x19d: {  	[sflag:s31] =	ssyncadd.s32 $0xFFFFEC00  }
0x19e: {  	_ =	swait.ge [sflag:s31], $0x1400  }
0x19f: {  	[sflag:s31] =	ssyncset.done $0x0  }
0x1a0: {  	[sflag:s31] =	ssyncadd.s32 $0xFFFFEC00  }
0x1a1: {  	s9 =	simm.s32 $0x0;
	s16 =	rddreg [dreg:$0xd]  }
0x1a2: {  	[tilespmem:s5], [sflag:$0x3] =	stream.linear.gather [hbm4b:s16+s9], $0x28, $0x38;
	[tilespmem:$0x1F720] =	vst v63  }
0x1a3: {  	_ =	swait.ge [sflag:s22], $0x28  }
0x1a4: {  	[sflag:s22] =	ssyncset.done $0x0  }
0x1a5: {  	s28 =	rddreg [dreg:$0xe];
	[sflag:s22] =	ssyncadd.s32 $0xFFFFFFD8  }
0x1a6: {  	[tilespmem:s6], [sflag:$0x3] =	stream.linear.gather [hbm4b:s28+s9], $0x28, $0x38;
	[tilespmem:$0x1F720] =	vst v63  }
0x1a7: {  	_ =	swait.ge [sflag:s22], $0x28  }
0x1a8: {  	[sflag:s22] =	ssyncset.done $0x0  }
0x1a9: {  	[sflag:s22] =	ssyncadd.s32 $0xFFFFFFD8  }
0x1aa: {  	[tilespmem:s10], [sflag:$0x2] =	stream.indirect.gather [hbm4b:s1+s26], $0x80, s5, s26, $0xb8;
	[tilespmem:$0x1F720] =	vst v63  }
0x1ab: {  	_ = 	snop  }
0x1ac: {  	[tilespmem:s11], [sflag:$0x2] =	stream.indirect.gather [hbm4b:s0+s26], $0x80, s6, s26, $0xb8;
	[tilespmem:$0x1F720] =	vst v63  }
0x1ad: {  	s16 =	simm.s32 $0x0  }
0x1ae: {  	[tilespmem:s14], [sflag:$0x2] =	stream.indirect.gather [hbm4b:s2+s26], $0x80, s5, s26, $0xb8;
	[tilespmem:$0x1F720] =	vst v63  }
0x1af: {  	v5 =	vld [tilespmem:s16+$0x100]  }
0x1b0: {  	v6 =	vld [tilespmem:s16+$0x14A0]  }
0x1b1: {  	v7 =	vld [tilespmem:s16+$0x14C0]  }
0x1b2: {  	v8 =	vld [tilespmem:s16+$0x1500]  }
0x1b3: {  	v9 =	vld [tilespmem:s16+$0x110]  }
0x1b4: {  	v10 =	vld [tilespmem:s16+$0x1510]  }
0x1b5: {  	v11 =	vld [tilespmem:s16+$0xA0]  }
0x1b6: {  	v12 =	vld [tilespmem:s16+$0x14B0]  }
0x1b7: {  	v13 =	vld [tilespmem:s16+$0xB0]  }
0x1b8: {  	v14 =	vld [tilespmem:s16+$0xC0]  }
0x1b9: {  	v15 =	vld [tilespmem:s16+$0x14E0]  }
0x1ba: {  	v16 =	vld [tilespmem:s16+$0xE0]  }
0x1bb: {  	v5 =	vmul.f32 v8, v5;
	v8 =	vmul.f32 v10, v9;
	v10 =	vld [tilespmem:s16+$0x14D0]  }
0x1bc: {  	v12 =	vmul.f32 v12, v13;
	v13 =	vld [tilespmem:s16+$0xD0]  }
0x1bd: {  	v6 =	vmul.f32 v6, v11  }
0x1be: {  	v7 =	vmul.f32 v7, v14;
	v9 =	vperm.xlane v5, v1  }
0x1bf: {  	v11 =	vperm.xlane v8, v1;
	v14 =	vperm.xlane v12, v1  }
0x1c0: {  	v16 =	vmul.f32 v15, v16;
	v5 =	vadd.f32 v9, v5;
	v9 =	vperm.xlane v6, v1  }
0x1c1: {  	v8 =	vadd.f32 v11, v8;
	v12 =	vadd.f32 v14, v12;
	v13 =	vmul.f32 v10, v13  }
0x1c2: {  	v11 =	vperm.xlane v5, v2;
	v6 =	vadd.f32 v9, v6;
	v9 =	vperm.xlane v7, v1  }
0x1c3: {  	v14 =	vperm.xlane v8, v2;
	v17 =	vperm.xlane v12, v2  }
0x1c4: {  	v10 =	vld [tilespmem:s16+$0xF0];
	v5 =	vadd.f32 v11, v5;
	v11 =	vperm.xlane v6, v2;
	v7 =	vadd.f32 v9, v7  }
0x1c5: {  	v19 =	vperm.xlane v16, v1;
	v9 =	vld [tilespmem:s16+$0x14F0];
	v8 =	vadd.f32 v14, v8  }
0x1c6: {  	v12 =	vadd.f32 v17, v12;
	v11 =	vadd.f32 v11, v6;
	v6 =	vperm.xlane v7, v2  }
0x1c7: {  	v14 =	vperm.xlane v5, v3;
	v15 =	vperm.xlane v8, v3  }
0x1c8: {  	v18 =	vperm.xlane v12, v3;
	v17 =	vperm.xlane v11, v3  }
0x1c9: {  	v6 =	vadd.f32 v6, v7;
	v7 =	vperm.xlane v13, v1;
	v20 =	vadd.f32 v15, v8  }
0x1ca: {  	v5 =	vadd.f32 v14, v5;
	v10 =	vmul.f32 v9, v10;
	v9 =	vadd.f32 v18, v12  }
0x1cb: {  	v11 =	vadd.f32 v17, v11;
	v8 =	vadd.f32 v7, v13;
	v14 =	vperm.xlane v20, v4  }
0x1cc: {  	v7 =	vadd.f32 v19, v16;
	v16 =	vperm.xlane v10, v1;
	v13 =	vperm.xlane v9, v4  }
0x1cd: {  	s18 =	simm.s32 $0x8CA0;
	s17 =	simm.s32 $0x8CA0;
	s9 =	simm.s32 $0x200;
	v15 =	vperm.xlane v11, v4;
	v12 =	vperm.xlane v8, v2;
	v14 =	vadd.f32 v14, v20  }
.LBB2_12:
0x1ce: {  	p0 =	sne.s32 s9, $0x4E00  }
0x1cf: {  	v11 =	vadd.f32 v15, v11;
	v15 =	vperm.xlane v6, v3;
	v10 =	vadd.f32 v16, v10;
	s18 =	sadd.s32 $0x10, s18;
	s20 =	smov.u32 s9;
	s9 =	sadd.s32 $0x200, s9  }
0x1d0: {  	v9 =	vadd.f32 v13, v9;
	v13 =	vperm.xlane v7, v2;
	v14 =	vmax.f32 v14, $-5.000000000e+00  }
0x1d1: {  	v8 =	vadd.f32 v12, v8;
	v11 =	vmax.f32 v11, $-5.000000000e+00;
	v12 =	vperm.xlane v10, v2  }
0x1d2: {  	v6 =	vadd.f32 v15, v6;
	v11 =	vmin.f32 v11, $5.000000000e+00;
	v7 =	vadd.f32 v13, v7  }
0x1d3: {  	v9 =	vmax.f32 v9, $-5.000000000e+00;
	v13 =	vperm.xlane v8, v3;
	v10 =	vadd.f32 v12, v10  }
0x1d4: {  	v9 =	vmin.f32 v9, $5.000000000e+00;
	v12 =	vperm.xlane v6, v4;
	v15 =	vperm.xlane v7, v3  }
0x1d5: {  	v11 =	vmul.f32 $1.442695020e+00, v11;
	v9 =	vmul.f32 $1.442695020e+00, v9;
	v8 =	vadd.f32 v13, v8  }
0x1d6: {  	v6 =	vadd.f32 v12, v6;
	v12 =	vperm.xlane v10, v3;
	v7 =	vadd.f32 v15, v7  }
0x1d7: {  	v14 =	vmin.f32 v14, $5.000000000e+00;
	v13 =	vperm.xlane v8, v4;
	(erf) = vpow2.f32 v9  }
0x1d8: {  	v6 =	vmax.f32 v6, $-5.000000000e+00;
	v10 =	vadd.f32 v12, v10;
	v9 =	vperm.xlane v7, v4  }
0x1d9: {  	v6 =	vmin.f32 v6, $5.000000000e+00;
	v8 =	vadd.f32 v13, v8;
	(erf) = vpow2.f32 v11  }
0x1da: {  	v6 =	vmul.f32 $1.442695020e+00, v6;
	v7 =	vadd.f32 v9, v7;
	v9 =	vperm.xlane v10, v4  }
0x1db: {  	v12 =	vmul.f32 $1.442695020e+00, v14;
	v11 =	vperm.xlane v5, v4;
	v8 =	vmax.f32 v8, $-5.000000000e+00  }
0x1dc: {  	v13 =	vld [tilespmem:s16+$0x28B0];
	v7 =	vmax.f32 v7, $-5.000000000e+00;
	v9 =	vadd.f32 v9, v10;
	(erf) = vpow2.f32 v6  }
0x1dd: {  	v5 =	vadd.f32 v11, v5;
	v6 =	vmin.f32 v8, $5.000000000e+00;
	v7 =	vmin.f32 v7, $5.000000000e+00  }
0x1de: {  	v6 =	vmul.f32 $1.442695020e+00, v6;
	v7 =	vmul.f32 $1.442695020e+00, v7;
	v8 =	vmax.f32 v9, $-5.000000000e+00  }
0x1df: {  	v5 =	vmax.f32 v5, $-5.000000000e+00;
	v8 =	vmin.f32 v8, $5.000000000e+00;
	(erf) = vpow2.f32 v12  }
0x1e0: {  	s20 =	sshra.s32 s20, $0x2;
	v5 =	vmin.f32 v5, $5.000000000e+00;
	v8 =	vmul.f32 $1.442695020e+00, v8;
	v9 =	vpop (erf);
	(erf) = vpow2.f32 v6  }
0x1e1: {  	v6 =	vmul.f32 v9, v13;
	v10 =	vld [tilespmem:s16+$0x28C0];
	(erf) = vpow2.f32 v7  }
0x1e2: {  	v5 =	vmul.f32 $1.442695020e+00, v5;
	v7 =	vpop (erf);
	(erf) = vpow2.f32 v8  }
0x1e3: {  	v8 =	vnsel vm0, $0x0, v7;
	[tilespmem:s16+$0x78B0] =	vst v6;
	v6 =	vld [tilespmem:s16+$0x2910]  }
0x1e4: {  	v11 =	vld [tilespmem:s16+$0x28A0];
	v8 =	vsel vm1, v8, v9;
	(erf) = vpow2.f32 v5  }
0x1e5: {  	v5 =	vld [tilespmem:s16+$0x28D0];
	v9 =	vpop (erf)  }
0x1e6: {  	v14 =	vmul.f32 v9, v10;
	v12 =	vld [tilespmem:s16+$0x28E0]  }
0x1e7: {  	v13 =	vld [tilespmem:s16+$0x28F0]  }
0x1e8: {  	[tilespmem:s16+$0x78C0] =	vst v14;
	v10 =	vpop (erf)  }
0x1e9: {  	v8 =	vsel vm2, v8, v9;
	v7 =	vmul.f32 v7, v11;
	v9 =	vld [tilespmem:s16+$0x2900];
	v6 =	vmul.f32 v10, v6;
	v11 =	vpop (erf)  }
0x1ea: {  	v5 =	vmul.f32 v11, v5;
	v8 =	vsel vm3, v8, v11;
	v11 =	vpop (erf)  }
0x1eb: {  	[tilespmem:s16+$0x78A0] =	vst v7;
	v12 =	vmul.f32 v11, v12;
	v8 =	vsel vm4, v8, v11;
	v11 =	vpop (erf)  }
0x1ec: {  	[tilespmem:s16+$0x78D0] =	vst v5;
	v5 =	vmul.f32 v11, v13;
	v8 =	vsel vm5, v8, v11  }
0x1ed: {  	[tilespmem:s16+$0x78E0] =	vst v12;
	v7 =	vpop (erf)  }
0x1ee: {  	[tilespmem:s16+$0x78F0] =	vst v5;
	v5 =	vmul.f32 v7, v9;
	v7 =	vsel vm6, v8, v7  }
0x1ef: {  	[tilespmem:s16+$0x7910] =	vst v6;
	v6 =	vsel vm7, v7, v10  }
0x1f0: {  	[tilespmem:s16+$0x7900] =	vst v5;
	s16 =	smov.u32 s20  }
0x1f1: {  	[tilespmem:s17+$0x0] =	vst v6;
	s17 =	smov.u32 s18  }
0x1f2: {  	v5 =	vld [tilespmem:s16+$0x100]  }
0x1f3: {  	v6 =	vld [tilespmem:s16+$0x14A0]  }
0x1f4: {  	v7 =	vld [tilespmem:s16+$0x14C0]  }
0x1f5: {  	v8 =	vld [tilespmem:s16+$0x1500]  }
0x1f6: {  	v9 =	vld [tilespmem:s16+$0x110]  }
0x1f7: {  	v10 =	vld [tilespmem:s16+$0x1510]  }
0x1f8: {  	v11 =	vld [tilespmem:s16+$0xA0]  }
0x1f9: {  	v12 =	vld [tilespmem:s16+$0x14B0]  }
0x1fa: {  	v13 =	vld [tilespmem:s16+$0xB0];
	v5 =	vmul.f32 v8, v5  }
0x1fb: {  	v8 =	vld [tilespmem:s16+$0xC0]  }
0x1fc: {  	v14 =	vperm.xlane v5, v1;
	v9 =	vmul.f32 v10, v9  }
0x1fd: {  	v6 =	vmul.f32 v6, v11;
	v10 =	vld [tilespmem:s16+$0x14D0]  }
0x1fe: {  	v11 =	vld [tilespmem:s16+$0xD0];
	v5 =	vadd.f32 v14, v5;
	v14 =	vperm.xlane v9, v1  }
0x1ff: {  	v12 =	vmul.f32 v12, v13  }
0x200: {  	v13 =	vperm.xlane v6, v1;
	v7 =	vmul.f32 v7, v8  }
0x201: {  	v16 =	vperm.xlane v5, v2;
	v9 =	vadd.f32 v14, v9;
	v8 =	vperm.xlane v12, v1;
	v15 =	vld [tilespmem:s16+$0x14E0]  }
0x202: {  	v6 =	vadd.f32 v13, v6;
	v13 =	vperm.xlane v7, v1;
	v14 =	vld [tilespmem:s16+$0xE0]  }
0x203: {  	v5 =	vadd.f32 v16, v5;
	v8 =	vadd.f32 v8, v12;
	v12 =	vperm.xlane v9, v2  }
0x204: {  	v16 =	vperm.xlane v6, v2;
	v7 =	vadd.f32 v13, v7;
	v13 =	vld [tilespmem:s16+$0x14F0]  }
0x205: {  	v18 =	vmul.f32 v10, v11;
	v17 =	vperm.xlane v8, v2;
	v10 =	vld [tilespmem:s16+$0xF0];
	v9 =	vadd.f32 v12, v9  }
0x206: {  	v11 =	vadd.f32 v16, v6;
	v12 =	vperm.xlane v5, v3;
	v6 =	vperm.xlane v7, v2  }
0x207: {  	v8 =	vadd.f32 v17, v8;
	v14 =	vmul.f32 v15, v14;
	v15 =	vperm.xlane v9, v3  }
0x208: {  	v16 =	vperm.xlane v11, v3;
	v6 =	vadd.f32 v6, v7;
	v7 =	vperm.xlane v18, v1  }
.Ltmp5:
0x209: {  	v17 =	vperm.xlane v8, v3;
	v19 =	vperm.xlane v14, v1;
	v20 =	vadd.f32 v15, v9;
	(pc) =	sbr.rel @p0 .LBB2_12-.Ltmp5, $4  }
0x20a: {  	v5 =	vadd.f32 v12, v5;
	v11 =	vadd.f32 v16, v11;
	v10 =	vmul.f32 v13, v10  }
0x20b: {  	v9 =	vadd.f32 v17, v8;
	v8 =	vadd.f32 v7, v18;
	v17 =	vperm.xlane v20, v4  }
0x20c: {  	v15 =	vperm.xlane v11, v4;
	v7 =	vadd.f32 v19, v14;
	v16 =	vperm.xlane v10, v1  }
0x20d: {  	v13 =	vperm.xlane v9, v4;
	v12 =	vperm.xlane v8, v2;
	v14 =	vadd.f32 v17, v20  }
0x20e: {  	v11 =	vadd.f32 v15, v11;
	v15 =	vperm.xlane v6, v3;
	v10 =	vadd.f32 v16, v10  }
0x20f: {  	v9 =	vadd.f32 v13, v9;
	v13 =	vperm.xlane v7, v2  }
0x210: {  	v8 =	vadd.f32 v12, v8;
	v12 =	vperm.xlane v10, v2;
	v6 =	vadd.f32 v15, v6  }
0x211: {  	v7 =	vadd.f32 v13, v7;
	v9 =	vmax.f32 v9, $-5.000000000e+00  }
0x212: {  	v13 =	vperm.xlane v8, v3;
	v10 =	vadd.f32 v12, v10;
	v12 =	vperm.xlane v6, v4  }
0x213: {  	v14 =	vmax.f32 v14, $-5.000000000e+00;
	v11 =	vmax.f32 v11, $-5.000000000e+00;
	v9 =	vmin.f32 v9, $5.000000000e+00  }
0x214: {  	v15 =	vperm.xlane v7, v3;
	v8 =	vadd.f32 v13, v8;
	v6 =	vadd.f32 v12, v6  }
0x215: {  	v11 =	vmin.f32 v11, $5.000000000e+00;
	v9 =	vmul.f32 $1.442695020e+00, v9;
	v12 =	vperm.xlane v10, v3  }
0x216: {  	v7 =	vadd.f32 v15, v7;
	v13 =	vperm.xlane v8, v4;
	v6 =	vmax.f32 v6, $-5.000000000e+00  }
0x217: {  	(erf) = vpow2.f32 v9;
	v9 =	vmul.f32 $1.442695020e+00, v11;
	v6 =	vmin.f32 v6, $5.000000000e+00  }
0x218: {  	v10 =	vadd.f32 v12, v10;
	v12 =	vperm.xlane v7, v4;
	v6 =	vmul.f32 $1.442695020e+00, v6  }
0x219: {  	v11 =	vmin.f32 v14, $5.000000000e+00;
	v8 =	vadd.f32 v13, v8;
	(erf) = vpow2.f32 v9  }
0x21a: {  	v9 =	vperm.xlane v10, v4;
	v7 =	vadd.f32 v12, v7;
	(erf) = vpow2.f32 v6  }
0x21b: {  	v11 =	vmul.f32 $1.442695020e+00, v11  }
0x21c: {  	v8 =	vmax.f32 v8, $-5.000000000e+00;
	v9 =	vadd.f32 v9, v10;
	v7 =	vmax.f32 v7, $-5.000000000e+00  }
0x21d: {  	v12 =	vperm.xlane v5, v4;
	v6 =	vmin.f32 v8, $5.000000000e+00;
	v7 =	vmin.f32 v7, $5.000000000e+00  }
0x21e: {  	v6 =	vmul.f32 $1.442695020e+00, v6;
	v7 =	vmul.f32 $1.442695020e+00, v7  }
0x21f: {  	v10 =	vld [tilespmem:s16+$0x28C0];
	v5 =	vadd.f32 v12, v5;
	(erf) = vpow2.f32 v11  }
0x220: {  	v8 =	vmax.f32 v9, $-5.000000000e+00;
	v9 =	vpop (erf);
	(erf) = vpow2.f32 v6  }
0x221: {  	v8 =	vmin.f32 v8, $5.000000000e+00;
	v5 =	vmax.f32 v5, $-5.000000000e+00;
	(erf) = vpow2.f32 v7  }
0x222: {  	v8 =	vmul.f32 $1.442695020e+00, v8;
	v5 =	vmin.f32 v5, $5.000000000e+00;
	v7 =	vpop (erf)  }
0x223: {  	v13 =	vld [tilespmem:s16+$0x28B0];
	v5 =	vmul.f32 $1.442695020e+00, v5;
	v11 =	vpop (erf)  }
0x224: {  	(erf) = vpow2.f32 v8;
	v8 =	vld [tilespmem:s16+$0x28A0];
	v10 =	vmul.f32 v11, v10;
	_ =	sdelay $0x1  }
0x225: {  	v12 =	vld [tilespmem:s16+$0x28E0];
	(erf) = vpow2.f32 v5  }
0x226: {  	v5 =	vld [tilespmem:s16+$0x28D0];
	v14 =	vnsel vm0, $0x0, v7  }
0x227: {  	v6 =	vmul.f32 v9, v13;
	[tilespmem:s16+$0x78C0] =	vst v10;
	v10 =	vpop (erf)  }
0x228: {  	v13 =	vld [tilespmem:s16+$0x28F0];
	v7 =	vmul.f32 v7, v8;
	v15 =	vpop (erf)  }
0x229: {  	[tilespmem:s16+$0x78B0] =	vst v6;
	v6 =	vld [tilespmem:s16+$0x2910];
	v9 =	vsel vm1, v14, v9;
	v14 =	vpop (erf)  }
0x22a: {  	v8 =	vld [tilespmem:s16+$0x2900];
	[tilespmem:s16+$0x78A0] =	vst v7;
	v7 =	vmul.f32 v14, v12  }
0x22b: {  	v5 =	vmul.f32 v15, v5  }
0x22c: {  	v9 =	vsel vm2, v9, v11;
	v11 =	vpop (erf)  }
0x22d: {  	v9 =	vsel vm3, v9, v15;
	[tilespmem:s16+$0x78D0] =	vst v5;
	v5 =	vmul.f32 v11, v13  }
0x22e: {  	v6 =	vmul.f32 v10, v6;
	v9 =	vsel vm4, v9, v14;
	[tilespmem:s16+$0x78E0] =	vst v7;
	v7 =	vpop (erf)  }
0x22f: {  	v9 =	vsel vm5, v9, v11;
	[tilespmem:s16+$0x78F0] =	vst v5;
	v5 =	vmul.f32 v7, v8  }
0x230: {  	[tilespmem:s16+$0x7910] =	vst v6;
	v7 =	vsel vm6, v9, v7  }
0x231: {  	v6 =	vsel vm7, v7, v10;
	[tilespmem:s16+$0x7900] =	vst v5  }
0x232: {  	[tilespmem:s17+$0x0] =	vst v6  }
0x233: {  	[spmem:s7] =	stream.indirect.scatter.add.f32 [tilespmem:s21], [sflag:$0x3], $0x80, s26, s26, $0xb8;
	[tilespmem:$0x1F720] =	vst v63  }
0x234: {  	_ =	swait.ge [sflag:s22], $0x1400  }
0x235: {  	[sflag:s22] =	ssyncset.done $0x0  }
0x236: {  	s18 =	simm.s32 $0x8CA0;
	[sflag:s22] =	ssyncadd.s32 $0xFFFFEC00  }
0x237: {  	[spmem:s8] =	stream.indirect.scatter.add.f32 [tilespmem:s18], [sflag:$0x3], $0x10, s26, s26, $0xb8;
	[tilespmem:$0x1F720] =	vst v63  }
0x238: {  	_ =	swait.ge [sflag:s22], $0x280  }
0x239: {  	[sflag:s22] =	ssyncset.done $0x0  }
0x23a: {  	[sflag:s22] =	ssyncadd.s32 $0xFFFFFD80  }
0x23b: {  	_ =	swait.ge [sflag:s15], $0x1400  }
0x23c: {  	[sflag:s15] =	ssyncset.done $0x0  }
0x23d: {  	[sflag:s15] =	ssyncadd.s32 $0xFFFFEC00  }
0x23e: {  	_ =	swait.ge [sflag:s15], $0x1400  }
0x23f: {  	[sflag:s15] =	ssyncset.done $0x0  }
0x240: {  	[sflag:s15] =	ssyncadd.s32 $0xFFFFEC00  }
0x241: {  	_ =	swait.ge [sflag:s15], $0x1400  }
0x242: {  	[sflag:s15] =	ssyncset.done $0x0  }
0x243: {  	s16 =	simm.s32 $0x0;
	[sflag:s15] =	ssyncadd.s32 $0xFFFFEC00  }
0x244: {  	v5 =	vld [tilespmem:s16+$0x3D00]  }
0x245: {  	v6 =	vld [tilespmem:s16+$0x50A0]  }
0x246: {  	v7 =	vld [tilespmem:s16+$0x50C0]  }
0x247: {  	v8 =	vld [tilespmem:s16+$0x5100]  }
0x248: {  	v9 =	vld [tilespmem:s16+$0x3D10]  }
0x249: {  	v10 =	vld [tilespmem:s16+$0x5110]  }
0x24a: {  	v11 =	vld [tilespmem:s16+$0x3CA0]  }
0x24b: {  	v12 =	vld [tilespmem:s16+$0x50B0]  }
0x24c: {  	v13 =	vld [tilespmem:s16+$0x3CB0]  }
0x24d: {  	v14 =	vld [tilespmem:s16+$0x3CC0]  }
0x24e: {  	v15 =	vld [tilespmem:s16+$0x50E0]  }
0x24f: {  	v16 =	vld [tilespmem:s16+$0x3CE0]  }
0x250: {  	v5 =	vmul.f32 v8, v5;
	v8 =	vmul.f32 v10, v9;
	v10 =	vld [tilespmem:s16+$0x50D0]  }
0x251: {  	v12 =	vmul.f32 v12, v13;
	v13 =	vld [tilespmem:s16+$0x3CD0]  }
0x252: {  	v6 =	vmul.f32 v6, v11  }
0x253: {  	v7 =	vmul.f32 v7, v14;
	v9 =	vperm.xlane v5, v1  }
0x254: {  	v11 =	vperm.xlane v8, v1;
	v14 =	vperm.xlane v12, v1  }
0x255: {  	v16 =	vmul.f32 v15, v16;
	v5 =	vadd.f32 v9, v5;
	v9 =	vperm.xlane v6, v1  }
0x256: {  	v8 =	vadd.f32 v11, v8;
	v12 =	vadd.f32 v14, v12;
	v13 =	vmul.f32 v10, v13  }
0x257: {  	v11 =	vperm.xlane v5, v2;
	v6 =	vadd.f32 v9, v6;
	v9 =	vperm.xlane v7, v1  }
0x258: {  	v14 =	vperm.xlane v8, v2;
	v17 =	vperm.xlane v12, v2  }
0x259: {  	v10 =	vld [tilespmem:s16+$0x3CF0];
	v5 =	vadd.f32 v11, v5;
	v11 =	vperm.xlane v6, v2;
	v7 =	vadd.f32 v9, v7  }
0x25a: {  	v19 =	vperm.xlane v16, v1;
	v9 =	vld [tilespmem:s16+$0x50F0];
	v8 =	vadd.f32 v14, v8  }
0x25b: {  	v12 =	vadd.f32 v17, v12;
	v11 =	vadd.f32 v11, v6;
	v6 =	vperm.xlane v7, v2  }
0x25c: {  	v14 =	vperm.xlane v5, v3;
	v15 =	vperm.xlane v8, v3  }
0x25d: {  	v18 =	vperm.xlane v12, v3;
	v17 =	vperm.xlane v11, v3  }
0x25e: {  	v6 =	vadd.f32 v6, v7;
	v7 =	vperm.xlane v13, v1;
	v20 =	vadd.f32 v15, v8  }
0x25f: {  	v5 =	vadd.f32 v14, v5;
	v10 =	vmul.f32 v9, v10;
	v9 =	vadd.f32 v18, v12  }
0x260: {  	v11 =	vadd.f32 v17, v11;
	v8 =	vadd.f32 v7, v13;
	v14 =	vperm.xlane v20, v4  }
0x261: {  	v7 =	vadd.f32 v19, v16;
	v16 =	vperm.xlane v10, v1;
	v13 =	vperm.xlane v9, v4  }
0x262: {  	s9 =	simm.s32 $0x200;
	s17 =	simm.s32 $0x8CA0;
	v15 =	vperm.xlane v11, v4;
	v12 =	vperm.xlane v8, v2;
	v14 =	vadd.f32 v14, v20  }
.LBB2_14:
0x263: {  	p0 =	sne.s32 s9, $0x4E00  }
0x264: {  	v11 =	vadd.f32 v15, v11;
	v15 =	vperm.xlane v6, v3;
	v10 =	vadd.f32 v16, v10;
	s18 =	sadd.s32 $0x10, s18;
	s20 =	smov.u32 s9;
	s9 =	sadd.s32 $0x200, s9  }
0x265: {  	v9 =	vadd.f32 v13, v9;
	v13 =	vperm.xlane v7, v2;
	v14 =	vmax.f32 v14, $-5.000000000e+00  }
0x266: {  	v8 =	vadd.f32 v12, v8;
	v11 =	vmax.f32 v11, $-5.000000000e+00;
	v12 =	vperm.xlane v10, v2  }
0x267: {  	v6 =	vadd.f32 v15, v6;
	v11 =	vmin.f32 v11, $5.000000000e+00;
	v7 =	vadd.f32 v13, v7  }
0x268: {  	v9 =	vmax.f32 v9, $-5.000000000e+00;
	v13 =	vperm.xlane v8, v3;
	v10 =	vadd.f32 v12, v10  }
0x269: {  	v9 =	vmin.f32 v9, $5.000000000e+00;
	v12 =	vperm.xlane v6, v4;
	v15 =	vperm.xlane v7, v3  }
0x26a: {  	v11 =	vmul.f32 $1.442695020e+00, v11;
	v9 =	vmul.f32 $1.442695020e+00, v9;
	v8 =	vadd.f32 v13, v8  }
0x26b: {  	v6 =	vadd.f32 v12, v6;
	v12 =	vperm.xlane v10, v3;
	v7 =	vadd.f32 v15, v7  }
0x26c: {  	v14 =	vmin.f32 v14, $5.000000000e+00;
	v13 =	vperm.xlane v8, v4;
	(erf) = vpow2.f32 v9  }
0x26d: {  	v6 =	vmax.f32 v6, $-5.000000000e+00;
	v10 =	vadd.f32 v12, v10;
	v9 =	vperm.xlane v7, v4  }
0x26e: {  	v6 =	vmin.f32 v6, $5.000000000e+00;
	v8 =	vadd.f32 v13, v8;
	(erf) = vpow2.f32 v11  }
0x26f: {  	v6 =	vmul.f32 $1.442695020e+00, v6;
	v7 =	vadd.f32 v9, v7;
	v9 =	vperm.xlane v10, v4  }
0x270: {  	v12 =	vmul.f32 $1.442695020e+00, v14;
	v11 =	vperm.xlane v5, v4;
	v8 =	vmax.f32 v8, $-5.000000000e+00  }
0x271: {  	v13 =	vld [tilespmem:s16+$0x64B0];
	v7 =	vmax.f32 v7, $-5.000000000e+00;
	v9 =	vadd.f32 v9, v10;
	(erf) = vpow2.f32 v6  }
0x272: {  	v5 =	vadd.f32 v11, v5;
	v6 =	vmin.f32 v8, $5.000000000e+00;
	v7 =	vmin.f32 v7, $5.000000000e+00  }
0x273: {  	v6 =	vmul.f32 $1.442695020e+00, v6;
	v7 =	vmul.f32 $1.442695020e+00, v7;
	v8 =	vmax.f32 v9, $-5.000000000e+00  }
0x274: {  	v5 =	vmax.f32 v5, $-5.000000000e+00;
	v8 =	vmin.f32 v8, $5.000000000e+00;
	(erf) = vpow2.f32 v12  }
0x275: {  	s20 =	sshra.s32 s20, $0x2;
	v5 =	vmin.f32 v5, $5.000000000e+00;
	v8 =	vmul.f32 $1.442695020e+00, v8;
	v9 =	vpop (erf);
	(erf) = vpow2.f32 v6  }
0x276: {  	v6 =	vmul.f32 v9, v13;
	v10 =	vld [tilespmem:s16+$0x64C0];
	(erf) = vpow2.f32 v7  }
0x277: {  	v5 =	vmul.f32 $1.442695020e+00, v5;
	v7 =	vpop (erf);
	(erf) = vpow2.f32 v8  }
0x278: {  	v8 =	vnsel vm0, $0x0, v7;
	[tilespmem:s16+$0x78B0] =	vst v6;
	v6 =	vld [tilespmem:s16+$0x6510]  }
0x279: {  	v11 =	vld [tilespmem:s16+$0x64A0];
	v8 =	vsel vm1, v8, v9;
	(erf) = vpow2.f32 v5  }
0x27a: {  	v5 =	vld [tilespmem:s16+$0x64D0];
	v9 =	vpop (erf)  }
0x27b: {  	v14 =	vmul.f32 v9, v10;
	v12 =	vld [tilespmem:s16+$0x64E0]  }
0x27c: {  	v13 =	vld [tilespmem:s16+$0x64F0]  }
0x27d: {  	[tilespmem:s16+$0x78C0] =	vst v14;
	v10 =	vpop (erf)  }
0x27e: {  	v8 =	vsel vm2, v8, v9;
	v7 =	vmul.f32 v7, v11;
	v9 =	vld [tilespmem:s16+$0x6500];
	v6 =	vmul.f32 v10, v6;
	v11 =	vpop (erf)  }
0x27f: {  	v5 =	vmul.f32 v11, v5;
	v8 =	vsel vm3, v8, v11;
	v11 =	vpop (erf)  }
0x280: {  	[tilespmem:s16+$0x78A0] =	vst v7;
	v12 =	vmul.f32 v11, v12;
	v8 =	vsel vm4, v8, v11;
	v11 =	vpop (erf)  }
0x281: {  	[tilespmem:s16+$0x78D0] =	vst v5;
	v5 =	vmul.f32 v11, v13;
	v8 =	vsel vm5, v8, v11  }
0x282: {  	[tilespmem:s16+$0x78E0] =	vst v12;
	v7 =	vpop (erf)  }
0x283: {  	[tilespmem:s16+$0x78F0] =	vst v5;
	v5 =	vmul.f32 v7, v9;
	v7 =	vsel vm6, v8, v7  }
0x284: {  	[tilespmem:s16+$0x7910] =	vst v6;
	v6 =	vsel vm7, v7, v10  }
0x285: {  	[tilespmem:s16+$0x7900] =	vst v5;
	s16 =	smov.u32 s20  }
0x286: {  	[tilespmem:s17+$0x0] =	vst v6;
	s17 =	smov.u32 s18  }
0x287: {  	v5 =	vld [tilespmem:s16+$0x3D00]  }
0x288: {  	v6 =	vld [tilespmem:s16+$0x50A0]  }
0x289: {  	v7 =	vld [tilespmem:s16+$0x50C0]  }
0x28a: {  	v8 =	vld [tilespmem:s16+$0x5100]  }
0x28b: {  	v9 =	vld [tilespmem:s16+$0x3D10]  }
0x28c: {  	v10 =	vld [tilespmem:s16+$0x5110]  }
0x28d: {  	v11 =	vld [tilespmem:s16+$0x3CA0]  }
0x28e: {  	v12 =	vld [tilespmem:s16+$0x50B0]  }
0x28f: {  	v13 =	vld [tilespmem:s16+$0x3CB0];
	v5 =	vmul.f32 v8, v5  }
0x290: {  	v8 =	vld [tilespmem:s16+$0x3CC0]  }
0x291: {  	v14 =	vperm.xlane v5, v1;
	v9 =	vmul.f32 v10, v9  }
0x292: {  	v6 =	vmul.f32 v6, v11;
	v10 =	vld [tilespmem:s16+$0x50D0]  }
0x293: {  	v11 =	vld [tilespmem:s16+$0x3CD0];
	v5 =	vadd.f32 v14, v5;
	v14 =	vperm.xlane v9, v1  }
0x294: {  	v12 =	vmul.f32 v12, v13  }
0x295: {  	v13 =	vperm.xlane v6, v1;
	v7 =	vmul.f32 v7, v8  }
0x296: {  	v16 =	vperm.xlane v5, v2;
	v9 =	vadd.f32 v14, v9;
	v8 =	vperm.xlane v12, v1;
	v15 =	vld [tilespmem:s16+$0x50E0]  }
0x297: {  	v6 =	vadd.f32 v13, v6;
	v13 =	vperm.xlane v7, v1;
	v14 =	vld [tilespmem:s16+$0x3CE0]  }
0x298: {  	v5 =	vadd.f32 v16, v5;
	v8 =	vadd.f32 v8, v12;
	v12 =	vperm.xlane v9, v2  }
0x299: {  	v16 =	vperm.xlane v6, v2;
	v7 =	vadd.f32 v13, v7;
	v13 =	vld [tilespmem:s16+$0x50F0]  }
0x29a: {  	v18 =	vmul.f32 v10, v11;
	v17 =	vperm.xlane v8, v2;
	v10 =	vld [tilespmem:s16+$0x3CF0];
	v9 =	vadd.f32 v12, v9  }
0x29b: {  	v11 =	vadd.f32 v16, v6;
	v12 =	vperm.xlane v5, v3;
	v6 =	vperm.xlane v7, v2  }
0x29c: {  	v8 =	vadd.f32 v17, v8;
	v14 =	vmul.f32 v15, v14;
	v15 =	vperm.xlane v9, v3  }
0x29d: {  	v16 =	vperm.xlane v11, v3;
	v6 =	vadd.f32 v6, v7;
	v7 =	vperm.xlane v18, v1  }
.Ltmp6:
0x29e: {  	v17 =	vperm.xlane v8, v3;
	v19 =	vperm.xlane v14, v1;
	v20 =	vadd.f32 v15, v9;
	(pc) =	sbr.rel @p0 .LBB2_14-.Ltmp6, $4  }
0x29f: {  	v5 =	vadd.f32 v12, v5;
	v11 =	vadd.f32 v16, v11;
	v10 =	vmul.f32 v13, v10  }
0x2a0: {  	v9 =	vadd.f32 v17, v8;
	v8 =	vadd.f32 v7, v18;
	v17 =	vperm.xlane v20, v4  }
0x2a1: {  	v15 =	vperm.xlane v11, v4;
	v7 =	vadd.f32 v19, v14;
	v16 =	vperm.xlane v10, v1  }
0x2a2: {  	v13 =	vperm.xlane v9, v4;
	v12 =	vperm.xlane v8, v2;
	v14 =	vadd.f32 v17, v20  }
0x2a3: {  	v11 =	vadd.f32 v15, v11;
	v38 =	vperm.xlane v6, v3;
	v10 =	vadd.f32 v16, v10  }
0x2a4: {  	v39 =	vperm.xlane v7, v2;
	v49 =	vperm.xlane v5, v4;
	v9 =	vadd.f32 v13, v9  }
0x2a5: {  	v14 =	vmax.f32 v14, $-5.000000000e+00;
	v8 =	vadd.f32 v12, v8;
	v6 =	vadd.f32 v38, v6  }
0x2a6: {  	v40 =	vperm.xlane v10, v2;
	v7 =	vadd.f32 v39, v7;
	v9 =	vmax.f32 v9, $-5.000000000e+00  }
0x2a7: {  	v41 =	vperm.xlane v8, v3;
	v9 =	vmin.f32 v9, $5.000000000e+00;
	v42 =	vperm.xlane v6, v4  }
0x2a8: {  	v11 =	vmax.f32 v11, $-5.000000000e+00;
	v43 =	vperm.xlane v7, v3;
	v9 =	vmul.f32 $1.442695020e+00, v9  }
0x2a9: {  	v46 =	vmin.f32 v14, $5.000000000e+00;
	v10 =	vadd.f32 v40, v10;
	v8 =	vadd.f32 v41, v8  }
0x2aa: {  	v6 =	vadd.f32 v42, v6;
	v7 =	vadd.f32 v43, v7;
	(erf) = vpow2.f32 v9  }
0x2ab: {  	v11 =	vmin.f32 v11, $5.000000000e+00;
	v44 =	vperm.xlane v10, v3;
	v13 =	vperm.xlane v8, v4  }
0x2ac: {  	v45 =	vmul.f32 $1.442695020e+00, v11;
	v6 =	vmax.f32 v6, $-5.000000000e+00;
	v47 =	vperm.xlane v7, v4  }
0x2ad: {  	v10 =	vadd.f32 v44, v10;
	v8 =	vadd.f32 v13, v8;
	v6 =	vmin.f32 v6, $5.000000000e+00  }
0x2ae: {  	v11 =	vmul.f32 $1.442695020e+00, v46;
	v6 =	vmul.f32 $1.442695020e+00, v6;
	v7 =	vadd.f32 v47, v7  }
0x2af: {  	(erf) = vpow2.f32 v45;
	v48 =	vperm.xlane v10, v4;
	v8 =	vmax.f32 v8, $-5.000000000e+00  }
0x2b0: {  	v7 =	vmax.f32 v7, $-5.000000000e+00;
	(erf) = vpow2.f32 v6;
	v6 =	vmin.f32 v8, $5.000000000e+00  }
0x2b1: {  	v9 =	vadd.f32 v48, v10;
	v7 =	vmin.f32 v7, $5.000000000e+00;
	v6 =	vmul.f32 $1.442695020e+00, v6  }
0x2b2: {  	(erf) = vpow2.f32 v11;
	v7 =	vmul.f32 $1.442695020e+00, v7  }
0x2b3: {  	v5 =	vadd.f32 v49, v5;
	v51 =	vmax.f32 v9, $-5.000000000e+00;
	v52 =	vpop (erf);
	(erf) = vpow2.f32 v6  }
0x2b4: {  	v8 =	vmin.f32 v51, $5.000000000e+00;
	(erf) = vpow2.f32 v7  }
0x2b5: {  	v5 =	vmax.f32 v5, $-5.000000000e+00;
	v8 =	vmul.f32 $1.442695020e+00, v8  }
0x2b6: {  	v50 =	vld [tilespmem:s16+$0x64B0];
	v5 =	vmin.f32 v5, $5.000000000e+00  }
0x2b7: {  	v54 =	vld [tilespmem:s16+$0x64A0];
	v5 =	vmul.f32 $1.442695020e+00, v5;
	(erf) = vpow2.f32 v8  }
0x2b8: {  	v53 =	vld [tilespmem:s16+$0x64C0]  }
0x2b9: {  	v56 =	vld [tilespmem:s16+$0x64E0];
	v7 =	vpop (erf);
	(erf) = vpow2.f32 v5  }
0x2ba: {  	v5 =	vld [tilespmem:s16+$0x64D0];
	v55 =	vpop (erf)  }
0x2bb: {  	v6 =	vmul.f32 v52, v50;
	v58 =	vpop (erf)  }
0x2bc: {  	v57 =	vld [tilespmem:s16+$0x64F0];
	v59 =	vnsel vm0, $0x0, v7;
	v7 =	vmul.f32 v7, v54;
	v61 =	vpop (erf)  }
0x2bd: {  	[tilespmem:s16+$0x78B0] =	vst v6;
	v6 =	vld [tilespmem:s16+$0x6510];
	v62 =	vpop (erf)  }
0x2be: {  	v60 =	vld [tilespmem:s16+$0x6500];
	[tilespmem:s16+$0x78A0] =	vst v7;
	v10 =	vmul.f32 v55, v53;
	v7 =	vmul.f32 v62, v56  }
0x2bf: {  	v9 =	vsel vm1, v59, v52;
	v5 =	vmul.f32 v61, v5  }
0x2c0: {  	v9 =	vsel vm2, v9, v55;
	[tilespmem:s16+$0x78C0] =	vst v10;
	v63 =	vpop (erf)  }
0x2c1: {  	v9 =	vsel vm3, v9, v61;
	[tilespmem:s16+$0x78D0] =	vst v5;
	v5 =	vmul.f32 v63, v57  }
0x2c2: {  	v6 =	vmul.f32 v58, v6;
	v9 =	vsel vm4, v9, v62;
	[tilespmem:s16+$0x78E0] =	vst v7;
	v7 =	vpop (erf)  }
0x2c3: {  	v9 =	vsel vm5, v9, v63;
	[tilespmem:s16+$0x78F0] =	vst v5;
	v5 =	vmul.f32 v7, v60  }
0x2c4: {  	[tilespmem:s16+$0x7910] =	vst v6;
	v7 =	vsel vm6, v9, v7  }
0x2c5: {  	v6 =	vsel vm7, v7, v58;
	[tilespmem:s16+$0x7900] =	vst v5  }
0x2c6: {  	[tilespmem:s17+$0x0] =	vst v6  }
0x2c7: {  	[spmem:s7] =	stream.indirect.scatter.add.f32 [tilespmem:s21], [sflag:$0x3], $0x80, s6, s26, $0xb8;
	[tilespmem:$0x1F720] =	vst v63  }
0x2c8: {  	_ =	swait.ge [sflag:s22], $0x1400  }
0x2c9: {  	[sflag:s22] =	ssyncset.done $0x0  }
0x2ca: {  	[sflag:s22] =	ssyncadd.s32 $0xFFFFEC00  }
0x2cb: {  	[spmem:s8] =	stream.indirect.scatter.add.f32 [tilespmem:s23], [sflag:$0x3], $0x10, s6, s26, $0xb8;
	[tilespmem:$0x1F720] =	vst v63  }
0x2cc: {  	_ =	swait.ge [sflag:s22], $0x280  }
0x2cd: {  	[sflag:s22] =	ssyncset.done $0x0  }
0x2ce: {  	[sflag:s22] =	ssyncadd.s32 $0xFFFFFD80  }
0x2cf: {  	s9 =	stileid.u32;
	[bflag:$0x0] =	sbarrier.arrive $0xFFFF  }
0x2d0: {  	s9 =	sshll.u32 s9, $0x6;
	s18 =	rddreg [dreg:$0xf]  }
0x2d1: {  	s9 =	sor.u32 $0x1C03, s9;
	s20 =	rddreg [dreg:$0x13]  }
0x2d2: {  	[hbm:s18], [sflag:s9] =	dma.local [spmem:s20], $0x2800  }
0x2d3: {  	_ =	swait.ge [sflag:s22], $0x2800  }
0x2d4: {  	[sflag:s22] =	ssyncset.done $0x0;
	s24 =	rddreg [dreg:$0x10]  }
0x2d5: {  	s25 =	rddreg [dreg:$0x14];
	[sflag:s22] =	ssyncadd.s32 $0xFFFFD800  }
0x2d6: {  	[hbm:s24], [sflag:s9] =	dma.local [spmem:s25], $0x500  }
0x2d7: {  	_ =	swait.ge [sflag:s22], $0x500  }
0x2d8: {  	s18 =	rddreg [dreg:$0xa]  }
0x2d9: {  	s28 =	rddreg [dreg:$0x11];
	s18 =	sadd.s32 $0x1, s18  }
0x2da: {  	p0 =	sne.s32 s18, s28  }
.Ltmp7:
0x2db: {  	_ = 	snop;
	(pc) =	sbr.rel @p0 .LBB2_1-.Ltmp7, $3  }
0x2dc: {  	_ =	sdelay $0x1  }
0x2dd: {  	[sflag:s22] =	ssyncset.done $0x0  }
0x2de: {  	[sflag:s22] =	ssyncadd.s32 $0xFFFFFB00  }
0x2df: {  	_ =	sfence.sel $0x180000  }
0x2e0: {  	[bflag:$0x0] =	sbarrier.arrive $0xFFFF  }
0x2e1: {  	_ =	strace $0x90000047  }
0x2e2: {  	s0 =	stileid.u32;
	[bflag:$0x2] =	sbarrier.arrive $0xFFFF  }
0x2e3: {  	p0 =	sne.s32 s0, $0x0;
	s0 =	rddreg [dreg:$0x9]  }
0x2e4: {  	s0 =	sadd.s32 @!p0 $0x100000, s0  }
0x2e5: {  	[sflag:s0] =	ssyncadd.tile.s32 @!p0 $0x1;
	_ =	shalt  }
.Lfunc_end2:
_tile_overlayer_lowered:
.L_overlay_start_2:
0x2e6: {  	(tag) =	ssettag $0x2  }
0x2e7: {  	s0 =	rddreg [dreg:$0x0];
	s2 =	stileid.u32  }
0x2e8: {  	s1 =	rddreg [dreg:$0x1];
	p0 =	sne.s32 s2, $0x0  }
0x2e9: {  	s3 =	rddreg [dreg:$0x2];
	[bflag:$0x3] =	sbarrier.arrive $0xFFFF;
	s2 =	simm.s32 @!p0 $0x1C03  }
0x2ea: {  	[timem:s3], [sflag:s2] =	dma.local @!p0 [hbm:s0], s1  }
0x2eb: {  	s0 =	simm.s32 @!p0 $0x3  }
0x2ec: {  	_ =	swait.ge @!p0 [sflag:s0], s1  }
0x2ed: {  	s1 =	ssub.s32 @!p0 $0x0, s1;
	[sflag:s0] =	ssyncset.done @!p0 $0x0  }
0x2ee: {  	[sflag:s0] =	ssyncadd.s32 @!p0 s1  }
0x2ef: {  	[bflag:$0x3] =	sbarrier.arrive $0xFFFF  }
0x2f0: {  	_ =	shalt  }

</sc_bundles>
